<compile_context>
chip_gen: v7x
topology: tpu7x:2x2x1
jax: 0.10.2.dev20260603
libtpu: 0.0.44.dev20260713+nightly
codegen_flags: <defaults>
</compile_context>

<pallas_src>
import functools

import jax
import jax.numpy as jnp
from jax import lax
from jax.experimental import pallas as pl
from jax.experimental.pallas import tpu as pltpu
from jax.experimental.pallas import tpu_sc as plsc

B, N = 64, 8192
NCHUNK = 2
KSEL = 256
L = 16
NC, NS = 2, 16
NW = NC * NS
ROWS_PER_W = B // NW
NV = N // L
CV = NV // NCHUNK
CN = N // NCHUNK
NBINS = 256
NBV = NBINS // L
MSB = -2147483648


def _splat(v, dtype=jnp.int32):
    return jnp.full((L,), v, dtype)


def _thresholds(x_ref, cbuf_ref, hists, cntges, wait_chunk):
    ones = _splat(1)
    zeros = _splat(0)
    offs = tuple(r * N for r in range(ROWS_PER_W))

    def biased_key(sl):
        b = lax.bitcast_convert_type(x_ref[sl], jnp.int32)
        flip = jnp.right_shift(b, _splat(31)) | _splat(MSB)
        return b ^ flip

    def zero_hists():
        @plsc.parallel_loop(0, NBV, unroll=4)
        def _(j):
            for h in hists:
                h[pl.ds(j * L, L)] = zeros

    def select(krems):
        def sb(j, carry):
            sufs, nms = carry
            i = (NBV - 1) - j
            sl = pl.ds(i * L, L)
            new_sufs, new_nms = [], []
            for r in range(ROWS_PER_W):
                h = hists[r][sl]
                hrev = lax.rev(h, (0,))
                cgrev = plsc.cumsum(hrev) + sufs[r]
                cg = lax.rev(cgrev, (0,))
                cntges[r][sl] = cg
                new_nms.append(
                    nms[r] + plsc.all_reduce_population_count(cg >= krems[r]))
                new_sufs.append(sufs[r] + jnp.broadcast_to(jnp.sum(h), (L,)))
            return tuple(new_sufs), tuple(new_nms)

        init = ((zeros,) * ROWS_PER_W, (zeros,) * ROWS_PER_W)
        _, nms = lax.fori_loop(0, NBV, sb, init)
        out = []
        for r in range(ROWS_PER_W):
            tstar = nms[r] - ones
            h_t = plsc.load_gather(hists[r], [tstar])
            cg_t = plsc.load_gather(cntges[r], [tstar])
            out.append((tstar, cg_t - h_t))
        return out

    zero_hists()

    for c in range(NCHUNK):
        wait_chunk(c)

        @plsc.parallel_loop(c * CV, (c + 1) * CV, unroll=4)
        def _(i):
            for r in range(ROWS_PER_W):
                u = biased_key(pl.ds(offs[r] + i * L, L))
                bucket = lax.shift_right_logical(u, _splat(24))
                plsc.addupdate_scatter(hists[r], [bucket], ones)

    krems = [_splat(KSEL)] * ROWS_PER_W
    sel = select(krems)
    prefixes = [s[0] for s in sel]
    krems = [krems[r] - sel[r][1] for r in range(ROWS_PER_W)]

    zero_hists()

    def p1(i, cnts, prefixes=tuple(prefixes)):
        new_cnts = []
        for r in range(ROWS_PER_W):
            u = biased_key(pl.ds(offs[r] + i * L, L))
            pref = lax.shift_right_logical(u, _splat(24))
            m = pref == prefixes[r]
            bucket = lax.shift_right_logical(u, _splat(16)) & _splat(0xFF)
            plsc.addupdate_scatter(hists[r], [bucket], ones, mask=m)
            pos = plsc.cumsum(m.astype(jnp.int32)) - ones + cnts[r]
            plsc.store_scatter(cbuf_ref.at[pl.ds(offs[r], N)], [pos], u,
                               mask=m)
            new_cnts.append(cnts[r] + plsc.all_reduce_population_count(m))
        return tuple(new_cnts)

    cnts = plsc.parallel_loop(0, NV, unroll=4,
                              carry=(zeros,) * ROWS_PER_W)(p1)
    sel = select(krems)
    prefixes = [
        lax.shift_left(prefixes[r], _splat(8)) | sel[r][0]
        for r in range(ROWS_PER_W)
    ]
    krems = [krems[r] - sel[r][1] for r in range(ROWS_PER_W)]

    maxcnt = jnp.max(jnp.maximum(cnts[0], cnts[1]))
    nvc = jnp.right_shift(maxcnt + 15, 4)
    lane = jnp.arange(L, dtype=jnp.int32)
    for p in range(2, 4):
        shift = 24 - 8 * p

        zero_hists()

        def hp(i, shift=shift, prefixes=tuple(prefixes)):
            for r in range(ROWS_PER_W):
                u = cbuf_ref[pl.ds(offs[r] + i * L, L)]
                valid = (lane + i * L) < cnts[r]
                pref = lax.shift_right_logical(u, _splat(shift + 8))
                m = valid & (pref == prefixes[r])
                bucket = (lax.shift_right_logical(u, _splat(shift))
                          & _splat(0xFF))
                plsc.addupdate_scatter(hists[r], [bucket], ones, mask=m)

        plsc.parallel_loop(0, nvc, unroll=4)(hp)
        sel = select(krems)
        prefixes = [
            lax.shift_left(prefixes[r], _splat(8)) | sel[r][0]
            for r in range(ROWS_PER_W)
        ]
        krems = [krems[r] - sel[r][1] for r in range(ROWS_PER_W)]

    thrs = []
    for r in range(ROWS_PER_W):
        u = prefixes[r]
        flip2 = jnp.right_shift(~u, _splat(31)) | _splat(MSB)
        thrs.append(lax.bitcast_convert_type(u ^ flip2, jnp.float32))
    return thrs


_MESH = plsc.VectorSubcoreMesh(core_axis_name="c", subcore_axis_name="s")


@functools.partial(
    pl.kernel,
    out_type=jax.ShapeDtypeStruct((B, N), jnp.float32),
    mesh=_MESH,
    compiler_params=pltpu.CompilerParams(needs_layout_passes=False),
    scratch_types=[
        pltpu.VMEM((ROWS_PER_W * N,), jnp.float32),
        pltpu.VMEM((ROWS_PER_W * N,), jnp.int32),
        pltpu.VMEM((NBINS,), jnp.int32),
        pltpu.VMEM((NBINS,), jnp.int32),
        pltpu.VMEM((NBINS,), jnp.int32),
        pltpu.VMEM((NBINS,), jnp.int32),
        pltpu.SemaphoreType.DMA((NCHUNK,)),
        pltpu.SemaphoreType.DMA((NCHUNK,)),
    ],
)
def _sparsify(x_hbm, out_hbm, x_v, cbuf_v, hist0, hist1, cg0, cg1, sem_in,
              sem_out):
    wid = lax.axis_index("s") * NC + lax.axis_index("c")
    base = wid * ROWS_PER_W
    in_copies = [
        [
            pltpu.async_copy(
                x_hbm.at[base + r, pl.ds(c * CN, CN)],
                x_v.at[pl.ds(r * N + c * CN, CN)],
                sem_in.at[c],
            )
            for r in range(ROWS_PER_W)
        ]
        for c in range(NCHUNK)
    ]

    def wait_chunk(c):
        for cp in in_copies[c]:
            cp.wait()

    fzero = _splat(0.0, jnp.float32)
    thrs = _thresholds(x_v, cbuf_v, (hist0, hist1), (cg0, cg1), wait_chunk)

    out_copies = []
    for c in range(NCHUNK):
        @plsc.parallel_loop(c * CV, (c + 1) * CV, unroll=4)
        def _(i):
            for r in range(ROWS_PER_W):
                sl = pl.ds(r * N + i * L, L)
                xv = x_v[sl]
                x_v[sl] = jnp.where(xv >= thrs[r], xv, fzero)

        out_copies += [
            pltpu.async_copy(
                x_v.at[pl.ds(r * N + c * CN, CN)],
                out_hbm.at[base + r, pl.ds(c * CN, CN)],
                sem_out.at[c],
            )
            for r in range(ROWS_PER_W)
        ]
    for cp in out_copies:
        cp.wait()


def kernel(x):
    return _sparsify(x)

# --- scband reference (transcript-rebuilt; emitter-appended) ---
"""Pipeline reference for scband-sparsify1-d-7627861918121 (READ-ONLY COPY).

The authoritative reference and input builder live on the scoring server;
editing this copy changes nothing except your own understanding.
"""

import jax, jax.numpy as jnp
import numpy as np

K = 256  # numOnBits from init_kwargs

def setup_inputs(seed: int = 0) -> dict:
    key = jax.random.key(seed)
    x = jax.random.normal(key, (64, 8192), dtype=jnp.float32)
    return {"x": x}

def reference(x):
    # tmpx = x.view(B, -1)
    tmpx = x.reshape(x.shape[0], -1)
    # k-th largest value per row (threshold)
    topval = jax.lax.top_k(tmpx, K)[0][:, -1]
    # broadcast threshold back to x's shape (repeat/permute/view_as in torch)
    topval_full = jnp.broadcast_to(topval[:, None], tmpx.shape).reshape(x.shape)
    comp = (x >= topval_full).astype(x.dtype)
    return comp * x

if __name__ == "__main__":
    import jax
    _d = setup_inputs()
    print(jax.jit(kernel)(*tuple(_d.values())))

</pallas_src>

<mosaic_0001>
#map = affine_map<(d0, d1) -> (0, 0)>
module attributes {stable_mosaic.version = 14 : i64} {
  func.func @_sparsify(%arg0: i32, %arg1: i32, %arg2: memref<64x8192xf32, #tpu.memory_space<hbm>>, %arg3: memref<64x8192xf32, #tpu.memory_space<hbm>>, %arg4: memref<16384xf32, #tpu.memory_space<vmem>>, %arg5: memref<16384xi32, #tpu.memory_space<vmem>>, %arg6: memref<256xi32, #tpu.memory_space<vmem>>, %arg7: memref<256xi32, #tpu.memory_space<vmem>>, %arg8: memref<256xi32, #tpu.memory_space<vmem>>, %arg9: memref<256xi32, #tpu.memory_space<vmem>>, %arg10: memref<2x!tpu.dma_semaphore, #tpu.memory_space<semaphore_mem>>, %arg11: memref<2x!tpu.dma_semaphore, #tpu.memory_space<semaphore_mem>>) attributes {dimension_semantics = [#tpu.dimension_semantics<core_parallel>, #tpu.dimension_semantics<subcore_parallel>], iteration_bounds = array<i64: 2, 16>, scalar_prefetch = 0 : i64, scratch_operands = 8 : i64, tpu.core_type = #tpu.core_type<sc_vector_subcore>, window_params = [{transform_indices = #map}, {transform_indices = #map}]} {
    %mul3A = arith.constant 2 : i32
    %mul3A_0 = arith.muli %arg1, %mul3A : i32
    %add3A = arith.addi %mul3A_0, %arg0 : i32
    %mul3A_1 = arith.constant 2 : i32
    %mul3A_2 = arith.muli %add3A, %mul3A_1 : i32
    %add3A_3 = arith.constant 0 : i32
    %add3A_4 = arith.addi %mul3A_2, %add3A_3 : i32
    %dma_start3A = arith.constant 0 : i32
    %dma_start3A_5 = arith.constant 0 : i32
    %dma_start3A_6 = tpu.memref_slice %arg4[%dma_start3A_5] : memref<16384xf32, #tpu.memory_space<vmem>> -> memref<4096xf32, #tpu.memory_space<vmem>>
    %dma_start3A_7 = arith.constant 0 : i32
    %dma_start3A_8 = tpu.memref_slice %arg2[%add3A_4, %dma_start3A_7] : memref<64x8192xf32, #tpu.memory_space<hbm>> -> memref<1x4096xf32, #tpu.memory_space<hbm>>
    %dma_start3A_9 = tpu.memref_squeeze %dma_start3A_8 : memref<1x4096xf32, #tpu.memory_space<hbm>> -> memref<4096xf32, #tpu.memory_space<hbm>>
    %dma_start3A_10 = tpu.memref_slice %arg10[%dma_start3A] : memref<2x!tpu.dma_semaphore, #tpu.memory_space<semaphore_mem>> -> memref<1x!tpu.dma_semaphore, #tpu.memory_space<semaphore_mem>>
    %dma_start3A_11 = tpu.memref_squeeze %dma_start3A_10 : memref<1x!tpu.dma_semaphore, #tpu.memory_space<semaphore_mem>> -> memref<!tpu.dma_semaphore, #tpu.memory_space<semaphore_mem>>
    %dma_start3A_12 = arith.constant 0 : i32
    %dma_start3A_13 = tpu.memref_slice %arg4[%dma_start3A_12] : memref<16384xf32, #tpu.memory_space<vmem>> -> memref<4096xf32, #tpu.memory_space<vmem>>
    %dma_start3A_14 = arith.constant 0 : i32
    %dma_start3A_15 = tpu.memref_slice %arg2[%add3A_4, %dma_start3A_14] : memref<64x8192xf32, #tpu.memory_space<hbm>> -> memref<1x4096xf32, #tpu.memory_space<hbm>>
    %dma_start3A_16 = tpu.memref_squeeze %dma_start3A_15 : memref<1x4096xf32, #tpu.memory_space<hbm>> -> memref<4096xf32, #tpu.memory_space<hbm>>
    tpu.enqueue_dma source(%dma_start3A_16 : memref<4096xf32, #tpu.memory_space<hbm>>) target(%dma_start3A_13 : memref<4096xf32, #tpu.memory_space<vmem>>) target_semaphore(%dma_start3A_11 : memref<!tpu.dma_semaphore, #tpu.memory_space<semaphore_mem>>)
    %add3A_17 = arith.constant 1 : i32
    %add3A_18 = arith.addi %mul3A_2, %add3A_17 : i32
    %dma_start3A_19 = arith.constant 0 : i32
    %dma_start3A_20 = arith.constant 8192 : i32
    %dma_start3A_21 = tpu.memref_slice %arg4[%dma_start3A_20] : memref<16384xf32, #tpu.memory_space<vmem>> -> memref<4096xf32, #tpu.memory_space<vmem>>
    %dma_start3A_22 = arith.constant 0 : i32
    %dma_start3A_23 = tpu.memref_slice %arg2[%add3A_18, %dma_start3A_22] : memref<64x8192xf32, #tpu.memory_space<hbm>> -> memref<1x4096xf32, #tpu.memory_space<hbm>>
    %dma_start3A_24 = tpu.memref_squeeze %dma_start3A_23 : memref<1x4096xf32, #tpu.memory_space<hbm>> -> memref<4096xf32, #tpu.memory_space<hbm>>
    %dma_start3A_25 = tpu.memref_slice %arg10[%dma_start3A_19] : memref<2x!tpu.dma_semaphore, #tpu.memory_space<semaphore_mem>> -> memref<1x!tpu.dma_semaphore, #tpu.memory_space<semaphore_mem>>
    %dma_start3A_26 = tpu.memref_squeeze %dma_start3A_25 : memref<1x!tpu.dma_semaphore, #tpu.memory_space<semaphore_mem>> -> memref<!tpu.dma_semaphore, #tpu.memory_space<semaphore_mem>>
    %dma_start3A_27 = arith.constant 8192 : i32
    %dma_start3A_28 = tpu.memref_slice %arg4[%dma_start3A_27] : memref<16384xf32, #tpu.memory_space<vmem>> -> memref<4096xf32, #tpu.memory_space<vmem>>
    %dma_start3A_29 = arith.constant 0 : i32
    %dma_start3A_30 = tpu.memref_slice %arg2[%add3A_18, %dma_start3A_29] : memref<64x8192xf32, #tpu.memory_space<hbm>> -> memref<1x4096xf32, #tpu.memory_space<hbm>>
    %dma_start3A_31 = tpu.memref_squeeze %dma_start3A_30 : memref<1x4096xf32, #tpu.memory_space<hbm>> -> memref<4096xf32, #tpu.memory_space<hbm>>
    tpu.enqueue_dma source(%dma_start3A_31 : memref<4096xf32, #tpu.memory_space<hbm>>) target(%dma_start3A_28 : memref<4096xf32, #tpu.memory_space<vmem>>) target_semaphore(%dma_start3A_26 : memref<!tpu.dma_semaphore, #tpu.memory_space<semaphore_mem>>)
    %add3A_32 = arith.constant 0 : i32
    %add3A_33 = arith.addi %mul3A_2, %add3A_32 : i32
    %dma_start3A_34 = arith.constant 1 : i32
    %dma_start3A_35 = arith.constant 4096 : i32
    %dma_start3A_36 = tpu.memref_slice %arg4[%dma_start3A_35] : memref<16384xf32, #tpu.memory_space<vmem>> -> memref<4096xf32, #tpu.memory_space<vmem>>
    %dma_start3A_37 = arith.constant 4096 : i32
    %dma_start3A_38 = tpu.memref_slice %arg2[%add3A_33, %dma_start3A_37] : memref<64x8192xf32, #tpu.memory_space<hbm>> -> memref<1x4096xf32, #tpu.memory_space<hbm>>
    %dma_start3A_39 = tpu.memref_squeeze %dma_start3A_38 : memref<1x4096xf32, #tpu.memory_space<hbm>> -> memref<4096xf32, #tpu.memory_space<hbm>>
    %dma_start3A_40 = tpu.memref_slice %arg10[%dma_start3A_34] : memref<2x!tpu.dma_semaphore, #tpu.memory_space<semaphore_mem>> -> memref<1x!tpu.dma_semaphore, #tpu.memory_space<semaphore_mem>>
    %dma_start3A_41 = tpu.memref_squeeze %dma_start3A_40 : memref<1x!tpu.dma_semaphore, #tpu.memory_space<semaphore_mem>> -> memref<!tpu.dma_semaphore, #tpu.memory_space<semaphore_mem>>
    %dma_start3A_42 = arith.constant 4096 : i32
    %dma_start3A_43 = tpu.memref_slice %arg4[%dma_start3A_42] : memref<16384xf32, #tpu.memory_space<vmem>> -> memref<4096xf32, #tpu.memory_space<vmem>>
    %dma_start3A_44 = arith.constant 4096 : i32
    %dma_start3A_45 = tpu.memref_slice %arg2[%add3A_33, %dma_start3A_44] : memref<64x8192xf32, #tpu.memory_space<hbm>> -> memref<1x4096xf32, #tpu.memory_space<hbm>>
    %dma_start3A_46 = tpu.memref_squeeze %dma_start3A_45 : memref<1x4096xf32, #tpu.memory_space<hbm>> -> memref<4096xf32, #tpu.memory_space<hbm>>
    tpu.enqueue_dma source(%dma_start3A_46 : memref<4096xf32, #tpu.memory_space<hbm>>) target(%dma_start3A_43 : memref<4096xf32, #tpu.memory_space<vmem>>) target_semaphore(%dma_start3A_41 : memref<!tpu.dma_semaphore, #tpu.memory_space<semaphore_mem>>)
    %add3A_47 = arith.constant 1 : i32
    %add3A_48 = arith.addi %mul3A_2, %add3A_47 : i32
    %dma_start3A_49 = arith.constant 1 : i32
    %dma_start3A_50 = arith.constant 12288 : i32
    %dma_start3A_51 = tpu.memref_slice %arg4[%dma_start3A_50] : memref<16384xf32, #tpu.memory_space<vmem>> -> memref<4096xf32, #tpu.memory_space<vmem>>
    %dma_start3A_52 = arith.constant 4096 : i32
    %dma_start3A_53 = tpu.memref_slice %arg2[%add3A_48, %dma_start3A_52] : memref<64x8192xf32, #tpu.memory_space<hbm>> -> memref<1x4096xf32, #tpu.memory_space<hbm>>
    %dma_start3A_54 = tpu.memref_squeeze %dma_start3A_53 : memref<1x4096xf32, #tpu.memory_space<hbm>> -> memref<4096xf32, #tpu.memory_space<hbm>>
    %dma_start3A_55 = tpu.memref_slice %arg10[%dma_start3A_49] : memref<2x!tpu.dma_semaphore, #tpu.memory_space<semaphore_mem>> -> memref<1x!tpu.dma_semaphore, #tpu.memory_space<semaphore_mem>>
    %dma_start3A_56 = tpu.memref_squeeze %dma_start3A_55 : memref<1x!tpu.dma_semaphore, #tpu.memory_space<semaphore_mem>> -> memref<!tpu.dma_semaphore, #tpu.memory_space<semaphore_mem>>
    %dma_start3A_57 = arith.constant 12288 : i32
    %dma_start3A_58 = tpu.memref_slice %arg4[%dma_start3A_57] : memref<16384xf32, #tpu.memory_space<vmem>> -> memref<4096xf32, #tpu.memory_space<vmem>>
    %dma_start3A_59 = arith.constant 4096 : i32
    %dma_start3A_60 = tpu.memref_slice %arg2[%add3A_48, %dma_start3A_59] : memref<64x8192xf32, #tpu.memory_space<hbm>> -> memref<1x4096xf32, #tpu.memory_space<hbm>>
    %dma_start3A_61 = tpu.memref_squeeze %dma_start3A_60 : memref<1x4096xf32, #tpu.memory_space<hbm>> -> memref<4096xf32, #tpu.memory_space<hbm>>
    tpu.enqueue_dma source(%dma_start3A_61 : memref<4096xf32, #tpu.memory_space<hbm>>) target(%dma_start3A_58 : memref<4096xf32, #tpu.memory_space<vmem>>) target_semaphore(%dma_start3A_56 : memref<!tpu.dma_semaphore, #tpu.memory_space<semaphore_mem>>)
    %broadcast_in_dim3A = arith.constant 0.000000e+00 : f32
    %broadcast_in_dim3A_62 = vector.broadcast %broadcast_in_dim3A : f32 to vector<16xf32>
    %broadcast_in_dim3A_63 = arith.constant 1 : i32
    %broadcast_in_dim3A_64 = vector.broadcast %broadcast_in_dim3A_63 : i32 to vector<16xi32>
    %broadcast_in_dim3A_65 = arith.constant 0 : i32
    %broadcast_in_dim3A_66 = vector.broadcast %broadcast_in_dim3A_65 : i32 to vector<16xi32>
    %parallel_loop3A = arith.constant 0 : i32
    %parallel_loop3A_67 = arith.constant 16 : i32
    %parallel_loop3A_68 = arith.constant 1 : i32
    scf.for %parallel_loop3A_373 = %parallel_loop3A to %parallel_loop3A_67 step %parallel_loop3A_68  : i32 {
      %parallel_loop3A_374 = arith.constant 16 : i32
      %parallel_loop3A_375 = arith.muli %parallel_loop3A_373, %parallel_loop3A_374 : i32
      %parallel_loop3A_376 = arith.index_cast %parallel_loop3A_375 : i32 to index
      %parallel_loop3A_377 = tpu.vector_load %arg6[%parallel_loop3A_376] {strides = array<i32>} : memref<256xi32, #tpu.memory_space<vmem>>, vector<16xi32>,
      tpu.vector_store %arg6[%parallel_loop3A_376], %broadcast_in_dim3A_66 {strides = array<i32>} : memref<256xi32, #tpu.memory_space<vmem>>, vector<16xi32>,
      %parallel_loop3A_378 = arith.constant 16 : i32
      %parallel_loop3A_379 = arith.muli %parallel_loop3A_373, %parallel_loop3A_378 : i32
      %parallel_loop3A_380 = arith.index_cast %parallel_loop3A_379 : i32 to index
      %parallel_loop3A_381 = tpu.vector_load %arg7[%parallel_loop3A_380] {strides = array<i32>} : memref<256xi32, #tpu.memory_space<vmem>>, vector<16xi32>,
      tpu.vector_store %arg7[%parallel_loop3A_380], %broadcast_in_dim3A_66 {strides = array<i32>} : memref<256xi32, #tpu.memory_space<vmem>>, vector<16xi32>,
    } {sc.loop_unroll_factor = 4 : i64, sc.parallel_access}
    %dma_wait3A = arith.constant 0 : i32
    %dma_wait3A_69 = arith.constant 0 : i32
    %dma_wait3A_70 = tpu.memref_slice %arg4[%dma_wait3A_69] : memref<16384xf32, #tpu.memory_space<vmem>> -> memref<4096xf32, #tpu.memory_space<vmem>>
    %dma_wait3A_71 = arith.constant 0 : i32
    %dma_wait3A_72 = tpu.memref_slice %arg2[%add3A_4, %dma_wait3A_71] : memref<64x8192xf32, #tpu.memory_space<hbm>> -> memref<1x4096xf32, #tpu.memory_space<hbm>>
    %dma_wait3A_73 = tpu.memref_squeeze %dma_wait3A_72 : memref<1x4096xf32, #tpu.memory_space<hbm>> -> memref<4096xf32, #tpu.memory_space<hbm>>
    %dma_wait3A_74 = tpu.memref_slice %arg10[%dma_wait3A] : memref<2x!tpu.dma_semaphore, #tpu.memory_space<semaphore_mem>> -> memref<1x!tpu.dma_semaphore, #tpu.memory_space<semaphore_mem>>
    %dma_wait3A_75 = tpu.memref_squeeze %dma_wait3A_74 : memref<1x!tpu.dma_semaphore, #tpu.memory_space<semaphore_mem>> -> memref<!tpu.dma_semaphore, #tpu.memory_space<semaphore_mem>>
    %dma_wait3A_76 = arith.constant 0 : i32
    %dma_wait3A_77 = tpu.memref_slice %arg4[%dma_wait3A_76] : memref<16384xf32, #tpu.memory_space<vmem>> -> memref<4096xf32, #tpu.memory_space<vmem>>
    %dma_wait3A_78 = arith.constant 0 : i32
    %dma_wait3A_79 = tpu.memref_slice %arg2[%add3A_4, %dma_wait3A_78] : memref<64x8192xf32, #tpu.memory_space<hbm>> -> memref<1x4096xf32, #tpu.memory_space<hbm>>
    %dma_wait3A_80 = tpu.memref_squeeze %dma_wait3A_79 : memref<1x4096xf32, #tpu.memory_space<hbm>> -> memref<4096xf32, #tpu.memory_space<hbm>>
    tpu.wait_dma2 semaphore(%dma_wait3A_75 : memref<!tpu.dma_semaphore, #tpu.memory_space<semaphore_mem>>) src(%dma_wait3A_80 : memref<4096xf32, #tpu.memory_space<hbm>>) dst(%dma_wait3A_77 : memref<4096xf32, #tpu.memory_space<vmem>>)
    %dma_wait3A_81 = arith.constant 0 : i32
    %dma_wait3A_82 = arith.constant 8192 : i32
    %dma_wait3A_83 = tpu.memref_slice %arg4[%dma_wait3A_82] : memref<16384xf32, #tpu.memory_space<vmem>> -> memref<4096xf32, #tpu.memory_space<vmem>>
    %dma_wait3A_84 = arith.constant 0 : i32
    %dma_wait3A_85 = tpu.memref_slice %arg2[%add3A_18, %dma_wait3A_84] : memref<64x8192xf32, #tpu.memory_space<hbm>> -> memref<1x4096xf32, #tpu.memory_space<hbm>>
    %dma_wait3A_86 = tpu.memref_squeeze %dma_wait3A_85 : memref<1x4096xf32, #tpu.memory_space<hbm>> -> memref<4096xf32, #tpu.memory_space<hbm>>
    %dma_wait3A_87 = tpu.memref_slice %arg10[%dma_wait3A_81] : memref<2x!tpu.dma_semaphore, #tpu.memory_space<semaphore_mem>> -> memref<1x!tpu.dma_semaphore, #tpu.memory_space<semaphore_mem>>
    %dma_wait3A_88 = tpu.memref_squeeze %dma_wait3A_87 : memref<1x!tpu.dma_semaphore, #tpu.memory_space<semaphore_mem>> -> memref<!tpu.dma_semaphore, #tpu.memory_space<semaphore_mem>>
    %dma_wait3A_89 = arith.constant 8192 : i32
    %dma_wait3A_90 = tpu.memref_slice %arg4[%dma_wait3A_89] : memref<16384xf32, #tpu.memory_space<vmem>> -> memref<4096xf32, #tpu.memory_space<vmem>>
    %dma_wait3A_91 = arith.constant 0 : i32
    %dma_wait3A_92 = tpu.memref_slice %arg2[%add3A_18, %dma_wait3A_91] : memref<64x8192xf32, #tpu.memory_space<hbm>> -> memref<1x4096xf32, #tpu.memory_space<hbm>>
    %dma_wait3A_93 = tpu.memref_squeeze %dma_wait3A_92 : memref<1x4096xf32, #tpu.memory_space<hbm>> -> memref<4096xf32, #tpu.memory_space<hbm>>
    tpu.wait_dma2 semaphore(%dma_wait3A_88 : memref<!tpu.dma_semaphore, #tpu.memory_space<semaphore_mem>>) src(%dma_wait3A_93 : memref<4096xf32, #tpu.memory_space<hbm>>) dst(%dma_wait3A_90 : memref<4096xf32, #tpu.memory_space<vmem>>)
    %parallel_loop3A_94 = arith.constant 0 : i32
    %parallel_loop3A_95 = arith.constant 256 : i32
    %parallel_loop3A_96 = arith.constant 1 : i32
    scf.for %parallel_loop3A_373 = %parallel_loop3A_94 to %parallel_loop3A_95 step %parallel_loop3A_96  : i32 {
      %parallel_loop3A_374 = arith.constant 16 : i32
      %parallel_loop3A_375 = arith.muli %parallel_loop3A_373, %parallel_loop3A_374 : i32
      %parallel_loop3A_376 = arith.constant 0 : i32
      %parallel_loop3A_377 = arith.addi %parallel_loop3A_376, %parallel_loop3A_375 : i32
      %parallel_loop3A_378 = arith.index_cast %parallel_loop3A_377 : i32 to index
      %parallel_loop3A_379 = tpu.vector_load %arg4[%parallel_loop3A_378] {strides = array<i32>} : memref<16384xf32, #tpu.memory_space<vmem>>, vector<16xf32>,
      %parallel_loop3A_380 = tpu.bitcast %parallel_loop3A_379 : vector<16xf32> -> vector<16xi32>
      %parallel_loop3A_381 = arith.constant 31 : i32
      %parallel_loop3A_382 = vector.broadcast %parallel_loop3A_381 : i32 to vector<16xi32>
      %parallel_loop3A_383 = arith.shrsi %parallel_loop3A_380, %parallel_loop3A_382 : vector<16xi32>
      %parallel_loop3A_384 = arith.constant -2147483648 : i32
      %parallel_loop3A_385 = vector.broadcast %parallel_loop3A_384 : i32 to vector<16xi32>
      %parallel_loop3A_386 = arith.ori %parallel_loop3A_383, %parallel_loop3A_385 : vector<16xi32>
      %parallel_loop3A_387 = arith.xori %parallel_loop3A_380, %parallel_loop3A_386 : vector<16xi32>
      %parallel_loop3A_388 = arith.constant 24 : i32
      %parallel_loop3A_389 = vector.broadcast %parallel_loop3A_388 : i32 to vector<16xi32>
      %parallel_loop3A_390 = arith.shrui %parallel_loop3A_387, %parallel_loop3A_389 : vector<16xi32>
      tpu.vector_store_idx %arg6[%parallel_loop3A_390], %broadcast_in_dim3A_64 {add = true} : memref<256xi32, #tpu.memory_space<vmem>>[vector<16xi32>], vector<16xi32>,
      %parallel_loop3A_391 = arith.constant 16 : i32
      %parallel_loop3A_392 = arith.muli %parallel_loop3A_373, %parallel_loop3A_391 : i32
      %parallel_loop3A_393 = arith.constant 8192 : i32
      %parallel_loop3A_394 = arith.addi %parallel_loop3A_393, %parallel_loop3A_392 : i32
      %parallel_loop3A_395 = arith.index_cast %parallel_loop3A_394 : i32 to index
      %parallel_loop3A_396 = tpu.vector_load %arg4[%parallel_loop3A_395] {strides = array<i32>} : memref<16384xf32, #tpu.memory_space<vmem>>, vector<16xf32>,
      %parallel_loop3A_397 = tpu.bitcast %parallel_loop3A_396 : vector<16xf32> -> vector<16xi32>
      %parallel_loop3A_398 = arith.constant 31 : i32
      %parallel_loop3A_399 = vector.broadcast %parallel_loop3A_398 : i32 to vector<16xi32>
      %parallel_loop3A_400 = arith.shrsi %parallel_loop3A_397, %parallel_loop3A_399 : vector<16xi32>
      %parallel_loop3A_401 = arith.constant -2147483648 : i32
      %parallel_loop3A_402 = vector.broadcast %parallel_loop3A_401 : i32 to vector<16xi32>
      %parallel_loop3A_403 = arith.ori %parallel_loop3A_400, %parallel_loop3A_402 : vector<16xi32>
      %parallel_loop3A_404 = arith.xori %parallel_loop3A_397, %parallel_loop3A_403 : vector<16xi32>
      %parallel_loop3A_405 = arith.constant 24 : i32
      %parallel_loop3A_406 = vector.broadcast %parallel_loop3A_405 : i32 to vector<16xi32>
      %parallel_loop3A_407 = arith.shrui %parallel_loop3A_404, %parallel_loop3A_406 : vector<16xi32>
      tpu.vector_store_idx %arg7[%parallel_loop3A_407], %broadcast_in_dim3A_64 {add = true} : memref<256xi32, #tpu.memory_space<vmem>>[vector<16xi32>], vector<16xi32>,
    } {sc.loop_unroll_factor = 4 : i64, sc.parallel_access}
    %dma_wait3A_97 = arith.constant 1 : i32
    %dma_wait3A_98 = arith.constant 4096 : i32
    %dma_wait3A_99 = tpu.memref_slice %arg4[%dma_wait3A_98] : memref<16384xf32, #tpu.memory_space<vmem>> -> memref<4096xf32, #tpu.memory_space<vmem>>
    %dma_wait3A_100 = arith.constant 4096 : i32
    %dma_wait3A_101 = tpu.memref_slice %arg2[%add3A_33, %dma_wait3A_100] : memref<64x8192xf32, #tpu.memory_space<hbm>> -> memref<1x4096xf32, #tpu.memory_space<hbm>>
    %dma_wait3A_102 = tpu.memref_squeeze %dma_wait3A_101 : memref<1x4096xf32, #tpu.memory_space<hbm>> -> memref<4096xf32, #tpu.memory_space<hbm>>
    %dma_wait3A_103 = tpu.memref_slice %arg10[%dma_wait3A_97] : memref<2x!tpu.dma_semaphore, #tpu.memory_space<semaphore_mem>> -> memref<1x!tpu.dma_semaphore, #tpu.memory_space<semaphore_mem>>
    %dma_wait3A_104 = tpu.memref_squeeze %dma_wait3A_103 : memref<1x!tpu.dma_semaphore, #tpu.memory_space<semaphore_mem>> -> memref<!tpu.dma_semaphore, #tpu.memory_space<semaphore_mem>>
    %dma_wait3A_105 = arith.constant 4096 : i32
    %dma_wait3A_106 = tpu.memref_slice %arg4[%dma_wait3A_105] : memref<16384xf32, #tpu.memory_space<vmem>> -> memref<4096xf32, #tpu.memory_space<vmem>>
    %dma_wait3A_107 = arith.constant 4096 : i32
    %dma_wait3A_108 = tpu.memref_slice %arg2[%add3A_33, %dma_wait3A_107] : memref<64x8192xf32, #tpu.memory_space<hbm>> -> memref<1x4096xf32, #tpu.memory_space<hbm>>
    %dma_wait3A_109 = tpu.memref_squeeze %dma_wait3A_108 : memref<1x4096xf32, #tpu.memory_space<hbm>> -> memref<4096xf32, #tpu.memory_space<hbm>>
    tpu.wait_dma2 semaphore(%dma_wait3A_104 : memref<!tpu.dma_semaphore, #tpu.memory_space<semaphore_mem>>) src(%dma_wait3A_109 : memref<4096xf32, #tpu.memory_space<hbm>>) dst(%dma_wait3A_106 : memref<4096xf32, #tpu.memory_space<vmem>>)
    %dma_wait3A_110 = arith.constant 1 : i32
    %dma_wait3A_111 = arith.constant 12288 : i32
    %dma_wait3A_112 = tpu.memref_slice %arg4[%dma_wait3A_111] : memref<16384xf32, #tpu.memory_space<vmem>> -> memref<4096xf32, #tpu.memory_space<vmem>>
    %dma_wait3A_113 = arith.constant 4096 : i32
    %dma_wait3A_114 = tpu.memref_slice %arg2[%add3A_48, %dma_wait3A_113] : memref<64x8192xf32, #tpu.memory_space<hbm>> -> memref<1x4096xf32, #tpu.memory_space<hbm>>
    %dma_wait3A_115 = tpu.memref_squeeze %dma_wait3A_114 : memref<1x4096xf32, #tpu.memory_space<hbm>> -> memref<4096xf32, #tpu.memory_space<hbm>>
    %dma_wait3A_116 = tpu.memref_slice %arg10[%dma_wait3A_110] : memref<2x!tpu.dma_semaphore, #tpu.memory_space<semaphore_mem>> -> memref<1x!tpu.dma_semaphore, #tpu.memory_space<semaphore_mem>>
    %dma_wait3A_117 = tpu.memref_squeeze %dma_wait3A_116 : memref<1x!tpu.dma_semaphore, #tpu.memory_space<semaphore_mem>> -> memref<!tpu.dma_semaphore, #tpu.memory_space<semaphore_mem>>
    %dma_wait3A_118 = arith.constant 12288 : i32
    %dma_wait3A_119 = tpu.memref_slice %arg4[%dma_wait3A_118] : memref<16384xf32, #tpu.memory_space<vmem>> -> memref<4096xf32, #tpu.memory_space<vmem>>
    %dma_wait3A_120 = arith.constant 4096 : i32
    %dma_wait3A_121 = tpu.memref_slice %arg2[%add3A_48, %dma_wait3A_120] : memref<64x8192xf32, #tpu.memory_space<hbm>> -> memref<1x4096xf32, #tpu.memory_space<hbm>>
    %dma_wait3A_122 = tpu.memref_squeeze %dma_wait3A_121 : memref<1x4096xf32, #tpu.memory_space<hbm>> -> memref<4096xf32, #tpu.memory_space<hbm>>
    tpu.wait_dma2 semaphore(%dma_wait3A_117 : memref<!tpu.dma_semaphore, #tpu.memory_space<semaphore_mem>>) src(%dma_wait3A_122 : memref<4096xf32, #tpu.memory_space<hbm>>) dst(%dma_wait3A_119 : memref<4096xf32, #tpu.memory_space<vmem>>)
    %parallel_loop3A_123 = arith.constant 256 : i32
    %parallel_loop3A_124 = arith.constant 512 : i32
    %parallel_loop3A_125 = arith.constant 1 : i32
    scf.for %parallel_loop3A_373 = %parallel_loop3A_123 to %parallel_loop3A_124 step %parallel_loop3A_125  : i32 {
      %parallel_loop3A_374 = arith.constant 16 : i32
      %parallel_loop3A_375 = arith.muli %parallel_loop3A_373, %parallel_loop3A_374 : i32
      %parallel_loop3A_376 = arith.constant 0 : i32
      %parallel_loop3A_377 = arith.addi %parallel_loop3A_376, %parallel_loop3A_375 : i32
      %parallel_loop3A_378 = arith.index_cast %parallel_loop3A_377 : i32 to index
      %parallel_loop3A_379 = tpu.vector_load %arg4[%parallel_loop3A_378] {strides = array<i32>} : memref<16384xf32, #tpu.memory_space<vmem>>, vector<16xf32>,
      %parallel_loop3A_380 = tpu.bitcast %parallel_loop3A_379 : vector<16xf32> -> vector<16xi32>
      %parallel_loop3A_381 = arith.constant 31 : i32
      %parallel_loop3A_382 = vector.broadcast %parallel_loop3A_381 : i32 to vector<16xi32>
      %parallel_loop3A_383 = arith.shrsi %parallel_loop3A_380, %parallel_loop3A_382 : vector<16xi32>
      %parallel_loop3A_384 = arith.constant -2147483648 : i32
      %parallel_loop3A_385 = vector.broadcast %parallel_loop3A_384 : i32 to vector<16xi32>
      %parallel_loop3A_386 = arith.ori %parallel_loop3A_383, %parallel_loop3A_385 : vector<16xi32>
      %parallel_loop3A_387 = arith.xori %parallel_loop3A_380, %parallel_loop3A_386 : vector<16xi32>
      %parallel_loop3A_388 = arith.constant 24 : i32
      %parallel_loop3A_389 = vector.broadcast %parallel_loop3A_388 : i32 to vector<16xi32>
      %parallel_loop3A_390 = arith.shrui %parallel_loop3A_387, %parallel_loop3A_389 : vector<16xi32>
      tpu.vector_store_idx %arg6[%parallel_loop3A_390], %broadcast_in_dim3A_64 {add = true} : memref<256xi32, #tpu.memory_space<vmem>>[vector<16xi32>], vector<16xi32>,
      %parallel_loop3A_391 = arith.constant 16 : i32
      %parallel_loop3A_392 = arith.muli %parallel_loop3A_373, %parallel_loop3A_391 : i32
      %parallel_loop3A_393 = arith.constant 8192 : i32
      %parallel_loop3A_394 = arith.addi %parallel_loop3A_393, %parallel_loop3A_392 : i32
      %parallel_loop3A_395 = arith.index_cast %parallel_loop3A_394 : i32 to index
      %parallel_loop3A_396 = tpu.vector_load %arg4[%parallel_loop3A_395] {strides = array<i32>} : memref<16384xf32, #tpu.memory_space<vmem>>, vector<16xf32>,
      %parallel_loop3A_397 = tpu.bitcast %parallel_loop3A_396 : vector<16xf32> -> vector<16xi32>
      %parallel_loop3A_398 = arith.constant 31 : i32
      %parallel_loop3A_399 = vector.broadcast %parallel_loop3A_398 : i32 to vector<16xi32>
      %parallel_loop3A_400 = arith.shrsi %parallel_loop3A_397, %parallel_loop3A_399 : vector<16xi32>
      %parallel_loop3A_401 = arith.constant -2147483648 : i32
      %parallel_loop3A_402 = vector.broadcast %parallel_loop3A_401 : i32 to vector<16xi32>
      %parallel_loop3A_403 = arith.ori %parallel_loop3A_400, %parallel_loop3A_402 : vector<16xi32>
      %parallel_loop3A_404 = arith.xori %parallel_loop3A_397, %parallel_loop3A_403 : vector<16xi32>
      %parallel_loop3A_405 = arith.constant 24 : i32
      %parallel_loop3A_406 = vector.broadcast %parallel_loop3A_405 : i32 to vector<16xi32>
      %parallel_loop3A_407 = arith.shrui %parallel_loop3A_404, %parallel_loop3A_406 : vector<16xi32>
      tpu.vector_store_idx %arg7[%parallel_loop3A_407], %broadcast_in_dim3A_64 {add = true} : memref<256xi32, #tpu.memory_space<vmem>>[vector<16xi32>], vector<16xi32>,
    } {sc.loop_unroll_factor = 4 : i64, sc.parallel_access}
    %broadcast_in_dim3A_126 = arith.constant 256 : i32
    %broadcast_in_dim3A_127 = vector.broadcast %broadcast_in_dim3A_126 : i32 to vector<16xi32>
    %scan3A = arith.constant 0 : i32
    %scan3A_128 = arith.constant 16 : i32
    %scan3A_129 = arith.addi %scan3A, %scan3A_128 : i32
    %scan3A_130 = arith.constant 1 : i32
    %scan3A_131:4 = scf.for %scan3A_373 = %scan3A to %scan3A_129 step %scan3A_130 iter_args(%scan3A_374 = %broadcast_in_dim3A_66, %scan3A_375 = %broadcast_in_dim3A_66, %scan3A_376 = %broadcast_in_dim3A_66, %scan3A_377 = %broadcast_in_dim3A_66) -> (vector<16xi32>, vector<16xi32>, vector<16xi32>, vector<16xi32>)  : i32 {
      %sub3A_378 = arith.constant 15 : i32
      %sub3A_379 = arith.subi %sub3A_378, %scan3A_373 : i32
      %mul3A_380 = arith.constant 16 : i32
      %mul3A_381 = arith.muli %sub3A_379, %mul3A_380 : i32
      %get3A = arith.index_cast %mul3A_381 : i32 to index
      %get3A_382 = tpu.vector_load %arg6[%get3A] {strides = array<i32>} : memref<256xi32, #tpu.memory_space<vmem>>, vector<16xi32>,
      %rev3A = arith.constant 15 : i32
      %rev3A_383 = vector.broadcast %rev3A : i32 to vector<16xi32>
      %rev3A_384 = tpu.iota {dimensions = array<i32: 0>} : vector<16xi32>
      %rev3A_385 = arith.subi %rev3A_383, %rev3A_384 : vector<16xi32>
      %rev3A_386 = tpu.dynamic_gather %get3A_382[%rev3A_385] in [0] : vector<16xi32>, vector<16xi32> -> vector<16xi32>
      %broadcast_in_dim3A_387 = arith.constant true
      %broadcast_in_dim3A_388 = vector.broadcast %broadcast_in_dim3A_387 : i1 to vector<16xi1>
      %masked_cumsum3A = tpu.scan <sum>, %rev3A_386 masked %broadcast_in_dim3A_388 : vector<16xi32>, vector<16xi1> -> vector<16xi32>
      %add3A_389 = arith.addi %masked_cumsum3A, %scan3A_374 : vector<16xi32>
      %rev3A_390 = arith.constant 15 : i32
      %rev3A_391 = vector.broadcast %rev3A_390 : i32 to vector<16xi32>
      %rev3A_392 = tpu.iota {dimensions = array<i32: 0>} : vector<16xi32>
      %rev3A_393 = arith.subi %rev3A_391, %rev3A_392 : vector<16xi32>
      %rev3A_394 = tpu.dynamic_gather %add3A_389[%rev3A_393] in [0] : vector<16xi32>, vector<16xi32> -> vector<16xi32>
      %swap3A = arith.index_cast %mul3A_381 : i32 to index
      %swap3A_395 = tpu.vector_load %arg8[%swap3A] {strides = array<i32>} : memref<256xi32, #tpu.memory_space<vmem>>, vector<16xi32>,
      tpu.vector_store %arg8[%swap3A], %rev3A_394 {strides = array<i32>} : memref<256xi32, #tpu.memory_space<vmem>>, vector<16xi32>,
      %ge3A = arith.cmpi sge, %rev3A_394, %broadcast_in_dim3A_127 : vector<16xi32>
      %all_reduce_population_count3A = tpu.all_reduce %ge3A {dim = 0 : i64, kind = #tpu.reduction_kind<sum>} : vector<16xi1> -> vector<16xi32>
      %add3A_396 = arith.addi %scan3A_376, %all_reduce_population_count3A : vector<16xi32>
      %reduce_sum3A = arith.constant true
      %reduce_sum3A_397 = vector.broadcast %reduce_sum3A : i1 to vector<16xi1>
      %reduce_sum3A_398 = tpu.scan <sum>, %get3A_382 masked %reduce_sum3A_397 : vector<16xi32>, vector<16xi1> -> vector<16xi32>
      %reduce_sum3A_399 = vector.extract %reduce_sum3A_398[15] : i32 from vector<16xi32>
      %broadcast_in_dim3A_400 = vector.broadcast %reduce_sum3A_399 : i32 to vector<16xi32>
      %add3A_401 = arith.addi %scan3A_374, %broadcast_in_dim3A_400 : vector<16xi32>
      %get3A_402 = arith.index_cast %mul3A_381 : i32 to index
      %get3A_403 = tpu.vector_load %arg7[%get3A_402] {strides = array<i32>} : memref<256xi32, #tpu.memory_space<vmem>>, vector<16xi32>,
      %rev3A_404 = arith.constant 15 : i32
      %rev3A_405 = vector.broadcast %rev3A_404 : i32 to vector<16xi32>
      %rev3A_406 = tpu.iota {dimensions = array<i32: 0>} : vector<16xi32>
      %rev3A_407 = arith.subi %rev3A_405, %rev3A_406 : vector<16xi32>
      %rev3A_408 = tpu.dynamic_gather %get3A_403[%rev3A_407] in [0] : vector<16xi32>, vector<16xi32> -> vector<16xi32>
      %broadcast_in_dim3A_409 = arith.constant true
      %broadcast_in_dim3A_410 = vector.broadcast %broadcast_in_dim3A_409 : i1 to vector<16xi1>
      %masked_cumsum3A_411 = tpu.scan <sum>, %rev3A_408 masked %broadcast_in_dim3A_410 : vector<16xi32>, vector<16xi1> -> vector<16xi32>
      %add3A_412 = arith.addi %masked_cumsum3A_411, %scan3A_375 : vector<16xi32>
      %rev3A_413 = arith.constant 15 : i32
      %rev3A_414 = vector.broadcast %rev3A_413 : i32 to vector<16xi32>
      %rev3A_415 = tpu.iota {dimensions = array<i32: 0>} : vector<16xi32>
      %rev3A_416 = arith.subi %rev3A_414, %rev3A_415 : vector<16xi32>
      %rev3A_417 = tpu.dynamic_gather %add3A_412[%rev3A_416] in [0] : vector<16xi32>, vector<16xi32> -> vector<16xi32>
      %swap3A_418 = arith.index_cast %mul3A_381 : i32 to index
      %swap3A_419 = tpu.vector_load %arg9[%swap3A_418] {strides = array<i32>} : memref<256xi32, #tpu.memory_space<vmem>>, vector<16xi32>,
      tpu.vector_store %arg9[%swap3A_418], %rev3A_417 {strides = array<i32>} : memref<256xi32, #tpu.memory_space<vmem>>, vector<16xi32>,
      %ge3A_420 = arith.cmpi sge, %rev3A_417, %broadcast_in_dim3A_127 : vector<16xi32>
      %all_reduce_population_count3A_421 = tpu.all_reduce %ge3A_420 {dim = 0 : i64, kind = #tpu.reduction_kind<sum>} : vector<16xi1> -> vector<16xi32>
      %add3A_422 = arith.addi %scan3A_377, %all_reduce_population_count3A_421 : vector<16xi32>
      %reduce_sum3A_423 = arith.constant true
      %reduce_sum3A_424 = vector.broadcast %reduce_sum3A_423 : i1 to vector<16xi1>
      %reduce_sum3A_425 = tpu.scan <sum>, %get3A_403 masked %reduce_sum3A_424 : vector<16xi32>, vector<16xi1> -> vector<16xi32>
      %reduce_sum3A_426 = vector.extract %reduce_sum3A_425[15] : i32 from vector<16xi32>
      %broadcast_in_dim3A_427 = vector.broadcast %reduce_sum3A_426 : i32 to vector<16xi32>
      %add3A_428 = arith.addi %scan3A_375, %broadcast_in_dim3A_427 : vector<16xi32>
      scf.yield %add3A_401, %add3A_428, %add3A_396, %add3A_422 : vector<16xi32>, vector<16xi32>, vector<16xi32>, vector<16xi32>
    }
    %scan3A_132 = arith.constant 16 : i32
    %sub3A = arith.subi %scan3A_131#2, %broadcast_in_dim3A_64 : vector<16xi32>
    %gather3A = tpu.vector_load_idx %arg6[%sub3A] : memref<256xi32, #tpu.memory_space<vmem>>[vector<16xi32>], vector<16xi32>,
    %gather3A_133 = tpu.vector_load_idx %arg8[%sub3A] : memref<256xi32, #tpu.memory_space<vmem>>[vector<16xi32>], vector<16xi32>,
    %sub3A_134 = arith.subi %gather3A_133, %gather3A : vector<16xi32>
    %sub3A_135 = arith.subi %scan3A_131#3, %broadcast_in_dim3A_64 : vector<16xi32>
    %gather3A_136 = tpu.vector_load_idx %arg7[%sub3A_135] : memref<256xi32, #tpu.memory_space<vmem>>[vector<16xi32>], vector<16xi32>,
    %gather3A_137 = tpu.vector_load_idx %arg9[%sub3A_135] : memref<256xi32, #tpu.memory_space<vmem>>[vector<16xi32>], vector<16xi32>,
    %sub3A_138 = arith.subi %gather3A_137, %gather3A_136 : vector<16xi32>
    %sub3A_139 = arith.subi %broadcast_in_dim3A_127, %sub3A_134 : vector<16xi32>
    %sub3A_140 = arith.subi %broadcast_in_dim3A_127, %sub3A_138 : vector<16xi32>
    %parallel_loop3A_141 = arith.constant 0 : i32
    %parallel_loop3A_142 = arith.constant 16 : i32
    %parallel_loop3A_143 = arith.constant 1 : i32
    scf.for %parallel_loop3A_373 = %parallel_loop3A_141 to %parallel_loop3A_142 step %parallel_loop3A_143  : i32 {
      %parallel_loop3A_374 = arith.constant 16 : i32
      %parallel_loop3A_375 = arith.muli %parallel_loop3A_373, %parallel_loop3A_374 : i32
      %parallel_loop3A_376 = arith.index_cast %parallel_loop3A_375 : i32 to index
      %parallel_loop3A_377 = tpu.vector_load %arg6[%parallel_loop3A_376] {strides = array<i32>} : memref<256xi32, #tpu.memory_space<vmem>>, vector<16xi32>,
      tpu.vector_store %arg6[%parallel_loop3A_376], %broadcast_in_dim3A_66 {strides = array<i32>} : memref<256xi32, #tpu.memory_space<vmem>>, vector<16xi32>,
      %parallel_loop3A_378 = arith.constant 16 : i32
      %parallel_loop3A_379 = arith.muli %parallel_loop3A_373, %parallel_loop3A_378 : i32
      %parallel_loop3A_380 = arith.index_cast %parallel_loop3A_379 : i32 to index
      %parallel_loop3A_381 = tpu.vector_load %arg7[%parallel_loop3A_380] {strides = array<i32>} : memref<256xi32, #tpu.memory_space<vmem>>, vector<16xi32>,
      tpu.vector_store %arg7[%parallel_loop3A_380], %broadcast_in_dim3A_66 {strides = array<i32>} : memref<256xi32, #tpu.memory_space<vmem>>, vector<16xi32>,
    } {sc.loop_unroll_factor = 4 : i64, sc.parallel_access}
    %parallel_loop3A_144 = arith.constant 0 : i32
    %parallel_loop3A_145 = arith.constant 512 : i32
    %parallel_loop3A_146 = arith.constant 1 : i32
    %parallel_loop3A_147:2 = scf.for %parallel_loop3A_373 = %parallel_loop3A_144 to %parallel_loop3A_145 step %parallel_loop3A_146 iter_args(%parallel_loop3A_374 = %broadcast_in_dim3A_66, %parallel_loop3A_375 = %broadcast_in_dim3A_66) -> (vector<16xi32>, vector<16xi32>)  : i32 {
      %parallel_loop3A_376 = arith.constant 16 : i32
      %parallel_loop3A_377 = arith.muli %parallel_loop3A_373, %parallel_loop3A_376 : i32
      %parallel_loop3A_378 = arith.constant 0 : i32
      %parallel_loop3A_379 = arith.addi %parallel_loop3A_378, %parallel_loop3A_377 : i32
      %parallel_loop3A_380 = arith.index_cast %parallel_loop3A_379 : i32 to index
      %parallel_loop3A_381 = tpu.vector_load %arg4[%parallel_loop3A_380] {strides = array<i32>} : memref<16384xf32, #tpu.memory_space<vmem>>, vector<16xf32>,
      %parallel_loop3A_382 = tpu.bitcast %parallel_loop3A_381 : vector<16xf32> -> vector<16xi32>
      %parallel_loop3A_383 = arith.constant 31 : i32
      %parallel_loop3A_384 = vector.broadcast %parallel_loop3A_383 : i32 to vector<16xi32>
      %parallel_loop3A_385 = arith.shrsi %parallel_loop3A_382, %parallel_loop3A_384 : vector<16xi32>
      %parallel_loop3A_386 = arith.constant -2147483648 : i32
      %parallel_loop3A_387 = vector.broadcast %parallel_loop3A_386 : i32 to vector<16xi32>
      %parallel_loop3A_388 = arith.ori %parallel_loop3A_385, %parallel_loop3A_387 : vector<16xi32>
      %parallel_loop3A_389 = arith.xori %parallel_loop3A_382, %parallel_loop3A_388 : vector<16xi32>
      %parallel_loop3A_390 = arith.constant 24 : i32
      %parallel_loop3A_391 = vector.broadcast %parallel_loop3A_390 : i32 to vector<16xi32>
      %parallel_loop3A_392 = arith.shrui %parallel_loop3A_389, %parallel_loop3A_391 : vector<16xi32>
      %parallel_loop3A_393 = arith.cmpi eq, %parallel_loop3A_392, %sub3A : vector<16xi32>
      %parallel_loop3A_394 = arith.constant 16 : i32
      %parallel_loop3A_395 = vector.broadcast %parallel_loop3A_394 : i32 to vector<16xi32>
      %parallel_loop3A_396 = arith.shrui %parallel_loop3A_389, %parallel_loop3A_395 : vector<16xi32>
      %parallel_loop3A_397 = arith.constant 255 : i32
      %parallel_loop3A_398 = vector.broadcast %parallel_loop3A_397 : i32 to vector<16xi32>
      %parallel_loop3A_399 = arith.andi %parallel_loop3A_396, %parallel_loop3A_398 : vector<16xi32>
      tpu.vector_store_idx %arg6[%parallel_loop3A_399], %broadcast_in_dim3A_64 masked %parallel_loop3A_393 {add = true} : memref<256xi32, #tpu.memory_space<vmem>>[vector<16xi32>], vector<16xi32>, vector<16xi1>
      %parallel_loop3A_400 = arith.extui %parallel_loop3A_393 : vector<16xi1> to vector<16xi32>
      %parallel_loop3A_401 = arith.constant true
      %parallel_loop3A_402 = vector.broadcast %parallel_loop3A_401 : i1 to vector<16xi1>
      %parallel_loop3A_403 = tpu.scan <sum>, %parallel_loop3A_400 masked %parallel_loop3A_402 : vector<16xi32>, vector<16xi1> -> vector<16xi32>
      %parallel_loop3A_404 = arith.subi %parallel_loop3A_403, %broadcast_in_dim3A_64 : vector<16xi32>
      %parallel_loop3A_405 = arith.addi %parallel_loop3A_404, %parallel_loop3A_374 : vector<16xi32>
      %parallel_loop3A_406 = arith.constant 0 : i32
      %parallel_loop3A_407 = tpu.memref_slice %arg5[%parallel_loop3A_406] : memref<16384xi32, #tpu.memory_space<vmem>> -> memref<8192xi32, #tpu.memory_space<vmem>>
      tpu.vector_store_idx %parallel_loop3A_407[%parallel_loop3A_405], %parallel_loop3A_389 masked %parallel_loop3A_393 : memref<8192xi32, #tpu.memory_space<vmem>>[vector<16xi32>], vector<16xi32>, vector<16xi1>
      %parallel_loop3A_408 = tpu.all_reduce %parallel_loop3A_393 {dim = 0 : i64, kind = #tpu.reduction_kind<sum>} : vector<16xi1> -> vector<16xi32>
      %parallel_loop3A_409 = arith.addi %parallel_loop3A_374, %parallel_loop3A_408 : vector<16xi32>
      %parallel_loop3A_410 = arith.constant 16 : i32
      %parallel_loop3A_411 = arith.muli %parallel_loop3A_373, %parallel_loop3A_410 : i32
      %parallel_loop3A_412 = arith.constant 8192 : i32
      %parallel_loop3A_413 = arith.addi %parallel_loop3A_412, %parallel_loop3A_411 : i32
      %parallel_loop3A_414 = arith.index_cast %parallel_loop3A_413 : i32 to index
      %parallel_loop3A_415 = tpu.vector_load %arg4[%parallel_loop3A_414] {strides = array<i32>} : memref<16384xf32, #tpu.memory_space<vmem>>, vector<16xf32>,
      %parallel_loop3A_416 = tpu.bitcast %parallel_loop3A_415 : vector<16xf32> -> vector<16xi32>
      %parallel_loop3A_417 = arith.constant 31 : i32
      %parallel_loop3A_418 = vector.broadcast %parallel_loop3A_417 : i32 to vector<16xi32>
      %parallel_loop3A_419 = arith.shrsi %parallel_loop3A_416, %parallel_loop3A_418 : vector<16xi32>
      %parallel_loop3A_420 = arith.constant -2147483648 : i32
      %parallel_loop3A_421 = vector.broadcast %parallel_loop3A_420 : i32 to vector<16xi32>
      %parallel_loop3A_422 = arith.ori %parallel_loop3A_419, %parallel_loop3A_421 : vector<16xi32>
      %parallel_loop3A_423 = arith.xori %parallel_loop3A_416, %parallel_loop3A_422 : vector<16xi32>
      %parallel_loop3A_424 = arith.constant 24 : i32
      %parallel_loop3A_425 = vector.broadcast %parallel_loop3A_424 : i32 to vector<16xi32>
      %parallel_loop3A_426 = arith.shrui %parallel_loop3A_423, %parallel_loop3A_425 : vector<16xi32>
      %parallel_loop3A_427 = arith.cmpi eq, %parallel_loop3A_426, %sub3A_135 : vector<16xi32>
      %parallel_loop3A_428 = arith.constant 16 : i32
      %parallel_loop3A_429 = vector.broadcast %parallel_loop3A_428 : i32 to vector<16xi32>
      %parallel_loop3A_430 = arith.shrui %parallel_loop3A_423, %parallel_loop3A_429 : vector<16xi32>
      %parallel_loop3A_431 = arith.constant 255 : i32
      %parallel_loop3A_432 = vector.broadcast %parallel_loop3A_431 : i32 to vector<16xi32>
      %parallel_loop3A_433 = arith.andi %parallel_loop3A_430, %parallel_loop3A_432 : vector<16xi32>
      tpu.vector_store_idx %arg7[%parallel_loop3A_433], %broadcast_in_dim3A_64 masked %parallel_loop3A_427 {add = true} : memref<256xi32, #tpu.memory_space<vmem>>[vector<16xi32>], vector<16xi32>, vector<16xi1>
      %parallel_loop3A_434 = arith.extui %parallel_loop3A_427 : vector<16xi1> to vector<16xi32>
      %parallel_loop3A_435 = arith.constant true
      %parallel_loop3A_436 = vector.broadcast %parallel_loop3A_435 : i1 to vector<16xi1>
      %parallel_loop3A_437 = tpu.scan <sum>, %parallel_loop3A_434 masked %parallel_loop3A_436 : vector<16xi32>, vector<16xi1> -> vector<16xi32>
      %parallel_loop3A_438 = arith.subi %parallel_loop3A_437, %broadcast_in_dim3A_64 : vector<16xi32>
      %parallel_loop3A_439 = arith.addi %parallel_loop3A_438, %parallel_loop3A_375 : vector<16xi32>
      %parallel_loop3A_440 = arith.constant 8192 : i32
      %parallel_loop3A_441 = tpu.memref_slice %arg5[%parallel_loop3A_440] : memref<16384xi32, #tpu.memory_space<vmem>> -> memref<8192xi32, #tpu.memory_space<vmem>>
      tpu.vector_store_idx %parallel_loop3A_441[%parallel_loop3A_439], %parallel_loop3A_423 masked %parallel_loop3A_427 : memref<8192xi32, #tpu.memory_space<vmem>>[vector<16xi32>], vector<16xi32>, vector<16xi1>
      %parallel_loop3A_442 = tpu.all_reduce %parallel_loop3A_427 {dim = 0 : i64, kind = #tpu.reduction_kind<sum>} : vector<16xi1> -> vector<16xi32>
      %parallel_loop3A_443 = arith.addi %parallel_loop3A_375, %parallel_loop3A_442 : vector<16xi32>
      scf.yield %parallel_loop3A_409, %parallel_loop3A_443 : vector<16xi32>, vector<16xi32>
    } {sc.loop_unroll_factor = 4 : i64, sc.parallel_access}
    %scan3A_148 = arith.constant 0 : i32
    %scan3A_149 = arith.constant 16 : i32
    %scan3A_150 = arith.addi %scan3A_148, %scan3A_149 : i32
    %scan3A_151 = arith.constant 1 : i32
    %scan3A_152:4 = scf.for %scan3A_373 = %scan3A_148 to %scan3A_150 step %scan3A_151 iter_args(%scan3A_374 = %broadcast_in_dim3A_66, %scan3A_375 = %broadcast_in_dim3A_66, %scan3A_376 = %broadcast_in_dim3A_66, %scan3A_377 = %broadcast_in_dim3A_66) -> (vector<16xi32>, vector<16xi32>, vector<16xi32>, vector<16xi32>)  : i32 {
      %sub3A_378 = arith.constant 15 : i32
      %sub3A_379 = arith.subi %sub3A_378, %scan3A_373 : i32
      %mul3A_380 = arith.constant 16 : i32
      %mul3A_381 = arith.muli %sub3A_379, %mul3A_380 : i32
      %get3A = arith.index_cast %mul3A_381 : i32 to index
      %get3A_382 = tpu.vector_load %arg6[%get3A] {strides = array<i32>} : memref<256xi32, #tpu.memory_space<vmem>>, vector<16xi32>,
      %rev3A = arith.constant 15 : i32
      %rev3A_383 = vector.broadcast %rev3A : i32 to vector<16xi32>
      %rev3A_384 = tpu.iota {dimensions = array<i32: 0>} : vector<16xi32>
      %rev3A_385 = arith.subi %rev3A_383, %rev3A_384 : vector<16xi32>
      %rev3A_386 = tpu.dynamic_gather %get3A_382[%rev3A_385] in [0] : vector<16xi32>, vector<16xi32> -> vector<16xi32>
      %broadcast_in_dim3A_387 = arith.constant true
      %broadcast_in_dim3A_388 = vector.broadcast %broadcast_in_dim3A_387 : i1 to vector<16xi1>
      %masked_cumsum3A = tpu.scan <sum>, %rev3A_386 masked %broadcast_in_dim3A_388 : vector<16xi32>, vector<16xi1> -> vector<16xi32>
      %add3A_389 = arith.addi %masked_cumsum3A, %scan3A_374 : vector<16xi32>
      %rev3A_390 = arith.constant 15 : i32
      %rev3A_391 = vector.broadcast %rev3A_390 : i32 to vector<16xi32>
      %rev3A_392 = tpu.iota {dimensions = array<i32: 0>} : vector<16xi32>
      %rev3A_393 = arith.subi %rev3A_391, %rev3A_392 : vector<16xi32>
      %rev3A_394 = tpu.dynamic_gather %add3A_389[%rev3A_393] in [0] : vector<16xi32>, vector<16xi32> -> vector<16xi32>
      %swap3A = arith.index_cast %mul3A_381 : i32 to index
      %swap3A_395 = tpu.vector_load %arg8[%swap3A] {strides = array<i32>} : memref<256xi32, #tpu.memory_space<vmem>>, vector<16xi32>,
      tpu.vector_store %arg8[%swap3A], %rev3A_394 {strides = array<i32>} : memref<256xi32, #tpu.memory_space<vmem>>, vector<16xi32>,
      %ge3A = arith.cmpi sge, %rev3A_394, %sub3A_139 : vector<16xi32>
      %all_reduce_population_count3A = tpu.all_reduce %ge3A {dim = 0 : i64, kind = #tpu.reduction_kind<sum>} : vector<16xi1> -> vector<16xi32>
      %add3A_396 = arith.addi %scan3A_376, %all_reduce_population_count3A : vector<16xi32>
      %reduce_sum3A = arith.constant true
      %reduce_sum3A_397 = vector.broadcast %reduce_sum3A : i1 to vector<16xi1>
      %reduce_sum3A_398 = tpu.scan <sum>, %get3A_382 masked %reduce_sum3A_397 : vector<16xi32>, vector<16xi1> -> vector<16xi32>
      %reduce_sum3A_399 = vector.extract %reduce_sum3A_398[15] : i32 from vector<16xi32>
      %broadcast_in_dim3A_400 = vector.broadcast %reduce_sum3A_399 : i32 to vector<16xi32>
      %add3A_401 = arith.addi %scan3A_374, %broadcast_in_dim3A_400 : vector<16xi32>
      %get3A_402 = arith.index_cast %mul3A_381 : i32 to index
      %get3A_403 = tpu.vector_load %arg7[%get3A_402] {strides = array<i32>} : memref<256xi32, #tpu.memory_space<vmem>>, vector<16xi32>,
      %rev3A_404 = arith.constant 15 : i32
      %rev3A_405 = vector.broadcast %rev3A_404 : i32 to vector<16xi32>
      %rev3A_406 = tpu.iota {dimensions = array<i32: 0>} : vector<16xi32>
      %rev3A_407 = arith.subi %rev3A_405, %rev3A_406 : vector<16xi32>
      %rev3A_408 = tpu.dynamic_gather %get3A_403[%rev3A_407] in [0] : vector<16xi32>, vector<16xi32> -> vector<16xi32>
      %broadcast_in_dim3A_409 = arith.constant true
      %broadcast_in_dim3A_410 = vector.broadcast %broadcast_in_dim3A_409 : i1 to vector<16xi1>
      %masked_cumsum3A_411 = tpu.scan <sum>, %rev3A_408 masked %broadcast_in_dim3A_410 : vector<16xi32>, vector<16xi1> -> vector<16xi32>
      %add3A_412 = arith.addi %masked_cumsum3A_411, %scan3A_375 : vector<16xi32>
      %rev3A_413 = arith.constant 15 : i32
      %rev3A_414 = vector.broadcast %rev3A_413 : i32 to vector<16xi32>
      %rev3A_415 = tpu.iota {dimensions = array<i32: 0>} : vector<16xi32>
      %rev3A_416 = arith.subi %rev3A_414, %rev3A_415 : vector<16xi32>
      %rev3A_417 = tpu.dynamic_gather %add3A_412[%rev3A_416] in [0] : vector<16xi32>, vector<16xi32> -> vector<16xi32>
      %swap3A_418 = arith.index_cast %mul3A_381 : i32 to index
      %swap3A_419 = tpu.vector_load %arg9[%swap3A_418] {strides = array<i32>} : memref<256xi32, #tpu.memory_space<vmem>>, vector<16xi32>,
      tpu.vector_store %arg9[%swap3A_418], %rev3A_417 {strides = array<i32>} : memref<256xi32, #tpu.memory_space<vmem>>, vector<16xi32>,
      %ge3A_420 = arith.cmpi sge, %rev3A_417, %sub3A_140 : vector<16xi32>
      %all_reduce_population_count3A_421 = tpu.all_reduce %ge3A_420 {dim = 0 : i64, kind = #tpu.reduction_kind<sum>} : vector<16xi1> -> vector<16xi32>
      %add3A_422 = arith.addi %scan3A_377, %all_reduce_population_count3A_421 : vector<16xi32>
      %reduce_sum3A_423 = arith.constant true
      %reduce_sum3A_424 = vector.broadcast %reduce_sum3A_423 : i1 to vector<16xi1>
      %reduce_sum3A_425 = tpu.scan <sum>, %get3A_403 masked %reduce_sum3A_424 : vector<16xi32>, vector<16xi1> -> vector<16xi32>
      %reduce_sum3A_426 = vector.extract %reduce_sum3A_425[15] : i32 from vector<16xi32>
      %broadcast_in_dim3A_427 = vector.broadcast %reduce_sum3A_426 : i32 to vector<16xi32>
      %add3A_428 = arith.addi %scan3A_375, %broadcast_in_dim3A_427 : vector<16xi32>
      scf.yield %add3A_401, %add3A_428, %add3A_396, %add3A_422 : vector<16xi32>, vector<16xi32>, vector<16xi32>, vector<16xi32>
    }
    %scan3A_153 = arith.constant 16 : i32
    %sub3A_154 = arith.subi %scan3A_152#2, %broadcast_in_dim3A_64 : vector<16xi32>
    %gather3A_155 = tpu.vector_load_idx %arg6[%sub3A_154] : memref<256xi32, #tpu.memory_space<vmem>>[vector<16xi32>], vector<16xi32>,
    %gather3A_156 = tpu.vector_load_idx %arg8[%sub3A_154] : memref<256xi32, #tpu.memory_space<vmem>>[vector<16xi32>], vector<16xi32>,
    %sub3A_157 = arith.subi %gather3A_156, %gather3A_155 : vector<16xi32>
    %sub3A_158 = arith.subi %scan3A_152#3, %broadcast_in_dim3A_64 : vector<16xi32>
    %gather3A_159 = tpu.vector_load_idx %arg7[%sub3A_158] : memref<256xi32, #tpu.memory_space<vmem>>[vector<16xi32>], vector<16xi32>,
    %gather3A_160 = tpu.vector_load_idx %arg9[%sub3A_158] : memref<256xi32, #tpu.memory_space<vmem>>[vector<16xi32>], vector<16xi32>,
    %sub3A_161 = arith.subi %gather3A_160, %gather3A_159 : vector<16xi32>
    %broadcast_in_dim3A_162 = arith.constant 8 : i32
    %broadcast_in_dim3A_163 = vector.broadcast %broadcast_in_dim3A_162 : i32 to vector<16xi32>
    %shift_left3A = arith.shli %sub3A, %broadcast_in_dim3A_163 : vector<16xi32>
    %or3A = arith.ori %shift_left3A, %sub3A_154 : vector<16xi32>
    %broadcast_in_dim3A_164 = arith.constant 8 : i32
    %broadcast_in_dim3A_165 = vector.broadcast %broadcast_in_dim3A_164 : i32 to vector<16xi32>
    %shift_left3A_166 = arith.shli %sub3A_135, %broadcast_in_dim3A_165 : vector<16xi32>
    %or3A_167 = arith.ori %shift_left3A_166, %sub3A_158 : vector<16xi32>
    %sub3A_168 = arith.subi %sub3A_139, %sub3A_157 : vector<16xi32>
    %sub3A_169 = arith.subi %sub3A_140, %sub3A_161 : vector<16xi32>
    %max3A = arith.maxsi %parallel_loop3A_147#0, %parallel_loop3A_147#1 : vector<16xi32>
    %reduce_max3A = arith.constant true
    %reduce_max3A_170 = vector.broadcast %reduce_max3A : i1 to vector<16xi1>
    %reduce_max3A_171 = arith.constant -2147483648 : i32
    %reduce_max3A_172 = vector.broadcast %reduce_max3A_171 : i32 to vector<16xi32>
    %reduce_max3A_173 = arith.xori %max3A, %reduce_max3A_172 : vector<16xi32>
    %reduce_max3A_174 = tpu.scan <max>, %reduce_max3A_173 masked %reduce_max3A_170 : vector<16xi32>, vector<16xi1> -> vector<16xi32>
    %reduce_max3A_175 = arith.xori %reduce_max3A_174, %reduce_max3A_172 : vector<16xi32>
    %reduce_max3A_176 = vector.extract %reduce_max3A_175[15] : i32 from vector<16xi32>
    %add3A_177 = arith.constant 15 : i32
    %add3A_178 = arith.addi %reduce_max3A_176, %add3A_177 : i32
    %shift_right_arithmetic3A = arith.constant 4 : i32
    %shift_right_arithmetic3A_179 = arith.shrsi %add3A_178, %shift_right_arithmetic3A : i32
    %iota3A = tpu.iota {dimensions = array<i32: 0>} : vector<16xi32>
    %parallel_loop3A_180 = arith.constant 0 : i32
    %parallel_loop3A_181 = arith.constant 16 : i32
    %parallel_loop3A_182 = arith.constant 1 : i32
    scf.for %parallel_loop3A_373 = %parallel_loop3A_180 to %parallel_loop3A_181 step %parallel_loop3A_182  : i32 {
      %parallel_loop3A_374 = arith.constant 16 : i32
      %parallel_loop3A_375 = arith.muli %parallel_loop3A_373, %parallel_loop3A_374 : i32
      %parallel_loop3A_376 = arith.index_cast %parallel_loop3A_375 : i32 to index
      %parallel_loop3A_377 = tpu.vector_load %arg6[%parallel_loop3A_376] {strides = array<i32>} : memref<256xi32, #tpu.memory_space<vmem>>, vector<16xi32>,
      tpu.vector_store %arg6[%parallel_loop3A_376], %broadcast_in_dim3A_66 {strides = array<i32>} : memref<256xi32, #tpu.memory_space<vmem>>, vector<16xi32>,
      %parallel_loop3A_378 = arith.constant 16 : i32
      %parallel_loop3A_379 = arith.muli %parallel_loop3A_373, %parallel_loop3A_378 : i32
      %parallel_loop3A_380 = arith.index_cast %parallel_loop3A_379 : i32 to index
      %parallel_loop3A_381 = tpu.vector_load %arg7[%parallel_loop3A_380] {strides = array<i32>} : memref<256xi32, #tpu.memory_space<vmem>>, vector<16xi32>,
      tpu.vector_store %arg7[%parallel_loop3A_380], %broadcast_in_dim3A_66 {strides = array<i32>} : memref<256xi32, #tpu.memory_space<vmem>>, vector<16xi32>,
    } {sc.loop_unroll_factor = 4 : i64, sc.parallel_access}
    %parallel_loop3A_183 = arith.constant 0 : i32
    %parallel_loop3A_184 = arith.constant 1 : i32
    scf.for %parallel_loop3A_373 = %parallel_loop3A_183 to %shift_right_arithmetic3A_179 step %parallel_loop3A_184  : i32 {
      %parallel_loop3A_374 = arith.constant 16 : i32
      %parallel_loop3A_375 = arith.muli %parallel_loop3A_373, %parallel_loop3A_374 : i32
      %parallel_loop3A_376 = arith.constant 0 : i32
      %parallel_loop3A_377 = arith.addi %parallel_loop3A_376, %parallel_loop3A_375 : i32
      %parallel_loop3A_378 = arith.index_cast %parallel_loop3A_377 : i32 to index
      %parallel_loop3A_379 = tpu.vector_load %arg5[%parallel_loop3A_378] {strides = array<i32>} : memref<16384xi32, #tpu.memory_space<vmem>>, vector<16xi32>,
      %parallel_loop3A_380 = arith.constant 16 : i32
      %parallel_loop3A_381 = arith.muli %parallel_loop3A_373, %parallel_loop3A_380 : i32
      %parallel_loop3A_382 = vector.broadcast %parallel_loop3A_381 : i32 to vector<16xi32>
      %parallel_loop3A_383 = arith.addi %iota3A, %parallel_loop3A_382 : vector<16xi32>
      %parallel_loop3A_384 = arith.cmpi slt, %parallel_loop3A_383, %parallel_loop3A_147#0 : vector<16xi32>
      %parallel_loop3A_385 = arith.constant 16 : i32
      %parallel_loop3A_386 = vector.broadcast %parallel_loop3A_385 : i32 to vector<16xi32>
      %parallel_loop3A_387 = arith.shrui %parallel_loop3A_379, %parallel_loop3A_386 : vector<16xi32>
      %parallel_loop3A_388 = arith.cmpi eq, %parallel_loop3A_387, %or3A : vector<16xi32>
      %parallel_loop3A_389 = arith.andi %parallel_loop3A_384, %parallel_loop3A_388 : vector<16xi1>
      %parallel_loop3A_390 = arith.constant 8 : i32
      %parallel_loop3A_391 = vector.broadcast %parallel_loop3A_390 : i32 to vector<16xi32>
      %parallel_loop3A_392 = arith.shrui %parallel_loop3A_379, %parallel_loop3A_391 : vector<16xi32>
      %parallel_loop3A_393 = arith.constant 255 : i32
      %parallel_loop3A_394 = vector.broadcast %parallel_loop3A_393 : i32 to vector<16xi32>
      %parallel_loop3A_395 = arith.andi %parallel_loop3A_392, %parallel_loop3A_394 : vector<16xi32>
      tpu.vector_store_idx %arg6[%parallel_loop3A_395], %broadcast_in_dim3A_64 masked %parallel_loop3A_389 {add = true} : memref<256xi32, #tpu.memory_space<vmem>>[vector<16xi32>], vector<16xi32>, vector<16xi1>
      %parallel_loop3A_396 = arith.constant 16 : i32
      %parallel_loop3A_397 = arith.muli %parallel_loop3A_373, %parallel_loop3A_396 : i32
      %parallel_loop3A_398 = arith.constant 8192 : i32
      %parallel_loop3A_399 = arith.addi %parallel_loop3A_398, %parallel_loop3A_397 : i32
      %parallel_loop3A_400 = arith.index_cast %parallel_loop3A_399 : i32 to index
      %parallel_loop3A_401 = tpu.vector_load %arg5[%parallel_loop3A_400] {strides = array<i32>} : memref<16384xi32, #tpu.memory_space<vmem>>, vector<16xi32>,
      %parallel_loop3A_402 = arith.constant 16 : i32
      %parallel_loop3A_403 = arith.muli %parallel_loop3A_373, %parallel_loop3A_402 : i32
      %parallel_loop3A_404 = vector.broadcast %parallel_loop3A_403 : i32 to vector<16xi32>
      %parallel_loop3A_405 = arith.addi %iota3A, %parallel_loop3A_404 : vector<16xi32>
      %parallel_loop3A_406 = arith.cmpi slt, %parallel_loop3A_405, %parallel_loop3A_147#1 : vector<16xi32>
      %parallel_loop3A_407 = arith.constant 16 : i32
      %parallel_loop3A_408 = vector.broadcast %parallel_loop3A_407 : i32 to vector<16xi32>
      %parallel_loop3A_409 = arith.shrui %parallel_loop3A_401, %parallel_loop3A_408 : vector<16xi32>
      %parallel_loop3A_410 = arith.cmpi eq, %parallel_loop3A_409, %or3A_167 : vector<16xi32>
      %parallel_loop3A_411 = arith.andi %parallel_loop3A_406, %parallel_loop3A_410 : vector<16xi1>
      %parallel_loop3A_412 = arith.constant 8 : i32
      %parallel_loop3A_413 = vector.broadcast %parallel_loop3A_412 : i32 to vector<16xi32>
      %parallel_loop3A_414 = arith.shrui %parallel_loop3A_401, %parallel_loop3A_413 : vector<16xi32>
      %parallel_loop3A_415 = arith.constant 255 : i32
      %parallel_loop3A_416 = vector.broadcast %parallel_loop3A_415 : i32 to vector<16xi32>
      %parallel_loop3A_417 = arith.andi %parallel_loop3A_414, %parallel_loop3A_416 : vector<16xi32>
      tpu.vector_store_idx %arg7[%parallel_loop3A_417], %broadcast_in_dim3A_64 masked %parallel_loop3A_411 {add = true} : memref<256xi32, #tpu.memory_space<vmem>>[vector<16xi32>], vector<16xi32>, vector<16xi1>
    } {sc.loop_unroll_factor = 4 : i64, sc.parallel_access}
    %scan3A_185 = arith.constant 0 : i32
    %scan3A_186 = arith.constant 16 : i32
    %scan3A_187 = arith.addi %scan3A_185, %scan3A_186 : i32
    %scan3A_188 = arith.constant 1 : i32
    %scan3A_189:4 = scf.for %scan3A_373 = %scan3A_185 to %scan3A_187 step %scan3A_188 iter_args(%scan3A_374 = %broadcast_in_dim3A_66, %scan3A_375 = %broadcast_in_dim3A_66, %scan3A_376 = %broadcast_in_dim3A_66, %scan3A_377 = %broadcast_in_dim3A_66) -> (vector<16xi32>, vector<16xi32>, vector<16xi32>, vector<16xi32>)  : i32 {
      %sub3A_378 = arith.constant 15 : i32
      %sub3A_379 = arith.subi %sub3A_378, %scan3A_373 : i32
      %mul3A_380 = arith.constant 16 : i32
      %mul3A_381 = arith.muli %sub3A_379, %mul3A_380 : i32
      %get3A = arith.index_cast %mul3A_381 : i32 to index
      %get3A_382 = tpu.vector_load %arg6[%get3A] {strides = array<i32>} : memref<256xi32, #tpu.memory_space<vmem>>, vector<16xi32>,
      %rev3A = arith.constant 15 : i32
      %rev3A_383 = vector.broadcast %rev3A : i32 to vector<16xi32>
      %rev3A_384 = tpu.iota {dimensions = array<i32: 0>} : vector<16xi32>
      %rev3A_385 = arith.subi %rev3A_383, %rev3A_384 : vector<16xi32>
      %rev3A_386 = tpu.dynamic_gather %get3A_382[%rev3A_385] in [0] : vector<16xi32>, vector<16xi32> -> vector<16xi32>
      %broadcast_in_dim3A_387 = arith.constant true
      %broadcast_in_dim3A_388 = vector.broadcast %broadcast_in_dim3A_387 : i1 to vector<16xi1>
      %masked_cumsum3A = tpu.scan <sum>, %rev3A_386 masked %broadcast_in_dim3A_388 : vector<16xi32>, vector<16xi1> -> vector<16xi32>
      %add3A_389 = arith.addi %masked_cumsum3A, %scan3A_374 : vector<16xi32>
      %rev3A_390 = arith.constant 15 : i32
      %rev3A_391 = vector.broadcast %rev3A_390 : i32 to vector<16xi32>
      %rev3A_392 = tpu.iota {dimensions = array<i32: 0>} : vector<16xi32>
      %rev3A_393 = arith.subi %rev3A_391, %rev3A_392 : vector<16xi32>
      %rev3A_394 = tpu.dynamic_gather %add3A_389[%rev3A_393] in [0] : vector<16xi32>, vector<16xi32> -> vector<16xi32>
      %swap3A = arith.index_cast %mul3A_381 : i32 to index
      %swap3A_395 = tpu.vector_load %arg8[%swap3A] {strides = array<i32>} : memref<256xi32, #tpu.memory_space<vmem>>, vector<16xi32>,
      tpu.vector_store %arg8[%swap3A], %rev3A_394 {strides = array<i32>} : memref<256xi32, #tpu.memory_space<vmem>>, vector<16xi32>,
      %ge3A = arith.cmpi sge, %rev3A_394, %sub3A_168 : vector<16xi32>
      %all_reduce_population_count3A = tpu.all_reduce %ge3A {dim = 0 : i64, kind = #tpu.reduction_kind<sum>} : vector<16xi1> -> vector<16xi32>
      %add3A_396 = arith.addi %scan3A_376, %all_reduce_population_count3A : vector<16xi32>
      %reduce_sum3A = arith.constant true
      %reduce_sum3A_397 = vector.broadcast %reduce_sum3A : i1 to vector<16xi1>
      %reduce_sum3A_398 = tpu.scan <sum>, %get3A_382 masked %reduce_sum3A_397 : vector<16xi32>, vector<16xi1> -> vector<16xi32>
      %reduce_sum3A_399 = vector.extract %reduce_sum3A_398[15] : i32 from vector<16xi32>
      %broadcast_in_dim3A_400 = vector.broadcast %reduce_sum3A_399 : i32 to vector<16xi32>
      %add3A_401 = arith.addi %scan3A_374, %broadcast_in_dim3A_400 : vector<16xi32>
      %get3A_402 = arith.index_cast %mul3A_381 : i32 to index
      %get3A_403 = tpu.vector_load %arg7[%get3A_402] {strides = array<i32>} : memref<256xi32, #tpu.memory_space<vmem>>, vector<16xi32>,
      %rev3A_404 = arith.constant 15 : i32
      %rev3A_405 = vector.broadcast %rev3A_404 : i32 to vector<16xi32>
      %rev3A_406 = tpu.iota {dimensions = array<i32: 0>} : vector<16xi32>
      %rev3A_407 = arith.subi %rev3A_405, %rev3A_406 : vector<16xi32>
      %rev3A_408 = tpu.dynamic_gather %get3A_403[%rev3A_407] in [0] : vector<16xi32>, vector<16xi32> -> vector<16xi32>
      %broadcast_in_dim3A_409 = arith.constant true
      %broadcast_in_dim3A_410 = vector.broadcast %broadcast_in_dim3A_409 : i1 to vector<16xi1>
      %masked_cumsum3A_411 = tpu.scan <sum>, %rev3A_408 masked %broadcast_in_dim3A_410 : vector<16xi32>, vector<16xi1> -> vector<16xi32>
      %add3A_412 = arith.addi %masked_cumsum3A_411, %scan3A_375 : vector<16xi32>
      %rev3A_413 = arith.constant 15 : i32
      %rev3A_414 = vector.broadcast %rev3A_413 : i32 to vector<16xi32>
      %rev3A_415 = tpu.iota {dimensions = array<i32: 0>} : vector<16xi32>
      %rev3A_416 = arith.subi %rev3A_414, %rev3A_415 : vector<16xi32>
      %rev3A_417 = tpu.dynamic_gather %add3A_412[%rev3A_416] in [0] : vector<16xi32>, vector<16xi32> -> vector<16xi32>
      %swap3A_418 = arith.index_cast %mul3A_381 : i32 to index
      %swap3A_419 = tpu.vector_load %arg9[%swap3A_418] {strides = array<i32>} : memref<256xi32, #tpu.memory_space<vmem>>, vector<16xi32>,
      tpu.vector_store %arg9[%swap3A_418], %rev3A_417 {strides = array<i32>} : memref<256xi32, #tpu.memory_space<vmem>>, vector<16xi32>,
      %ge3A_420 = arith.cmpi sge, %rev3A_417, %sub3A_169 : vector<16xi32>
      %all_reduce_population_count3A_421 = tpu.all_reduce %ge3A_420 {dim = 0 : i64, kind = #tpu.reduction_kind<sum>} : vector<16xi1> -> vector<16xi32>
      %add3A_422 = arith.addi %scan3A_377, %all_reduce_population_count3A_421 : vector<16xi32>
      %reduce_sum3A_423 = arith.constant true
      %reduce_sum3A_424 = vector.broadcast %reduce_sum3A_423 : i1 to vector<16xi1>
      %reduce_sum3A_425 = tpu.scan <sum>, %get3A_403 masked %reduce_sum3A_424 : vector<16xi32>, vector<16xi1> -> vector<16xi32>
      %reduce_sum3A_426 = vector.extract %reduce_sum3A_425[15] : i32 from vector<16xi32>
      %broadcast_in_dim3A_427 = vector.broadcast %reduce_sum3A_426 : i32 to vector<16xi32>
      %add3A_428 = arith.addi %scan3A_375, %broadcast_in_dim3A_427 : vector<16xi32>
      scf.yield %add3A_401, %add3A_428, %add3A_396, %add3A_422 : vector<16xi32>, vector<16xi32>, vector<16xi32>, vector<16xi32>
    }
    %scan3A_190 = arith.constant 16 : i32
    %sub3A_191 = arith.subi %scan3A_189#2, %broadcast_in_dim3A_64 : vector<16xi32>
    %gather3A_192 = tpu.vector_load_idx %arg6[%sub3A_191] : memref<256xi32, #tpu.memory_space<vmem>>[vector<16xi32>], vector<16xi32>,
    %gather3A_193 = tpu.vector_load_idx %arg8[%sub3A_191] : memref<256xi32, #tpu.memory_space<vmem>>[vector<16xi32>], vector<16xi32>,
    %sub3A_194 = arith.subi %gather3A_193, %gather3A_192 : vector<16xi32>
    %sub3A_195 = arith.subi %scan3A_189#3, %broadcast_in_dim3A_64 : vector<16xi32>
    %gather3A_196 = tpu.vector_load_idx %arg7[%sub3A_195] : memref<256xi32, #tpu.memory_space<vmem>>[vector<16xi32>], vector<16xi32>,
    %gather3A_197 = tpu.vector_load_idx %arg9[%sub3A_195] : memref<256xi32, #tpu.memory_space<vmem>>[vector<16xi32>], vector<16xi32>,
    %sub3A_198 = arith.subi %gather3A_197, %gather3A_196 : vector<16xi32>
    %broadcast_in_dim3A_199 = arith.constant 8 : i32
    %broadcast_in_dim3A_200 = vector.broadcast %broadcast_in_dim3A_199 : i32 to vector<16xi32>
    %shift_left3A_201 = arith.shli %or3A, %broadcast_in_dim3A_200 : vector<16xi32>
    %or3A_202 = arith.ori %shift_left3A_201, %sub3A_191 : vector<16xi32>
    %broadcast_in_dim3A_203 = arith.constant 8 : i32
    %broadcast_in_dim3A_204 = vector.broadcast %broadcast_in_dim3A_203 : i32 to vector<16xi32>
    %shift_left3A_205 = arith.shli %or3A_167, %broadcast_in_dim3A_204 : vector<16xi32>
    %or3A_206 = arith.ori %shift_left3A_205, %sub3A_195 : vector<16xi32>
    %sub3A_207 = arith.subi %sub3A_168, %sub3A_194 : vector<16xi32>
    %sub3A_208 = arith.subi %sub3A_169, %sub3A_198 : vector<16xi32>
    %parallel_loop3A_209 = arith.constant 0 : i32
    %parallel_loop3A_210 = arith.constant 16 : i32
    %parallel_loop3A_211 = arith.constant 1 : i32
    scf.for %parallel_loop3A_373 = %parallel_loop3A_209 to %parallel_loop3A_210 step %parallel_loop3A_211  : i32 {
      %parallel_loop3A_374 = arith.constant 16 : i32
      %parallel_loop3A_375 = arith.muli %parallel_loop3A_373, %parallel_loop3A_374 : i32
      %parallel_loop3A_376 = arith.index_cast %parallel_loop3A_375 : i32 to index
      %parallel_loop3A_377 = tpu.vector_load %arg6[%parallel_loop3A_376] {strides = array<i32>} : memref<256xi32, #tpu.memory_space<vmem>>, vector<16xi32>,
      tpu.vector_store %arg6[%parallel_loop3A_376], %broadcast_in_dim3A_66 {strides = array<i32>} : memref<256xi32, #tpu.memory_space<vmem>>, vector<16xi32>,
      %parallel_loop3A_378 = arith.constant 16 : i32
      %parallel_loop3A_379 = arith.muli %parallel_loop3A_373, %parallel_loop3A_378 : i32
      %parallel_loop3A_380 = arith.index_cast %parallel_loop3A_379 : i32 to index
      %parallel_loop3A_381 = tpu.vector_load %arg7[%parallel_loop3A_380] {strides = array<i32>} : memref<256xi32, #tpu.memory_space<vmem>>, vector<16xi32>,
      tpu.vector_store %arg7[%parallel_loop3A_380], %broadcast_in_dim3A_66 {strides = array<i32>} : memref<256xi32, #tpu.memory_space<vmem>>, vector<16xi32>,
    } {sc.loop_unroll_factor = 4 : i64, sc.parallel_access}
    %parallel_loop3A_212 = arith.constant 0 : i32
    %parallel_loop3A_213 = arith.constant 1 : i32
    scf.for %parallel_loop3A_373 = %parallel_loop3A_212 to %shift_right_arithmetic3A_179 step %parallel_loop3A_213  : i32 {
      %parallel_loop3A_374 = arith.constant 16 : i32
      %parallel_loop3A_375 = arith.muli %parallel_loop3A_373, %parallel_loop3A_374 : i32
      %parallel_loop3A_376 = arith.constant 0 : i32
      %parallel_loop3A_377 = arith.addi %parallel_loop3A_376, %parallel_loop3A_375 : i32
      %parallel_loop3A_378 = arith.index_cast %parallel_loop3A_377 : i32 to index
      %parallel_loop3A_379 = tpu.vector_load %arg5[%parallel_loop3A_378] {strides = array<i32>} : memref<16384xi32, #tpu.memory_space<vmem>>, vector<16xi32>,
      %parallel_loop3A_380 = arith.constant 16 : i32
      %parallel_loop3A_381 = arith.muli %parallel_loop3A_373, %parallel_loop3A_380 : i32
      %parallel_loop3A_382 = vector.broadcast %parallel_loop3A_381 : i32 to vector<16xi32>
      %parallel_loop3A_383 = arith.addi %iota3A, %parallel_loop3A_382 : vector<16xi32>
      %parallel_loop3A_384 = arith.cmpi slt, %parallel_loop3A_383, %parallel_loop3A_147#0 : vector<16xi32>
      %parallel_loop3A_385 = arith.constant 8 : i32
      %parallel_loop3A_386 = vector.broadcast %parallel_loop3A_385 : i32 to vector<16xi32>
      %parallel_loop3A_387 = arith.shrui %parallel_loop3A_379, %parallel_loop3A_386 : vector<16xi32>
      %parallel_loop3A_388 = arith.cmpi eq, %parallel_loop3A_387, %or3A_202 : vector<16xi32>
      %parallel_loop3A_389 = arith.andi %parallel_loop3A_384, %parallel_loop3A_388 : vector<16xi1>
      %parallel_loop3A_390 = arith.constant 0 : i32
      %parallel_loop3A_391 = vector.broadcast %parallel_loop3A_390 : i32 to vector<16xi32>
      %parallel_loop3A_392 = arith.shrui %parallel_loop3A_379, %parallel_loop3A_391 : vector<16xi32>
      %parallel_loop3A_393 = arith.constant 255 : i32
      %parallel_loop3A_394 = vector.broadcast %parallel_loop3A_393 : i32 to vector<16xi32>
      %parallel_loop3A_395 = arith.andi %parallel_loop3A_392, %parallel_loop3A_394 : vector<16xi32>
      tpu.vector_store_idx %arg6[%parallel_loop3A_395], %broadcast_in_dim3A_64 masked %parallel_loop3A_389 {add = true} : memref<256xi32, #tpu.memory_space<vmem>>[vector<16xi32>], vector<16xi32>, vector<16xi1>
      %parallel_loop3A_396 = arith.constant 16 : i32
      %parallel_loop3A_397 = arith.muli %parallel_loop3A_373, %parallel_loop3A_396 : i32
      %parallel_loop3A_398 = arith.constant 8192 : i32
      %parallel_loop3A_399 = arith.addi %parallel_loop3A_398, %parallel_loop3A_397 : i32
      %parallel_loop3A_400 = arith.index_cast %parallel_loop3A_399 : i32 to index
      %parallel_loop3A_401 = tpu.vector_load %arg5[%parallel_loop3A_400] {strides = array<i32>} : memref<16384xi32, #tpu.memory_space<vmem>>, vector<16xi32>,
      %parallel_loop3A_402 = arith.constant 16 : i32
      %parallel_loop3A_403 = arith.muli %parallel_loop3A_373, %parallel_loop3A_402 : i32
      %parallel_loop3A_404 = vector.broadcast %parallel_loop3A_403 : i32 to vector<16xi32>
      %parallel_loop3A_405 = arith.addi %iota3A, %parallel_loop3A_404 : vector<16xi32>
      %parallel_loop3A_406 = arith.cmpi slt, %parallel_loop3A_405, %parallel_loop3A_147#1 : vector<16xi32>
      %parallel_loop3A_407 = arith.constant 8 : i32
      %parallel_loop3A_408 = vector.broadcast %parallel_loop3A_407 : i32 to vector<16xi32>
      %parallel_loop3A_409 = arith.shrui %parallel_loop3A_401, %parallel_loop3A_408 : vector<16xi32>
      %parallel_loop3A_410 = arith.cmpi eq, %parallel_loop3A_409, %or3A_206 : vector<16xi32>
      %parallel_loop3A_411 = arith.andi %parallel_loop3A_406, %parallel_loop3A_410 : vector<16xi1>
      %parallel_loop3A_412 = arith.constant 0 : i32
      %parallel_loop3A_413 = vector.broadcast %parallel_loop3A_412 : i32 to vector<16xi32>
      %parallel_loop3A_414 = arith.shrui %parallel_loop3A_401, %parallel_loop3A_413 : vector<16xi32>
      %parallel_loop3A_415 = arith.constant 255 : i32
      %parallel_loop3A_416 = vector.broadcast %parallel_loop3A_415 : i32 to vector<16xi32>
      %parallel_loop3A_417 = arith.andi %parallel_loop3A_414, %parallel_loop3A_416 : vector<16xi32>
      tpu.vector_store_idx %arg7[%parallel_loop3A_417], %broadcast_in_dim3A_64 masked %parallel_loop3A_411 {add = true} : memref<256xi32, #tpu.memory_space<vmem>>[vector<16xi32>], vector<16xi32>, vector<16xi1>
    } {sc.loop_unroll_factor = 4 : i64, sc.parallel_access}
    %scan3A_214 = arith.constant 0 : i32
    %scan3A_215 = arith.constant 16 : i32
    %scan3A_216 = arith.addi %scan3A_214, %scan3A_215 : i32
    %scan3A_217 = arith.constant 1 : i32
    %scan3A_218:4 = scf.for %scan3A_373 = %scan3A_214 to %scan3A_216 step %scan3A_217 iter_args(%scan3A_374 = %broadcast_in_dim3A_66, %scan3A_375 = %broadcast_in_dim3A_66, %scan3A_376 = %broadcast_in_dim3A_66, %scan3A_377 = %broadcast_in_dim3A_66) -> (vector<16xi32>, vector<16xi32>, vector<16xi32>, vector<16xi32>)  : i32 {
      %sub3A_378 = arith.constant 15 : i32
      %sub3A_379 = arith.subi %sub3A_378, %scan3A_373 : i32
      %mul3A_380 = arith.constant 16 : i32
      %mul3A_381 = arith.muli %sub3A_379, %mul3A_380 : i32
      %get3A = arith.index_cast %mul3A_381 : i32 to index
      %get3A_382 = tpu.vector_load %arg6[%get3A] {strides = array<i32>} : memref<256xi32, #tpu.memory_space<vmem>>, vector<16xi32>,
      %rev3A = arith.constant 15 : i32
      %rev3A_383 = vector.broadcast %rev3A : i32 to vector<16xi32>
      %rev3A_384 = tpu.iota {dimensions = array<i32: 0>} : vector<16xi32>
      %rev3A_385 = arith.subi %rev3A_383, %rev3A_384 : vector<16xi32>
      %rev3A_386 = tpu.dynamic_gather %get3A_382[%rev3A_385] in [0] : vector<16xi32>, vector<16xi32> -> vector<16xi32>
      %broadcast_in_dim3A_387 = arith.constant true
      %broadcast_in_dim3A_388 = vector.broadcast %broadcast_in_dim3A_387 : i1 to vector<16xi1>
      %masked_cumsum3A = tpu.scan <sum>, %rev3A_386 masked %broadcast_in_dim3A_388 : vector<16xi32>, vector<16xi1> -> vector<16xi32>
      %add3A_389 = arith.addi %masked_cumsum3A, %scan3A_374 : vector<16xi32>
      %rev3A_390 = arith.constant 15 : i32
      %rev3A_391 = vector.broadcast %rev3A_390 : i32 to vector<16xi32>
      %rev3A_392 = tpu.iota {dimensions = array<i32: 0>} : vector<16xi32>
      %rev3A_393 = arith.subi %rev3A_391, %rev3A_392 : vector<16xi32>
      %rev3A_394 = tpu.dynamic_gather %add3A_389[%rev3A_393] in [0] : vector<16xi32>, vector<16xi32> -> vector<16xi32>
      %swap3A = arith.index_cast %mul3A_381 : i32 to index
      %swap3A_395 = tpu.vector_load %arg8[%swap3A] {strides = array<i32>} : memref<256xi32, #tpu.memory_space<vmem>>, vector<16xi32>,
      tpu.vector_store %arg8[%swap3A], %rev3A_394 {strides = array<i32>} : memref<256xi32, #tpu.memory_space<vmem>>, vector<16xi32>,
      %ge3A = arith.cmpi sge, %rev3A_394, %sub3A_207 : vector<16xi32>
      %all_reduce_population_count3A = tpu.all_reduce %ge3A {dim = 0 : i64, kind = #tpu.reduction_kind<sum>} : vector<16xi1> -> vector<16xi32>
      %add3A_396 = arith.addi %scan3A_376, %all_reduce_population_count3A : vector<16xi32>
      %reduce_sum3A = arith.constant true
      %reduce_sum3A_397 = vector.broadcast %reduce_sum3A : i1 to vector<16xi1>
      %reduce_sum3A_398 = tpu.scan <sum>, %get3A_382 masked %reduce_sum3A_397 : vector<16xi32>, vector<16xi1> -> vector<16xi32>
      %reduce_sum3A_399 = vector.extract %reduce_sum3A_398[15] : i32 from vector<16xi32>
      %broadcast_in_dim3A_400 = vector.broadcast %reduce_sum3A_399 : i32 to vector<16xi32>
      %add3A_401 = arith.addi %scan3A_374, %broadcast_in_dim3A_400 : vector<16xi32>
      %get3A_402 = arith.index_cast %mul3A_381 : i32 to index
      %get3A_403 = tpu.vector_load %arg7[%get3A_402] {strides = array<i32>} : memref<256xi32, #tpu.memory_space<vmem>>, vector<16xi32>,
      %rev3A_404 = arith.constant 15 : i32
      %rev3A_405 = vector.broadcast %rev3A_404 : i32 to vector<16xi32>
      %rev3A_406 = tpu.iota {dimensions = array<i32: 0>} : vector<16xi32>
      %rev3A_407 = arith.subi %rev3A_405, %rev3A_406 : vector<16xi32>
      %rev3A_408 = tpu.dynamic_gather %get3A_403[%rev3A_407] in [0] : vector<16xi32>, vector<16xi32> -> vector<16xi32>
      %broadcast_in_dim3A_409 = arith.constant true
      %broadcast_in_dim3A_410 = vector.broadcast %broadcast_in_dim3A_409 : i1 to vector<16xi1>
      %masked_cumsum3A_411 = tpu.scan <sum>, %rev3A_408 masked %broadcast_in_dim3A_410 : vector<16xi32>, vector<16xi1> -> vector<16xi32>
      %add3A_412 = arith.addi %masked_cumsum3A_411, %scan3A_375 : vector<16xi32>
      %rev3A_413 = arith.constant 15 : i32
      %rev3A_414 = vector.broadcast %rev3A_413 : i32 to vector<16xi32>
      %rev3A_415 = tpu.iota {dimensions = array<i32: 0>} : vector<16xi32>
      %rev3A_416 = arith.subi %rev3A_414, %rev3A_415 : vector<16xi32>
      %rev3A_417 = tpu.dynamic_gather %add3A_412[%rev3A_416] in [0] : vector<16xi32>, vector<16xi32> -> vector<16xi32>
      %swap3A_418 = arith.index_cast %mul3A_381 : i32 to index
      %swap3A_419 = tpu.vector_load %arg9[%swap3A_418] {strides = array<i32>} : memref<256xi32, #tpu.memory_space<vmem>>, vector<16xi32>,
      tpu.vector_store %arg9[%swap3A_418], %rev3A_417 {strides = array<i32>} : memref<256xi32, #tpu.memory_space<vmem>>, vector<16xi32>,
      %ge3A_420 = arith.cmpi sge, %rev3A_417, %sub3A_208 : vector<16xi32>
      %all_reduce_population_count3A_421 = tpu.all_reduce %ge3A_420 {dim = 0 : i64, kind = #tpu.reduction_kind<sum>} : vector<16xi1> -> vector<16xi32>
      %add3A_422 = arith.addi %scan3A_377, %all_reduce_population_count3A_421 : vector<16xi32>
      %reduce_sum3A_423 = arith.constant true
      %reduce_sum3A_424 = vector.broadcast %reduce_sum3A_423 : i1 to vector<16xi1>
      %reduce_sum3A_425 = tpu.scan <sum>, %get3A_403 masked %reduce_sum3A_424 : vector<16xi32>, vector<16xi1> -> vector<16xi32>
      %reduce_sum3A_426 = vector.extract %reduce_sum3A_425[15] : i32 from vector<16xi32>
      %broadcast_in_dim3A_427 = vector.broadcast %reduce_sum3A_426 : i32 to vector<16xi32>
      %add3A_428 = arith.addi %scan3A_375, %broadcast_in_dim3A_427 : vector<16xi32>
      scf.yield %add3A_401, %add3A_428, %add3A_396, %add3A_422 : vector<16xi32>, vector<16xi32>, vector<16xi32>, vector<16xi32>
    }
    %scan3A_219 = arith.constant 16 : i32
    %sub3A_220 = arith.subi %scan3A_218#2, %broadcast_in_dim3A_64 : vector<16xi32>
    %gather3A_221 = tpu.vector_load_idx %arg6[%sub3A_220] : memref<256xi32, #tpu.memory_space<vmem>>[vector<16xi32>], vector<16xi32>,
    %gather3A_222 = tpu.vector_load_idx %arg8[%sub3A_220] : memref<256xi32, #tpu.memory_space<vmem>>[vector<16xi32>], vector<16xi32>,
    %sub3A_223 = arith.subi %gather3A_222, %gather3A_221 : vector<16xi32>
    %sub3A_224 = arith.subi %scan3A_218#3, %broadcast_in_dim3A_64 : vector<16xi32>
    %gather3A_225 = tpu.vector_load_idx %arg7[%sub3A_224] : memref<256xi32, #tpu.memory_space<vmem>>[vector<16xi32>], vector<16xi32>,
    %gather3A_226 = tpu.vector_load_idx %arg9[%sub3A_224] : memref<256xi32, #tpu.memory_space<vmem>>[vector<16xi32>], vector<16xi32>,
    %sub3A_227 = arith.subi %gather3A_226, %gather3A_225 : vector<16xi32>
    %broadcast_in_dim3A_228 = arith.constant 8 : i32
    %broadcast_in_dim3A_229 = vector.broadcast %broadcast_in_dim3A_228 : i32 to vector<16xi32>
    %shift_left3A_230 = arith.shli %or3A_202, %broadcast_in_dim3A_229 : vector<16xi32>
    %or3A_231 = arith.ori %shift_left3A_230, %sub3A_220 : vector<16xi32>
    %broadcast_in_dim3A_232 = arith.constant 8 : i32
    %broadcast_in_dim3A_233 = vector.broadcast %broadcast_in_dim3A_232 : i32 to vector<16xi32>
    %shift_left3A_234 = arith.shli %or3A_206, %broadcast_in_dim3A_233 : vector<16xi32>
    %or3A_235 = arith.ori %shift_left3A_234, %sub3A_224 : vector<16xi32>
    %sub3A_236 = arith.subi %sub3A_207, %sub3A_223 : vector<16xi32>
    %sub3A_237 = arith.subi %sub3A_208, %sub3A_227 : vector<16xi32>
    %not3A = arith.constant dense<-1> : vector<16xi32>
    %not3A_238 = arith.xori %or3A_231, %not3A : vector<16xi32>
    %broadcast_in_dim3A_239 = arith.constant 31 : i32
    %broadcast_in_dim3A_240 = vector.broadcast %broadcast_in_dim3A_239 : i32 to vector<16xi32>
    %shift_right_arithmetic3A_241 = arith.shrsi %not3A_238, %broadcast_in_dim3A_240 : vector<16xi32>
    %broadcast_in_dim3A_242 = arith.constant -2147483648 : i32
    %broadcast_in_dim3A_243 = vector.broadcast %broadcast_in_dim3A_242 : i32 to vector<16xi32>
    %or3A_244 = arith.ori %shift_right_arithmetic3A_241, %broadcast_in_dim3A_243 : vector<16xi32>
    %xor3A = arith.xori %or3A_231, %or3A_244 : vector<16xi32>
    %bitcast_convert_type3A = tpu.bitcast %xor3A : vector<16xi32> -> vector<16xf32>
    %not3A_245 = arith.constant dense<-1> : vector<16xi32>
    %not3A_246 = arith.xori %or3A_235, %not3A_245 : vector<16xi32>
    %broadcast_in_dim3A_247 = arith.constant 31 : i32
    %broadcast_in_dim3A_248 = vector.broadcast %broadcast_in_dim3A_247 : i32 to vector<16xi32>
    %shift_right_arithmetic3A_249 = arith.shrsi %not3A_246, %broadcast_in_dim3A_248 : vector<16xi32>
    %broadcast_in_dim3A_250 = arith.constant -2147483648 : i32
    %broadcast_in_dim3A_251 = vector.broadcast %broadcast_in_dim3A_250 : i32 to vector<16xi32>
    %or3A_252 = arith.ori %shift_right_arithmetic3A_249, %broadcast_in_dim3A_251 : vector<16xi32>
    %xor3A_253 = arith.xori %or3A_235, %or3A_252 : vector<16xi32>
    %bitcast_convert_type3A_254 = tpu.bitcast %xor3A_253 : vector<16xi32> -> vector<16xf32>
    %parallel_loop3A_255 = arith.constant 0 : i32
    %parallel_loop3A_256 = arith.constant 256 : i32
    %parallel_loop3A_257 = arith.constant 1 : i32
    scf.for %parallel_loop3A_373 = %parallel_loop3A_255 to %parallel_loop3A_256 step %parallel_loop3A_257  : i32 {
      %parallel_loop3A_374 = arith.constant 16 : i32
      %parallel_loop3A_375 = arith.muli %parallel_loop3A_373, %parallel_loop3A_374 : i32
      %parallel_loop3A_376 = arith.constant 0 : i32
      %parallel_loop3A_377 = arith.addi %parallel_loop3A_376, %parallel_loop3A_375 : i32
      %parallel_loop3A_378 = arith.index_cast %parallel_loop3A_377 : i32 to index
      %parallel_loop3A_379 = tpu.vector_load %arg4[%parallel_loop3A_378] {strides = array<i32>} : memref<16384xf32, #tpu.memory_space<vmem>>, vector<16xf32>,
      %parallel_loop3A_380 = arith.cmpf oge, %parallel_loop3A_379, %bitcast_convert_type3A : vector<16xf32>
      %parallel_loop3A_381 = arith.select %parallel_loop3A_380, %parallel_loop3A_379, %broadcast_in_dim3A_62 : vector<16xi1>, vector<16xf32>
      %parallel_loop3A_382 = arith.index_cast %parallel_loop3A_377 : i32 to index
      %parallel_loop3A_383 = tpu.vector_load %arg4[%parallel_loop3A_382] {strides = array<i32>} : memref<16384xf32, #tpu.memory_space<vmem>>, vector<16xf32>,
      tpu.vector_store %arg4[%parallel_loop3A_382], %parallel_loop3A_381 {strides = array<i32>} : memref<16384xf32, #tpu.memory_space<vmem>>, vector<16xf32>,
      %parallel_loop3A_384 = arith.constant 16 : i32
      %parallel_loop3A_385 = arith.muli %parallel_loop3A_373, %parallel_loop3A_384 : i32
      %parallel_loop3A_386 = arith.constant 8192 : i32
      %parallel_loop3A_387 = arith.addi %parallel_loop3A_386, %parallel_loop3A_385 : i32
      %parallel_loop3A_388 = arith.index_cast %parallel_loop3A_387 : i32 to index
      %parallel_loop3A_389 = tpu.vector_load %arg4[%parallel_loop3A_388] {strides = array<i32>} : memref<16384xf32, #tpu.memory_space<vmem>>, vector<16xf32>,
      %parallel_loop3A_390 = arith.cmpf oge, %parallel_loop3A_389, %bitcast_convert_type3A_254 : vector<16xf32>
      %parallel_loop3A_391 = arith.select %parallel_loop3A_390, %parallel_loop3A_389, %broadcast_in_dim3A_62 : vector<16xi1>, vector<16xf32>
      %parallel_loop3A_392 = arith.index_cast %parallel_loop3A_387 : i32 to index
      %parallel_loop3A_393 = tpu.vector_load %arg4[%parallel_loop3A_392] {strides = array<i32>} : memref<16384xf32, #tpu.memory_space<vmem>>, vector<16xf32>,
      tpu.vector_store %arg4[%parallel_loop3A_392], %parallel_loop3A_391 {strides = array<i32>} : memref<16384xf32, #tpu.memory_space<vmem>>, vector<16xf32>,
    } {sc.loop_unroll_factor = 4 : i64, sc.parallel_access}
    %add3A_258 = arith.constant 0 : i32
    %add3A_259 = arith.addi %mul3A_2, %add3A_258 : i32
    %dma_start3A_260 = arith.constant 0 : i32
    %dma_start3A_261 = arith.constant 0 : i32
    %dma_start3A_262 = tpu.memref_slice %arg4[%dma_start3A_261] : memref<16384xf32, #tpu.memory_space<vmem>> -> memref<4096xf32, #tpu.memory_space<vmem>>
    %dma_start3A_263 = arith.constant 0 : i32
    %dma_start3A_264 = tpu.memref_slice %arg3[%add3A_259, %dma_start3A_263] : memref<64x8192xf32, #tpu.memory_space<hbm>> -> memref<1x4096xf32, #tpu.memory_space<hbm>>
    %dma_start3A_265 = tpu.memref_squeeze %dma_start3A_264 : memref<1x4096xf32, #tpu.memory_space<hbm>> -> memref<4096xf32, #tpu.memory_space<hbm>>
    %dma_start3A_266 = tpu.memref_slice %arg11[%dma_start3A_260] : memref<2x!tpu.dma_semaphore, #tpu.memory_space<semaphore_mem>> -> memref<1x!tpu.dma_semaphore, #tpu.memory_space<semaphore_mem>>
    %dma_start3A_267 = tpu.memref_squeeze %dma_start3A_266 : memref<1x!tpu.dma_semaphore, #tpu.memory_space<semaphore_mem>> -> memref<!tpu.dma_semaphore, #tpu.memory_space<semaphore_mem>>
    %dma_start3A_268 = arith.constant 0 : i32
    %dma_start3A_269 = tpu.memref_slice %arg3[%add3A_259, %dma_start3A_268] : memref<64x8192xf32, #tpu.memory_space<hbm>> -> memref<1x4096xf32, #tpu.memory_space<hbm>>
    %dma_start3A_270 = tpu.memref_squeeze %dma_start3A_269 : memref<1x4096xf32, #tpu.memory_space<hbm>> -> memref<4096xf32, #tpu.memory_space<hbm>>
    %dma_start3A_271 = arith.constant 0 : i32
    %dma_start3A_272 = tpu.memref_slice %arg4[%dma_start3A_271] : memref<16384xf32, #tpu.memory_space<vmem>> -> memref<4096xf32, #tpu.memory_space<vmem>>
    tpu.enqueue_dma source(%dma_start3A_272 : memref<4096xf32, #tpu.memory_space<vmem>>) target(%dma_start3A_270 : memref<4096xf32, #tpu.memory_space<hbm>>) target_semaphore(%dma_start3A_267 : memref<!tpu.dma_semaphore, #tpu.memory_space<semaphore_mem>>)
    %add3A_273 = arith.constant 1 : i32
    %add3A_274 = arith.addi %mul3A_2, %add3A_273 : i32
    %dma_start3A_275 = arith.constant 0 : i32
    %dma_start3A_276 = arith.constant 8192 : i32
    %dma_start3A_277 = tpu.memref_slice %arg4[%dma_start3A_276] : memref<16384xf32, #tpu.memory_space<vmem>> -> memref<4096xf32, #tpu.memory_space<vmem>>
    %dma_start3A_278 = arith.constant 0 : i32
    %dma_start3A_279 = tpu.memref_slice %arg3[%add3A_274, %dma_start3A_278] : memref<64x8192xf32, #tpu.memory_space<hbm>> -> memref<1x4096xf32, #tpu.memory_space<hbm>>
    %dma_start3A_280 = tpu.memref_squeeze %dma_start3A_279 : memref<1x4096xf32, #tpu.memory_space<hbm>> -> memref<4096xf32, #tpu.memory_space<hbm>>
    %dma_start3A_281 = tpu.memref_slice %arg11[%dma_start3A_275] : memref<2x!tpu.dma_semaphore, #tpu.memory_space<semaphore_mem>> -> memref<1x!tpu.dma_semaphore, #tpu.memory_space<semaphore_mem>>
    %dma_start3A_282 = tpu.memref_squeeze %dma_start3A_281 : memref<1x!tpu.dma_semaphore, #tpu.memory_space<semaphore_mem>> -> memref<!tpu.dma_semaphore, #tpu.memory_space<semaphore_mem>>
    %dma_start3A_283 = arith.constant 0 : i32
    %dma_start3A_284 = tpu.memref_slice %arg3[%add3A_274, %dma_start3A_283] : memref<64x8192xf32, #tpu.memory_space<hbm>> -> memref<1x4096xf32, #tpu.memory_space<hbm>>
    %dma_start3A_285 = tpu.memref_squeeze %dma_start3A_284 : memref<1x4096xf32, #tpu.memory_space<hbm>> -> memref<4096xf32, #tpu.memory_space<hbm>>
    %dma_start3A_286 = arith.constant 8192 : i32
    %dma_start3A_287 = tpu.memref_slice %arg4[%dma_start3A_286] : memref<16384xf32, #tpu.memory_space<vmem>> -> memref<4096xf32, #tpu.memory_space<vmem>>
    tpu.enqueue_dma source(%dma_start3A_287 : memref<4096xf32, #tpu.memory_space<vmem>>) target(%dma_start3A_285 : memref<4096xf32, #tpu.memory_space<hbm>>) target_semaphore(%dma_start3A_282 : memref<!tpu.dma_semaphore, #tpu.memory_space<semaphore_mem>>)
    %parallel_loop3A_288 = arith.constant 256 : i32
    %parallel_loop3A_289 = arith.constant 512 : i32
    %parallel_loop3A_290 = arith.constant 1 : i32
    scf.for %parallel_loop3A_373 = %parallel_loop3A_288 to %parallel_loop3A_289 step %parallel_loop3A_290  : i32 {
      %parallel_loop3A_374 = arith.constant 16 : i32
      %parallel_loop3A_375 = arith.muli %parallel_loop3A_373, %parallel_loop3A_374 : i32
      %parallel_loop3A_376 = arith.constant 0 : i32
      %parallel_loop3A_377 = arith.addi %parallel_loop3A_376, %parallel_loop3A_375 : i32
      %parallel_loop3A_378 = arith.index_cast %parallel_loop3A_377 : i32 to index
      %parallel_loop3A_379 = tpu.vector_load %arg4[%parallel_loop3A_378] {strides = array<i32>} : memref<16384xf32, #tpu.memory_space<vmem>>, vector<16xf32>,
      %parallel_loop3A_380 = arith.cmpf oge, %parallel_loop3A_379, %bitcast_convert_type3A : vector<16xf32>
      %parallel_loop3A_381 = arith.select %parallel_loop3A_380, %parallel_loop3A_379, %broadcast_in_dim3A_62 : vector<16xi1>, vector<16xf32>
      %parallel_loop3A_382 = arith.index_cast %parallel_loop3A_377 : i32 to index
      %parallel_loop3A_383 = tpu.vector_load %arg4[%parallel_loop3A_382] {strides = array<i32>} : memref<16384xf32, #tpu.memory_space<vmem>>, vector<16xf32>,
      tpu.vector_store %arg4[%parallel_loop3A_382], %parallel_loop3A_381 {strides = array<i32>} : memref<16384xf32, #tpu.memory_space<vmem>>, vector<16xf32>,
      %parallel_loop3A_384 = arith.constant 16 : i32
      %parallel_loop3A_385 = arith.muli %parallel_loop3A_373, %parallel_loop3A_384 : i32
      %parallel_loop3A_386 = arith.constant 8192 : i32
      %parallel_loop3A_387 = arith.addi %parallel_loop3A_386, %parallel_loop3A_385 : i32
      %parallel_loop3A_388 = arith.index_cast %parallel_loop3A_387 : i32 to index
      %parallel_loop3A_389 = tpu.vector_load %arg4[%parallel_loop3A_388] {strides = array<i32>} : memref<16384xf32, #tpu.memory_space<vmem>>, vector<16xf32>,
      %parallel_loop3A_390 = arith.cmpf oge, %parallel_loop3A_389, %bitcast_convert_type3A_254 : vector<16xf32>
      %parallel_loop3A_391 = arith.select %parallel_loop3A_390, %parallel_loop3A_389, %broadcast_in_dim3A_62 : vector<16xi1>, vector<16xf32>
      %parallel_loop3A_392 = arith.index_cast %parallel_loop3A_387 : i32 to index
      %parallel_loop3A_393 = tpu.vector_load %arg4[%parallel_loop3A_392] {strides = array<i32>} : memref<16384xf32, #tpu.memory_space<vmem>>, vector<16xf32>,
      tpu.vector_store %arg4[%parallel_loop3A_392], %parallel_loop3A_391 {strides = array<i32>} : memref<16384xf32, #tpu.memory_space<vmem>>, vector<16xf32>,
    } {sc.loop_unroll_factor = 4 : i64, sc.parallel_access}
    %add3A_291 = arith.constant 0 : i32
    %add3A_292 = arith.addi %mul3A_2, %add3A_291 : i32
    %dma_start3A_293 = arith.constant 1 : i32
    %dma_start3A_294 = arith.constant 4096 : i32
    %dma_start3A_295 = tpu.memref_slice %arg4[%dma_start3A_294] : memref<16384xf32, #tpu.memory_space<vmem>> -> memref<4096xf32, #tpu.memory_space<vmem>>
    %dma_start3A_296 = arith.constant 4096 : i32
    %dma_start3A_297 = tpu.memref_slice %arg3[%add3A_292, %dma_start3A_296] : memref<64x8192xf32, #tpu.memory_space<hbm>> -> memref<1x4096xf32, #tpu.memory_space<hbm>>
    %dma_start3A_298 = tpu.memref_squeeze %dma_start3A_297 : memref<1x4096xf32, #tpu.memory_space<hbm>> -> memref<4096xf32, #tpu.memory_space<hbm>>
    %dma_start3A_299 = tpu.memref_slice %arg11[%dma_start3A_293] : memref<2x!tpu.dma_semaphore, #tpu.memory_space<semaphore_mem>> -> memref<1x!tpu.dma_semaphore, #tpu.memory_space<semaphore_mem>>
    %dma_start3A_300 = tpu.memref_squeeze %dma_start3A_299 : memref<1x!tpu.dma_semaphore, #tpu.memory_space<semaphore_mem>> -> memref<!tpu.dma_semaphore, #tpu.memory_space<semaphore_mem>>
    %dma_start3A_301 = arith.constant 4096 : i32
    %dma_start3A_302 = tpu.memref_slice %arg3[%add3A_292, %dma_start3A_301] : memref<64x8192xf32, #tpu.memory_space<hbm>> -> memref<1x4096xf32, #tpu.memory_space<hbm>>
    %dma_start3A_303 = tpu.memref_squeeze %dma_start3A_302 : memref<1x4096xf32, #tpu.memory_space<hbm>> -> memref<4096xf32, #tpu.memory_space<hbm>>
    %dma_start3A_304 = arith.constant 4096 : i32
    %dma_start3A_305 = tpu.memref_slice %arg4[%dma_start3A_304] : memref<16384xf32, #tpu.memory_space<vmem>> -> memref<4096xf32, #tpu.memory_space<vmem>>
    tpu.enqueue_dma source(%dma_start3A_305 : memref<4096xf32, #tpu.memory_space<vmem>>) target(%dma_start3A_303 : memref<4096xf32, #tpu.memory_space<hbm>>) target_semaphore(%dma_start3A_300 : memref<!tpu.dma_semaphore, #tpu.memory_space<semaphore_mem>>)
    %add3A_306 = arith.constant 1 : i32
    %add3A_307 = arith.addi %mul3A_2, %add3A_306 : i32
    %dma_start3A_308 = arith.constant 1 : i32
    %dma_start3A_309 = arith.constant 12288 : i32
    %dma_start3A_310 = tpu.memref_slice %arg4[%dma_start3A_309] : memref<16384xf32, #tpu.memory_space<vmem>> -> memref<4096xf32, #tpu.memory_space<vmem>>
    %dma_start3A_311 = arith.constant 4096 : i32
    %dma_start3A_312 = tpu.memref_slice %arg3[%add3A_307, %dma_start3A_311] : memref<64x8192xf32, #tpu.memory_space<hbm>> -> memref<1x4096xf32, #tpu.memory_space<hbm>>
    %dma_start3A_313 = tpu.memref_squeeze %dma_start3A_312 : memref<1x4096xf32, #tpu.memory_space<hbm>> -> memref<4096xf32, #tpu.memory_space<hbm>>
    %dma_start3A_314 = tpu.memref_slice %arg11[%dma_start3A_308] : memref<2x!tpu.dma_semaphore, #tpu.memory_space<semaphore_mem>> -> memref<1x!tpu.dma_semaphore, #tpu.memory_space<semaphore_mem>>
    %dma_start3A_315 = tpu.memref_squeeze %dma_start3A_314 : memref<1x!tpu.dma_semaphore, #tpu.memory_space<semaphore_mem>> -> memref<!tpu.dma_semaphore, #tpu.memory_space<semaphore_mem>>
    %dma_start3A_316 = arith.constant 4096 : i32
    %dma_start3A_317 = tpu.memref_slice %arg3[%add3A_307, %dma_start3A_316] : memref<64x8192xf32, #tpu.memory_space<hbm>> -> memref<1x4096xf32, #tpu.memory_space<hbm>>
    %dma_start3A_318 = tpu.memref_squeeze %dma_start3A_317 : memref<1x4096xf32, #tpu.memory_space<hbm>> -> memref<4096xf32, #tpu.memory_space<hbm>>
    %dma_start3A_319 = arith.constant 12288 : i32
    %dma_start3A_320 = tpu.memref_slice %arg4[%dma_start3A_319] : memref<16384xf32, #tpu.memory_space<vmem>> -> memref<4096xf32, #tpu.memory_space<vmem>>
    tpu.enqueue_dma source(%dma_start3A_320 : memref<4096xf32, #tpu.memory_space<vmem>>) target(%dma_start3A_318 : memref<4096xf32, #tpu.memory_space<hbm>>) target_semaphore(%dma_start3A_315 : memref<!tpu.dma_semaphore, #tpu.memory_space<semaphore_mem>>)
    %dma_wait3A_321 = arith.constant 0 : i32
    %dma_wait3A_322 = arith.constant 0 : i32
    %dma_wait3A_323 = tpu.memref_slice %arg4[%dma_wait3A_322] : memref<16384xf32, #tpu.memory_space<vmem>> -> memref<4096xf32, #tpu.memory_space<vmem>>
    %dma_wait3A_324 = arith.constant 0 : i32
    %dma_wait3A_325 = tpu.memref_slice %arg3[%add3A_259, %dma_wait3A_324] : memref<64x8192xf32, #tpu.memory_space<hbm>> -> memref<1x4096xf32, #tpu.memory_space<hbm>>
    %dma_wait3A_326 = tpu.memref_squeeze %dma_wait3A_325 : memref<1x4096xf32, #tpu.memory_space<hbm>> -> memref<4096xf32, #tpu.memory_space<hbm>>
    %dma_wait3A_327 = tpu.memref_slice %arg11[%dma_wait3A_321] : memref<2x!tpu.dma_semaphore, #tpu.memory_space<semaphore_mem>> -> memref<1x!tpu.dma_semaphore, #tpu.memory_space<semaphore_mem>>
    %dma_wait3A_328 = tpu.memref_squeeze %dma_wait3A_327 : memref<1x!tpu.dma_semaphore, #tpu.memory_space<semaphore_mem>> -> memref<!tpu.dma_semaphore, #tpu.memory_space<semaphore_mem>>
    %dma_wait3A_329 = arith.constant 0 : i32
    %dma_wait3A_330 = tpu.memref_slice %arg3[%add3A_259, %dma_wait3A_329] : memref<64x8192xf32, #tpu.memory_space<hbm>> -> memref<1x4096xf32, #tpu.memory_space<hbm>>
    %dma_wait3A_331 = tpu.memref_squeeze %dma_wait3A_330 : memref<1x4096xf32, #tpu.memory_space<hbm>> -> memref<4096xf32, #tpu.memory_space<hbm>>
    %dma_wait3A_332 = arith.constant 0 : i32
    %dma_wait3A_333 = tpu.memref_slice %arg4[%dma_wait3A_332] : memref<16384xf32, #tpu.memory_space<vmem>> -> memref<4096xf32, #tpu.memory_space<vmem>>
    tpu.wait_dma2 semaphore(%dma_wait3A_328 : memref<!tpu.dma_semaphore, #tpu.memory_space<semaphore_mem>>) src(%dma_wait3A_333 : memref<4096xf32, #tpu.memory_space<vmem>>) dst(%dma_wait3A_331 : memref<4096xf32, #tpu.memory_space<hbm>>)
    %dma_wait3A_334 = arith.constant 0 : i32
    %dma_wait3A_335 = arith.constant 8192 : i32
    %dma_wait3A_336 = tpu.memref_slice %arg4[%dma_wait3A_335] : memref<16384xf32, #tpu.memory_space<vmem>> -> memref<4096xf32, #tpu.memory_space<vmem>>
    %dma_wait3A_337 = arith.constant 0 : i32
    %dma_wait3A_338 = tpu.memref_slice %arg3[%add3A_274, %dma_wait3A_337] : memref<64x8192xf32, #tpu.memory_space<hbm>> -> memref<1x4096xf32, #tpu.memory_space<hbm>>
    %dma_wait3A_339 = tpu.memref_squeeze %dma_wait3A_338 : memref<1x4096xf32, #tpu.memory_space<hbm>> -> memref<4096xf32, #tpu.memory_space<hbm>>
    %dma_wait3A_340 = tpu.memref_slice %arg11[%dma_wait3A_334] : memref<2x!tpu.dma_semaphore, #tpu.memory_space<semaphore_mem>> -> memref<1x!tpu.dma_semaphore, #tpu.memory_space<semaphore_mem>>
    %dma_wait3A_341 = tpu.memref_squeeze %dma_wait3A_340 : memref<1x!tpu.dma_semaphore, #tpu.memory_space<semaphore_mem>> -> memref<!tpu.dma_semaphore, #tpu.memory_space<semaphore_mem>>
    %dma_wait3A_342 = arith.constant 0 : i32
    %dma_wait3A_343 = tpu.memref_slice %arg3[%add3A_274, %dma_wait3A_342] : memref<64x8192xf32, #tpu.memory_space<hbm>> -> memref<1x4096xf32, #tpu.memory_space<hbm>>
    %dma_wait3A_344 = tpu.memref_squeeze %dma_wait3A_343 : memref<1x4096xf32, #tpu.memory_space<hbm>> -> memref<4096xf32, #tpu.memory_space<hbm>>
    %dma_wait3A_345 = arith.constant 8192 : i32
    %dma_wait3A_346 = tpu.memref_slice %arg4[%dma_wait3A_345] : memref<16384xf32, #tpu.memory_space<vmem>> -> memref<4096xf32, #tpu.memory_space<vmem>>
    tpu.wait_dma2 semaphore(%dma_wait3A_341 : memref<!tpu.dma_semaphore, #tpu.memory_space<semaphore_mem>>) src(%dma_wait3A_346 : memref<4096xf32, #tpu.memory_space<vmem>>) dst(%dma_wait3A_344 : memref<4096xf32, #tpu.memory_space<hbm>>)
    %dma_wait3A_347 = arith.constant 1 : i32
    %dma_wait3A_348 = arith.constant 4096 : i32
    %dma_wait3A_349 = tpu.memref_slice %arg4[%dma_wait3A_348] : memref<16384xf32, #tpu.memory_space<vmem>> -> memref<4096xf32, #tpu.memory_space<vmem>>
    %dma_wait3A_350 = arith.constant 4096 : i32
    %dma_wait3A_351 = tpu.memref_slice %arg3[%add3A_292, %dma_wait3A_350] : memref<64x8192xf32, #tpu.memory_space<hbm>> -> memref<1x4096xf32, #tpu.memory_space<hbm>>
    %dma_wait3A_352 = tpu.memref_squeeze %dma_wait3A_351 : memref<1x4096xf32, #tpu.memory_space<hbm>> -> memref<4096xf32, #tpu.memory_space<hbm>>
    %dma_wait3A_353 = tpu.memref_slice %arg11[%dma_wait3A_347] : memref<2x!tpu.dma_semaphore, #tpu.memory_space<semaphore_mem>> -> memref<1x!tpu.dma_semaphore, #tpu.memory_space<semaphore_mem>>
    %dma_wait3A_354 = tpu.memref_squeeze %dma_wait3A_353 : memref<1x!tpu.dma_semaphore, #tpu.memory_space<semaphore_mem>> -> memref<!tpu.dma_semaphore, #tpu.memory_space<semaphore_mem>>
    %dma_wait3A_355 = arith.constant 4096 : i32
    %dma_wait3A_356 = tpu.memref_slice %arg3[%add3A_292, %dma_wait3A_355] : memref<64x8192xf32, #tpu.memory_space<hbm>> -> memref<1x4096xf32, #tpu.memory_space<hbm>>
    %dma_wait3A_357 = tpu.memref_squeeze %dma_wait3A_356 : memref<1x4096xf32, #tpu.memory_space<hbm>> -> memref<4096xf32, #tpu.memory_space<hbm>>
    %dma_wait3A_358 = arith.constant 4096 : i32
    %dma_wait3A_359 = tpu.memref_slice %arg4[%dma_wait3A_358] : memref<16384xf32, #tpu.memory_space<vmem>> -> memref<4096xf32, #tpu.memory_space<vmem>>
    tpu.wait_dma2 semaphore(%dma_wait3A_354 : memref<!tpu.dma_semaphore, #tpu.memory_space<semaphore_mem>>) src(%dma_wait3A_359 : memref<4096xf32, #tpu.memory_space<vmem>>) dst(%dma_wait3A_357 : memref<4096xf32, #tpu.memory_space<hbm>>)
    %dma_wait3A_360 = arith.constant 1 : i32
    %dma_wait3A_361 = arith.constant 12288 : i32
    %dma_wait3A_362 = tpu.memref_slice %arg4[%dma_wait3A_361] : memref<16384xf32, #tpu.memory_space<vmem>> -> memref<4096xf32, #tpu.memory_space<vmem>>
    %dma_wait3A_363 = arith.constant 4096 : i32
    %dma_wait3A_364 = tpu.memref_slice %arg3[%add3A_307, %dma_wait3A_363] : memref<64x8192xf32, #tpu.memory_space<hbm>> -> memref<1x4096xf32, #tpu.memory_space<hbm>>
    %dma_wait3A_365 = tpu.memref_squeeze %dma_wait3A_364 : memref<1x4096xf32, #tpu.memory_space<hbm>> -> memref<4096xf32, #tpu.memory_space<hbm>>
    %dma_wait3A_366 = tpu.memref_slice %arg11[%dma_wait3A_360] : memref<2x!tpu.dma_semaphore, #tpu.memory_space<semaphore_mem>> -> memref<1x!tpu.dma_semaphore, #tpu.memory_space<semaphore_mem>>
    %dma_wait3A_367 = tpu.memref_squeeze %dma_wait3A_366 : memref<1x!tpu.dma_semaphore, #tpu.memory_space<semaphore_mem>> -> memref<!tpu.dma_semaphore, #tpu.memory_space<semaphore_mem>>
    %dma_wait3A_368 = arith.constant 4096 : i32
    %dma_wait3A_369 = tpu.memref_slice %arg3[%add3A_307, %dma_wait3A_368] : memref<64x8192xf32, #tpu.memory_space<hbm>> -> memref<1x4096xf32, #tpu.memory_space<hbm>>
    %dma_wait3A_370 = tpu.memref_squeeze %dma_wait3A_369 : memref<1x4096xf32, #tpu.memory_space<hbm>> -> memref<4096xf32, #tpu.memory_space<hbm>>
    %dma_wait3A_371 = arith.constant 12288 : i32
    %dma_wait3A_372 = tpu.memref_slice %arg4[%dma_wait3A_371] : memref<16384xf32, #tpu.memory_space<vmem>> -> memref<4096xf32, #tpu.memory_space<vmem>>
    tpu.wait_dma2 semaphore(%dma_wait3A_367 : memref<!tpu.dma_semaphore, #tpu.memory_space<semaphore_mem>>) src(%dma_wait3A_372 : memref<4096xf32, #tpu.memory_space<vmem>>) dst(%dma_wait3A_370 : memref<4096xf32, #tpu.memory_space<hbm>>)
    return
  }
}

</mosaic_0001>

<sc_bundles>
// kernel: kernel.3.cloned.1.call-start
scs
__scs_entry_jumppad:
0x0: {  	(pc) =	sbr.rel $0x88, $3  }
0x1: {  	(tag) =	ssettag $0x0;
	lr =	simm.s32 $0x1  }
0x2: {  	[smem:$0x3FA0] =	sst lr;
	_ =	strace $0xD0000000  }
0x3: {  	_ = 	snop  }
0x4: {  	_ = 	snop  }
0x5: {  	_ = 	snop  }
0x6: {  	_ = 	snop  }
0x7: {  	_ = 	snop  }
__scs_overlays_trampoline_lowered:
0x8: {  	[smem:$0x3FAF] =	sst s0  }
0x9: {  	[smem:$0x3FB0] =	sst s1  }
0xa: {  	[smem:$0x3FB1] =	sst s2  }
0xb: {  	[smem:$0x3FB2] =	sst s3  }
0xc: {  	[smem:$0x3FB3] =	sst s4  }
0xd: {  	[smem:$0x3FB4] =	sst s5  }
0xe: {  	[smem:$0x3FB5] =	sst s6  }
0xf: {  	[smem:$0x3FB6] =	sst s7  }
0x10: {  	[smem:$0x3FB7] =	sst s8  }
0x11: {  	[smem:$0x3FB8] =	sst s9;
	s0 =	simm.s32 @!p0 $0x0  }
0x12: {  	s1 =	sld [smem:$0x3F9E];
	s0 =	simm.s32 @p0 $0x1  }
0x13: {  	[smem:$0x3FB9] =	sst s0;
	s0 =	simm.s32 @!p1 $0x0  }
0x14: {  	s2 =	sld [smem:$0x3F9D];
	s0 =	simm.s32 @p1 $0x1  }
0x15: {  	[smem:$0x3FBA] =	sst s0;
	s0 =	simm.s32 @!p2 $0x0  }
0x16: {  	s3 =	sld [smem:$0x3FDB];
	s0 =	simm.s32 @p2 $0x1  }
0x17: {  	s4 =	simm.s32 $0x1BF5;
	[smem:$0x3FBC] =	sst s0  }
0x18: {  	s0 =	sld [smem:$0x3F9F];
	_ =	swait.ge [sflag:s4], $0x0  }
0x19: {  	s7 =	sld [smem:$0x3FA0]  }
0x1a: {  	s8 =	sadd.s32 $0xFFFFE003, lr  }
0x1b: {  	s9 =	sadd.s32 $0xFFFFFEF7, lr;
	s5 =	simm.s32 $0xFFFFFFFF;
	p2 =	slt.u32 s8, $0xFFFFF086  }
0x1c: {  	p1 =	slt.u32 s9, $0xF7A;
	s5 =	simm.s32 @!p2 $0x0  }
0x1d: {  	s5 =	simm.s32 @p1 $0x1;
	p0 =	seq.s32 s7, s2  }
0x1e: {  	s7 =	smul.u32 @!p0 $0xF7A, s2;
	p2 =	seq.s32 @!p0 s5, $0x0  }
0x1f: {  	s9 =	smul.u32 $0xF7A, s1;
	s8 =	simm.s32 @!p0 $0x1BF5;
	p2 =	por !p2, p0  }
0x20: {  	[sflag:s8] =	ssyncset.s32 @!p0 $0xFFFFF086;
	s6 =	sadd.s32 @!p0 s3, s7;
	s7 =	simm.s32 @!p0 $0x108  }
0x21: {  	s3 =	sadd.s32 s3, s9;
	s6 =	sadd.s32 @!p0 $0x88, s6;
	s7 =	simm.s32 @p2 $0x1082  }
0x22: {  	[simem:s7], [sflag:s8] =	dma.local @!p0 [hbm:s6], $0xF7A  }
0x23: {  	s9 =	sor.u32 $0xD0000000, s2;
	s6 =	simm.s32 $0x108;
	_ =	swait.ge @!p0 [sflag:s8], $0x0  }
0x24: {  	s3 =	sadd.s32 $0x88, s3;
	s6 =	simm.s32 @!p1 $0x1082;
	[sflag:s4] =	ssyncset.s32 $0xFFFFF086  }
0x25: {  	[simem:s6], [sflag:s4] =	dma.local [hbm:s3], $0xF7A  }
0x26: {  	[smem:$0x3FA0] =	sst s1;
	(tag) =	ssettag s2;
	_ =	strace s9  }
0x27: {  	s1 =	sld [smem:$0x3FB0]  }
0x28: {  	s2 =	sld [smem:$0x3FB1]  }
0x29: {  	s4 =	sld [smem:$0x3FB3]  }
0x2a: {  	p0 =	seq.s32 s5, $0x0;
	s5 =	sld [smem:$0x3FB4]  }
0x2b: {  	s6 =	sld [smem:$0x3FB5]  }
0x2c: {  	s7 =	sld [smem:$0x3FB6]  }
0x2d: {  	s3 =	simm.s32 $0x108;
	s8 =	sld [smem:$0x3FB7]  }
0x2e: {  	s3 =	simm.s32 @!p0 $0x1082;
	s9 =	sld [smem:$0x3FB8]  }
0x2f: {  	lr =	sadd.s32 s0, s3;
	s0 =	sld [smem:$0x3FAF]  }
0x30: {  	s3 =	sld [smem:$0x3FB2]  }
0x31: {  	[smem:$0x3FBB] =	sst s10  }
0x32: {  	s10 =	sld [smem:$0x3FB9];
	_ =	sdelay $0x3  }
0x33: {  	p0 =	seq.s32 s10, $0x1;
	s10 =	sld [smem:$0x3FBB];
	_ =	sdelay $0x3  }
0x34: {  	[smem:$0x3FBB] =	sst s10  }
0x35: {  	s10 =	sld [smem:$0x3FBA];
	_ =	sdelay $0x3  }
0x36: {  	p1 =	seq.s32 s10, $0x1;
	s10 =	sld [smem:$0x3FBB];
	_ =	sdelay $0x3  }
0x37: {  	[smem:$0x3FBB] =	sst s10  }
0x38: {  	s10 =	sld [smem:$0x3FBC]  }
0x39: {  	_ = 	snop;
	(pc) =	sbr.ind lr, $3  }
0x3a: {  	_ = 	snop  }
0x3b: {  	_ = 	snop  }
0x3c: {  	p2 =	seq.s32 s10, $0x1;
	s10 =	sld [smem:$0x3FBB]  }
0x3d: {  	_ =	shalt  }
0x3e: {  	_ =	shalt  }
0x3f: {  	_ =	shalt  }
0x40: {  	_ =	shalt  }
0x41: {  	_ =	shalt  }
0x42: {  	_ =	shalt  }
0x43: {  	_ =	shalt  }
0x44: {  	_ =	shalt  }
0x45: {  	_ =	shalt  }
0x46: {  	_ =	shalt  }
0x47: {  	_ =	shalt  }
0x48: {  	_ =	shalt  }
0x49: {  	_ =	shalt  }
0x4a: {  	_ =	shalt  }
0x4b: {  	_ =	shalt  }
0x4c: {  	_ =	shalt  }
0x4d: {  	_ =	shalt  }
0x4e: {  	_ =	shalt  }
0x4f: {  	_ =	shalt  }
0x50: {  	_ =	shalt  }
0x51: {  	_ =	shalt  }
0x52: {  	_ =	shalt  }
0x53: {  	_ =	shalt  }
0x54: {  	_ =	shalt  }
0x55: {  	_ =	shalt  }
0x56: {  	_ =	shalt  }
0x57: {  	_ =	shalt  }
0x58: {  	_ =	shalt  }
0x59: {  	_ =	shalt  }
0x5a: {  	_ =	shalt  }
0x5b: {  	_ =	shalt  }
0x5c: {  	_ =	shalt  }
0x5d: {  	_ =	shalt  }
0x5e: {  	_ =	shalt  }
0x5f: {  	_ =	shalt  }
0x60: {  	_ =	shalt  }
0x61: {  	_ =	shalt  }
0x62: {  	_ =	shalt  }
0x63: {  	_ =	shalt  }
0x64: {  	_ =	shalt  }
0x65: {  	_ =	shalt  }
0x66: {  	_ =	shalt  }
0x67: {  	_ =	shalt  }
0x68: {  	_ =	shalt  }
0x69: {  	_ =	shalt  }
0x6a: {  	_ =	shalt  }
0x6b: {  	_ =	shalt  }
0x6c: {  	_ =	shalt  }
0x6d: {  	_ =	shalt  }
0x6e: {  	_ =	shalt  }
0x6f: {  	_ =	shalt  }
0x70: {  	_ =	shalt  }
0x71: {  	_ =	shalt  }
0x72: {  	_ =	shalt  }
0x73: {  	_ =	shalt  }
0x74: {  	_ =	shalt  }
0x75: {  	_ =	shalt  }
0x76: {  	_ =	shalt  }
0x77: {  	_ =	shalt  }
0x78: {  	_ =	shalt  }
0x79: {  	_ =	shalt  }
0x7a: {  	_ =	shalt  }
0x7b: {  	_ =	shalt  }
0x7c: {  	_ =	shalt  }
0x7d: {  	_ =	shalt  }
0x7e: {  	_ =	shalt  }
0x7f: {  	_ =	shalt  }
0x80: {  	_ =	shalt  }
0x81: {  	_ =	shalt  }
0x82: {  	_ =	shalt  }
0x83: {  	_ =	shalt  }
0x84: {  	_ =	shalt  }
0x85: {  	_ =	shalt  }
0x86: {  	_ =	shalt  }
0x87: {  	_ =	shalt  }
.Lfunc_end0:
.L_simem_size_0:
called_computation_lowered:
.L_overlay_start_0:
0x88: {  	s2 =	sld [smem:$0x3FD9]  }
0x89: {  	s3 =	sld [smem:$0x3FFE];
	_ =	sdelay $0x1  }
0x8a: {  	s1 =	srdreg.scid  }
0x8b: {  	s0 =	sand.u32 $0x1, s1  }
0x8c: {  	s18 =	sshll.u32 s0, $0xA;
	s2 =	sadd.s32 s3, s2  }
0x8d: {  	s2 =	sadd.s32 s2, s18  }
0x8e: {  	[smem:$0x3FC7] =	sst s2  }
0x8f: {  	_ = 	snop  }
0x90: {  	s2 =	sld [smem:$0x3FC9]  }
0x91: {  	s19 =	sld [smem:$0x3FD0];
	(tm) =	ssettm $0x1  }
0x92: {  	s4 =	sld [smem:$0x3FFB];
	_ =	sdelay $0x3  }
0x93: {  	_ =	strace s4  }
0x94: {  	s4 =	sld [smem:$0x3FFC];
	_ =	sdelay $0x3  }
0x95: {  	_ =	strace s4  }
0x96: {  	s4 =	sld [smem:$0x3FFD];
	_ =	sdelay $0x3  }
0x97: {  	_ =	strace s4  }
0x98: {  	_ =	strace $0x8FFFFFFF  }
0x99: {  	s20 =	sld [smem:$0x3FDB];
	_ =	sdelay $0x1  }
0x9a: {  	s5 =	simm.s32 $_scs_section_size  }
0x9b: {  	s6 =	simm.s32 $_size__tile_overlayer_lowered;
	s7 =	simm.s32 $_tile_overlayer_lowered  }
0x9c: {  	s23 =	simm.s32 $0x1BFF;
	s22 =	sshll.u32 s7, $0x1;
	s4 =	sadd.s32 s5, s20  }
0x9d: {  	s8 =	simm.s32 $0x0;
	s21 =	sshll.u32 s6, $0x1;
	s6 =	sadd.s32 s22, s4  }
0x9e: {  	[timem:s8], [sflag:s23] =	dma.local [hbm:s6], s21  }
0x9f: {  	_ =	swait.ge [sflag:s23], s21  }
0xa0: {  	s5 =	ssub.s32 $0x0, s21;
	[sflag:s23] =	ssyncset.done $0x0  }
0xa1: {  	[sflag:s23] =	ssyncadd.s32 s5;
	_ =	sdelay $0x1  }
0xa2: {  	s24 =	simm.s32 $0x1B8B  }
0xa3: {  	_ =	swait.ge [sflag:s24], $0x1  }
0xa4: {  	[sflag:s24] =	ssyncset.done $0x0  }
0xa5: {  	s25 =	simm.s32 $0x1B8E;
	[sflag:s24] =	ssyncadd.s32 $0xFFFFFFFF  }
0xa6: {  	s26 =	simm.s32 $execute0_lowered;
	[smem:$0x3FD2] =	sst s25  }
0xa7: {  	s5 =	sshll.u32 s26, $0x1;
	_ =	strace $0x80000046;
	[dreg:$0x1] =	wrdreg $0xFFFFFFFF  }
0xa8: {  	s28 =	simm.s32 $_size_execute0_lowered;
	s4 =	sadd.s32 s4, s5;
	[dreg:$0x0] =	wrdreg $0x0  }
0xa9: {  	s5 =	sshll.u32 s28, $0x1;
	[dreg:$0x2] =	wrdreg s4  }
0xaa: {  	[dreg:$0x3] =	wrdreg s5  }
0xab: {  	[dreg:$0x4] =	wrdreg $0xC0  }
0xac: {  	_ =	task [dreg:s8], $0x5FFFF  }
0xad: {  	[dreg:$0x1] =	wrdreg $0xFFFFFFFF  }
0xae: {  	[dreg:$0x0] =	wrdreg $0x60  }
0xaf: {  	[dreg:$0x2] =	wrdreg s2  }
0xb0: {  	[dreg:$0x3] =	wrdreg s19  }
0xb1: {  	[dreg:$0x4] =	wrdreg $0x9  }
0xb2: {  	_ =	task.clear_ibuf [dreg:s8], $0x5FFFF;
	_ =	strace $0x90000046  }
0xb3: {  	s29 =	simm.s32 $0x9;
	_ =	strace $0x80000048  }
0xb4: {  	_ =	swait.ge [sflag:s29], $0x1  }
0xb5: {  	[sflag:s29] =	ssyncadd.s32 $0xFFFFFFFF  }
0xb6: {  	_ =	strace $0x90000048  }
0xb7: {  	_ =	sfence  }
0xb8: {  	s30 =	sld [smem:$0x0];
	_ =	sdelay $0x2  }
0xb9: {  	s31 =	sshll.u32 s1, $0xD;
	s1 =	sshrl.u32 s1, $0x2  }
0xba: {  	s3 =	sand.u32 $0x4000, s31;
	s1 =	sadd.s32 s1, s30  }
0xbb: {  	s0 =	sor.u32 s3, s0;
	s1 =	sshll.u32 s1, $0x11  }
0xbc: {  	s0 =	sor.u32 s1, s0  }
0xbd: {  	s0 =	sadd.s32 $0x8F2B, s0  }
0xbe: {  	[sflag:s0] =	ssyncadd.remote.s32 $0x1  }
0xbf: {  	_ =	sfence.sel $0xFFFF  }
0xc0: {  	[dreg:$0x0] =	wrdreg $0xFFFFFFFF;
	(pc) =	sbr.abs _section_cstart, $3  }
0xc1: {  	[dreg:$0x1] =	wrdreg $0xFFFFFFFF  }
0xc2: {  	_ =	task.clear_ibuf [dreg:s8], $0x2FFFF;
	_ =	strace $0x9FFFFFFF  }
0xc3: {  	(tm) =	ssettm $0x7FFFFFFF  }
tec
execute0_lowered:
.L_overlay_start_1:
0x0: {  	(tag) =	ssettag $0x1  }
0x1: {  	s0 =	rddreg [dreg:$0x0]  }
0x2: {  	s1 =	rddreg [dreg:$0x1]  }
0x3: {  	s2 =	srdreg.scid;
	s5 =	stileid.u32;
	s6 =	simm.s32 $0x0  }
0x4: {  	s12 =	simm.s32 $0x80;
	s13 =	simm.s32 $0x400;
	s17 =	simm.s32 $0x1  }
0x5: {  	s18 =	simm.s32 $0x8000;
	s19 =	simm.s32 $0x8100;
	s20 =	simm.s32 $0x2  }
0x6: {  	s21 =	simm.s32 $0x8200;
	s22 =	simm.s32 $0x8300;
	s23 =	simm.s32 $0x4000  }
0x7: {  	s24 =	simm.s32 $0x6000;
	s25 =	simm.s32 $0x3;
	s28 =	simm.s32 $0x0  }
0x8: {  	s2 =	sand.u32 $0x1, s2;
	s3 =	sshll.u32 s5, $0x6;
	s5 =	sshll.u32 s5, $0xC  }
0x9: {  	[smem:$0x7FF] =	sst s6;
	s4 =	sshll.u32 s2, $0x5;
	s3 =	sand.u32 $0x40, s3  }
0xa: {  	s2 =	ssub.s32 $0x2, s2;
	s5 =	sand.u32 $0xE000, s5;
	_ =	strace $0x80000047  }
0xb: {  	s3 =	sor.u32 s4, s3;
	s26 =	sshrl.u32 s2, $0x1;
	s4 =	simm.s32 $0x2000  }
0xc: {  	s3 =	sor.u32 s5, s3;
	s5 =	simm.s32 $0x0;
	s2 =	ssub.s32 s2, s26  }
0xd: {  	s26 =	simm.s32 $0x4;
	s29 =	sadd.s32 s0, s3;
	s8 =	sor.u32 $0x10, s3  }
0xe: {  	s9 =	sor.u32 $0x1000, s3;
	s10 =	sor.u32 $0x1010, s3;
	s7 =	sadd.s32 s1, s3  }
0xf: {  	v0 =	vlaneseq.u32;
	s11 =	smax.u32 s2, $0x1;
	s2 =	simm.s32 $0x3000;
	[dreg:$0x3] =	wrdreg s29  }
0x10: {  	v3 =	vmul.u32 $0xFFFFFFFF, v0;
	s30 =	sadd.s32 s0, s8;
	s31 =	sadd.s32 s0, s9;
	s6 =	sadd.s32 s0, s10  }
0x11: {  	v1 =	vimm.s32 $0x0;
	s8 =	sadd.s32 s1, s8;
	s9 =	sadd.s32 s1, s9;
	[dreg:$0x4] =	wrdreg s30  }
0x12: {  	v2 =	vimm.s32 $0x1;
	v4 =	vimm.s32 $0x80000000;
	v3 =	vadd.s32 $0xF, v3;
	s10 =	sadd.s32 s1, s10;
	s1 =	simm.s32 $0x1000;
	[dreg:$0x5] =	wrdreg s31  }
.LBB2_1:
0x13: {  	s0 =	rddreg [dreg:$0x3]  }
0x14: {  	[tilespmem:s5], [sflag:$0x1] =	stream.strided.gather [hbm4b:s0+s12], $0x1000, s13, s12, $0x38;
	[tilespmem:$0x8400] =	vst v63  }
0x15: {  	s29 =	rddreg [dreg:$0x4]  }
0x16: {  	[tilespmem:s4], [sflag:$0x1] =	stream.strided.gather [hbm4b:s29+s12], $0x1000, s13, s12, $0x38;
	[tilespmem:$0x8400] =	vst v63  }
0x17: {  	s30 =	rddreg [dreg:$0x5]  }
0x18: {  	[tilespmem:s1], [sflag:$0x2] =	stream.strided.gather [hbm4b:s30+s12], $0x1000, s13, s12, $0x38;
	[tilespmem:$0x8400] =	vst v63  }
0x19: {  	s31 =	simm.s32 $0x8020  }
0x1a: {  	[tilespmem:s2], [sflag:$0x2] =	stream.strided.gather [hbm4b:s6+s12], $0x1000, s13, s12, $0x38;
	[tilespmem:$0x8400] =	vst v63  }
0x1b: {  	[tilespmem:s31+$0xFFFFFFF0] =	vst v1  }
0x1c: {  	[tilespmem:s31+$0x0] =	vst v1  }
0x1d: {  	[tilespmem:s31+$0x10] =	vst v1  }
0x1e: {  	s0 =	simm.s32 $0x8120;
	[tilespmem:s31+$0xFFFFFFE0] =	vst v1  }
0x1f: {  	[tilespmem:s0+$0xFFFFFFF0] =	vst v1  }
0x20: {  	[tilespmem:s0+$0x0] =	vst v1  }
0x21: {  	[tilespmem:s0+$0x10] =	vst v1  }
0x22: {  	s1 =	simm.s32 $0x0;
	s2 =	simm.s32 $0x8060;
	[tilespmem:s0+$0xFFFFFFE0] =	vst v1  }
.LBB2_2:
0x23: {  	[tilespmem:s2+$0xFFFFFFF0] =	vst v1;
	s0 =	sadd.s32 $0x40, s0  }
0x24: {  	s1 =	sadd.s32 $0x4, s1;
	[tilespmem:s0+$0xFFFFFFF0] =	vst v1  }
0x25: {  	p0 =	slt.u32 s1, $0xC;
	[tilespmem:s2+$0x0] =	vst v1  }
.Ltmp0:
0x26: {  	[tilespmem:s0+$0x0] =	vst v1;
	(pc) =	sbr.rel @p0 .LBB2_2-.Ltmp0, $4  }
0x27: {  	[tilespmem:s2+$0x10] =	vst v1  }
0x28: {  	[tilespmem:s0+$0x10] =	vst v1  }
0x29: {  	[tilespmem:s2+$0xFFFFFFE0] =	vst v1  }
0x2a: {  	s2 =	sadd.s32 $0x40, s2;
	[tilespmem:s0+$0xFFFFFFE0] =	vst v1  }
0x2b: {  	_ =	swait.ge [sflag:s17], $0x1000  }
0x2c: {  	[sflag:s17] =	ssyncset.done $0x0  }
0x2d: {  	[sflag:s17] =	ssyncadd.s32 $0xFFFFF000  }
0x2e: {  	_ =	swait.ge [sflag:s17], $0x1000  }
0x2f: {  	[sflag:s17] =	ssyncset.done $0x0  }
0x30: {  	s0 =	simm.s32 $0x0;
	[sflag:s17] =	ssyncadd.s32 $0xFFFFF000  }
0x31: {  	v5 =	vld [tilespmem:s0+$0x30]  }
0x32: {  	v6 =	vld [tilespmem:s0+$0x10];
	_ =	sdelay $0x3  }
0x33: {  	v7 =	vshra.s32 v5, $0x1F  }
0x34: {  	v9 =	vshra.s32 v6, $0x1F;
	v7 =	vor.u32 $0x80000000, v7  }
0x35: {  	v9 =	vor.u32 $0x80000000, v9;
	v5 =	vxor.u32 v5, v7  }
0x36: {  	v8 =	vld [tilespmem:s0+$0x0];
	v6 =	vxor.u32 v6, v9;
	v5 =	vshrl.u32 v5, $0x18  }
0x37: {  	v7 =	vld [tilespmem:s0+$0x20];
	v6 =	vshrl.u32 v6, $0x18;
	_ =	sdelay $0x3  }
0x38: {  	v9 =	vshra.s32 v8, $0x1F;
	[tilespmem:v5+s18+$0x0] =	vst.idx.add.s32.msk $0xffff, v2  }
0x39: {  	v9 =	vor.u32 $0x80000000, v9;
	v10 =	vshra.s32 v7, $0x1F;
	[tilespmem:v6+s18+$0x0] =	vst.idx.add.s32.msk $0xffff, v2  }
0x3a: {  	s1 =	simm.s32 $0x40;
	v8 =	vxor.u32 v8, v9;
	v5 =	vor.u32 $0x80000000, v10;
	v9 =	vld [tilespmem:s0+$0x2030]  }
0x3b: {  	v6 =	vld [tilespmem:s1+$0x30];
	v5 =	vxor.u32 v7, v5;
	v7 =	vshrl.u32 v8, $0x18  }
0x3c: {  	v11 =	vld [tilespmem:s1+$0x0];
	v5 =	vshrl.u32 v5, $0x18  }
0x3d: {  	v8 =	vld [tilespmem:s1+$0x10]  }
0x3e: {  	v10 =	vld [tilespmem:s1+$0x20]  }
0x3f: {  	v13 =	vld [tilespmem:s0+$0x2010];
	v12 =	vshra.s32 v9, $0x1F  }
0x40: {  	v59 =	vshra.s32 v6, $0x1F;
	[tilespmem:v7+s18+$0x0] =	vst.idx.add.s32.msk $0xffff, v2;
	v7 =	vor.u32 $0x80000000, v12  }
0x41: {  	s2 =	sand.u32 $0xFC0, s0;
	[tilespmem:v5+s18+$0x0] =	vst.idx.add.s32.msk $0xffff, v2;
	v5 =	vxor.u32 v9, v7;
	v7 =	vor.u32 $0x80000000, v59  }
0x42: {  	v60 =	vshra.s32 v8, $0x1F;
	v9 =	vld [tilespmem:s2+$0x2000];
	v5 =	vshrl.u32 v5, $0x18;
	v6 =	vxor.u32 v6, v7  }
0x43: {  	v61 =	vshra.s32 v10, $0x1F;
	v14 =	vld [tilespmem:s0+$0x2020];
	v7 =	vor.u32 $0x80000000, v60;
	v6 =	vshrl.u32 v6, $0x18  }
0x44: {  	v15 =	vshra.s32 v11, $0x1F;
	v12 =	vor.u32 $0x80000000, v61;
	v7 =	vxor.u32 v8, v7  }
0x45: {  	v10 =	vxor.u32 v10, v12;
	v8 =	vor.u32 $0x80000000, v15;
	v62 =	vshrl.u32 v7, $0x18  }
0x46: {  	v8 =	vxor.u32 v11, v8;
	v7 =	vshrl.u32 v10, $0x18  }
0x47: {  	v8 =	vshrl.u32 v8, $0x18;
	v10 =	vshra.s32 v9, $0x1F;
	[tilespmem:v5+s19+$0x0] =	vst.idx.add.s32.msk $0xffff, v2;
	v5 =	vshra.s32 v13, $0x1F  }
0x48: {  	v10 =	vor.u32 $0x80000000, v10;
	[tilespmem:v6+s18+$0x0] =	vst.idx.add.s32.msk $0xffff, v2;
	v5 =	vor.u32 $0x80000000, v5;
	v6 =	vshra.s32 v14, $0x1F  }
0x49: {  	v10 =	vxor.u32 v9, v10;
	v9 =	vld [tilespmem:s1+$0x2030];
	v11 =	vxor.u32 v13, v5;
	v63 =	vor.u32 $0x80000000, v6  }
0x4a: {  	s3 =	simm.s32 $0x80;
	s2 =	simm.s32 $0x4;
	v5 =	vshrl.u32 v10, $0x18;
	[tilespmem:v62+s18+$0x0] =	vst.idx.add.s32.msk $0xffff, v2;
	v6 =	vshrl.u32 v11, $0x18;
	v10 =	vxor.u32 v14, v63  }
.LBB2_4:
0x4b: {  	v11 =	vld [tilespmem:s3+$0x30];
	s2 =	sadd.s32 $0x4, s2;
	v10 =	vshrl.u32 v10, $0x18  }
0x4c: {  	v12 =	vld [tilespmem:s3+$0x10];
	p0 =	slt.u32 s2, $0xFC  }
0x4d: {  	v13 =	vld [tilespmem:s3+$0x20]  }
0x4e: {  	v14 =	vld [tilespmem:s3+$0x0];
	v15 =	vshra.s32 v9, $0x1F  }
0x4f: {  	s0 =	sadd.s32 $0x40, s0;
	[tilespmem:v8+s18+$0x0] =	vst.idx.add.s32.msk $0xffff, v2;
	v8 =	vor.u32 $0x80000000, v15  }
0x50: {  	s14 =	sand.u32 $0xFC0, s0;
	v15 =	vshra.s32 v11, $0x1F;
	[tilespmem:v7+s18+$0x0] =	vst.idx.add.s32.msk $0xffff, v2;
	v7 =	vxor.u32 v9, v8  }
0x51: {  	v8 =	vshra.s32 v12, $0x1F;
	v9 =	vor.u32 $0x80000000, v15;
	v15 =	vld [tilespmem:s14+$0x2000];
	v16 =	vshrl.u32 v7, $0x18  }
0x52: {  	v7 =	vor.u32 $0x80000000, v8;
	v8 =	vshra.s32 v13, $0x1F;
	v9 =	vxor.u32 v11, v9;
	v11 =	vld [tilespmem:s1+$0x2010]  }
0x53: {  	v17 =	vshra.s32 v14, $0x1F;
	v8 =	vor.u32 $0x80000000, v8;
	v9 =	vshrl.u32 v9, $0x18;
	v18 =	vld [tilespmem:s1+$0x2020];
	s1 =	smov.u32 s3  }
0x54: {  	v7 =	vxor.u32 v12, v7;
	v17 =	vor.u32 $0x80000000, v17;
	v8 =	vxor.u32 v13, v8;
	[tilespmem:v5+s19+$0x0] =	vst.idx.add.s32.msk $0xffff, v2  }
0x55: {  	v12 =	vshrl.u32 v7, $0x18;
	v5 =	vxor.u32 v14, v17;
	v7 =	vshrl.u32 v8, $0x18;
	[tilespmem:v6+s19+$0x0] =	vst.idx.add.s32.msk $0xffff, v2  }
.Ltmp1:
0x56: {  	v8 =	vshrl.u32 v5, $0x18;
	v5 =	vshra.s32 v15, $0x1F;
	[tilespmem:v16+s19+$0x0] =	vst.idx.add.s32.msk $0xffff, v2;
	(pc) =	sbr.rel @p0 .LBB2_4-.Ltmp1, $4  }
0x57: {  	v5 =	vor.u32 $0x80000000, v5;
	v6 =	vshra.s32 v11, $0x1F;
	[tilespmem:v10+s19+$0x0] =	vst.idx.add.s32.msk $0xffff, v2  }
0x58: {  	[tilespmem:v9+s18+$0x0] =	vst.idx.add.s32.msk $0xffff, v2;
	v5 =	vxor.u32 v15, v5;
	v6 =	vor.u32 $0x80000000, v6;
	v10 =	vshra.s32 v18, $0x1F  }
0x59: {  	v9 =	vld [tilespmem:s3+$0x2030];
	v5 =	vshrl.u32 v5, $0x18;
	v6 =	vxor.u32 v11, v6;
	v10 =	vor.u32 $0x80000000, v10  }
0x5a: {  	s3 =	sadd.s32 $0x40, s3;
	[tilespmem:v12+s18+$0x0] =	vst.idx.add.s32.msk $0xffff, v2;
	v6 =	vshrl.u32 v6, $0x18;
	v10 =	vxor.u32 v18, v10  }
0x5b: {  	_ =	sdelay $0x3  }
0x5c: {  	[tilespmem:v8+s18+$0x0] =	vst.idx.add.s32.msk $0xffff, v2  }
0x5d: {  	[tilespmem:v7+s18+$0x0] =	vst.idx.add.s32.msk $0xffff, v2  }
0x5e: {  	s0 =	sadd.s32 $0x40, s0;
	v8 =	vld [tilespmem:s1+$0x2010]  }
0x5f: {  	s0 =	sand.u32 $0xFC0, s0;
	v11 =	vld [tilespmem:s1+$0x2020]  }
0x60: {  	v7 =	vld [tilespmem:s0+$0x2000]  }
0x61: {  	v12 =	vshra.s32 v9, $0x1F  }
0x62: {  	v12 =	vor.u32 $0x80000000, v12  }
0x63: {  	v10 =	vshrl.u32 v10, $0x18;
	v9 =	vxor.u32 v9, v12;
	v13 =	vshra.s32 v8, $0x1F  }
0x64: {  	v9 =	vshrl.u32 v9, $0x18;
	v54 =	vor.u32 $0x80000000, v13;
	v55 =	vshra.s32 v11, $0x1F  }
0x65: {  	v53 =	vshra.s32 v7, $0x1F;
	v8 =	vxor.u32 v8, v54;
	v56 =	vor.u32 $0x80000000, v55  }
0x66: {  	[tilespmem:v5+s19+$0x0] =	vst.idx.add.s32.msk $0xffff, v2;
	v12 =	vor.u32 $0x80000000, v53;
	v5 =	vshrl.u32 v8, $0x18;
	v8 =	vxor.u32 v11, v56  }
0x67: {  	[tilespmem:v6+s19+$0x0] =	vst.idx.add.s32.msk $0xffff, v2;
	v7 =	vxor.u32 v7, v12;
	v6 =	vshrl.u32 v8, $0x18  }
0x68: {  	v7 =	vshrl.u32 v7, $0x18  }
0x69: {  	[tilespmem:v10+s19+$0x0] =	vst.idx.add.s32.msk $0xffff, v2  }
0x6a: {  	[tilespmem:v9+s19+$0x0] =	vst.idx.add.s32.msk $0xffff, v2  }
0x6b: {  	[tilespmem:v5+s19+$0x0] =	vst.idx.add.s32.msk $0xffff, v2  }
0x6c: {  	[tilespmem:v6+s19+$0x0] =	vst.idx.add.s32.msk $0xffff, v2  }
0x6d: {  	[tilespmem:v7+s19+$0x0] =	vst.idx.add.s32.msk $0xffff, v2  }
0x6e: {  	_ =	swait.ge [sflag:s20], $0x1000  }
0x6f: {  	[sflag:s20] =	ssyncset.done $0x0  }
0x70: {  	[sflag:s20] =	ssyncadd.s32 $0xFFFFF000  }
0x71: {  	_ =	swait.ge [sflag:s20], $0x1000  }
0x72: {  	[sflag:s20] =	ssyncset.done $0x0  }
0x73: {  	s2 =	simm.s32 $0x3010;
	[sflag:s20] =	ssyncadd.s32 $0xFFFFF000  }
0x74: {  	v5 =	vld [tilespmem:s2+$0xFFFFE020]  }
0x75: {  	v6 =	vld [tilespmem:s2+$0xFFFFE000];
	_ =	sdelay $0x3  }
0x76: {  	v7 =	vshra.s32 v5, $0x1F  }
0x77: {  	v9 =	vshra.s32 v6, $0x1F;
	v7 =	vor.u32 $0x80000000, v7  }
0x78: {  	v9 =	vor.u32 $0x80000000, v9;
	v5 =	vxor.u32 v5, v7  }
0x79: {  	v8 =	vld [tilespmem:s2+$0xFFFFDFF0];
	v6 =	vxor.u32 v6, v9;
	v5 =	vshrl.u32 v5, $0x18  }
0x7a: {  	v7 =	vld [tilespmem:s2+$0xFFFFE010];
	v6 =	vshrl.u32 v6, $0x18;
	_ =	sdelay $0x3  }
0x7b: {  	v9 =	vshra.s32 v8, $0x1F;
	[tilespmem:v5+s18+$0x0] =	vst.idx.add.s32.msk $0xffff, v2  }
0x7c: {  	v9 =	vor.u32 $0x80000000, v9;
	v10 =	vshra.s32 v7, $0x1F;
	[tilespmem:v6+s18+$0x0] =	vst.idx.add.s32.msk $0xffff, v2  }
0x7d: {  	s0 =	simm.s32 $0x3050;
	v8 =	vxor.u32 v8, v9;
	v5 =	vor.u32 $0x80000000, v10;
	v9 =	vld [tilespmem:s2+$0x20]  }
0x7e: {  	v6 =	vld [tilespmem:s0+$0xFFFFE020];
	v5 =	vxor.u32 v7, v5;
	v7 =	vshrl.u32 v8, $0x18  }
0x7f: {  	v11 =	vld [tilespmem:s0+$0xFFFFDFF0];
	v5 =	vshrl.u32 v5, $0x18  }
0x80: {  	v8 =	vld [tilespmem:s0+$0xFFFFE000]  }
0x81: {  	v10 =	vld [tilespmem:s0+$0xFFFFE010]  }
0x82: {  	v60 =	vld [tilespmem:s2+$0x0];
	v57 =	vshra.s32 v9, $0x1F  }
0x83: {  	s1 =	simm.s32 $0x1000;
	v58 =	vshra.s32 v6, $0x1F;
	[tilespmem:v7+s18+$0x0] =	vst.idx.add.s32.msk $0xffff, v2;
	v7 =	vor.u32 $0x80000000, v57  }
0x84: {  	s3 =	sand.u32 $0x1FC0, s1;
	[tilespmem:v5+s18+$0x0] =	vst.idx.add.s32.msk $0xffff, v2;
	v5 =	vxor.u32 v9, v7;
	v7 =	vor.u32 $0x80000000, v58  }
0x85: {  	v59 =	vshra.s32 v8, $0x1F;
	v9 =	vld [tilespmem:s3+$0x2000];
	v5 =	vshrl.u32 v5, $0x18;
	v6 =	vxor.u32 v6, v7  }
0x86: {  	v61 =	vshra.s32 v10, $0x1F;
	v14 =	vld [tilespmem:s2+$0x10];
	v7 =	vor.u32 $0x80000000, v59;
	v6 =	vshrl.u32 v6, $0x18  }
0x87: {  	v15 =	vshra.s32 v11, $0x1F;
	v12 =	vor.u32 $0x80000000, v61;
	v7 =	vxor.u32 v8, v7  }
0x88: {  	v10 =	vxor.u32 v10, v12;
	v8 =	vor.u32 $0x80000000, v15;
	v62 =	vshrl.u32 v7, $0x18  }
0x89: {  	v8 =	vxor.u32 v11, v8;
	v7 =	vshrl.u32 v10, $0x18  }
0x8a: {  	v8 =	vshrl.u32 v8, $0x18;
	v10 =	vshra.s32 v9, $0x1F;
	[tilespmem:v5+s19+$0x0] =	vst.idx.add.s32.msk $0xffff, v2;
	v5 =	vshra.s32 v60, $0x1F  }
0x8b: {  	v10 =	vor.u32 $0x80000000, v10;
	[tilespmem:v6+s18+$0x0] =	vst.idx.add.s32.msk $0xffff, v2;
	v5 =	vor.u32 $0x80000000, v5;
	v6 =	vshra.s32 v14, $0x1F  }
0x8c: {  	v10 =	vxor.u32 v9, v10;
	v9 =	vld [tilespmem:s0+$0x20];
	v11 =	vxor.u32 v60, v5;
	v63 =	vor.u32 $0x80000000, v6  }
0x8d: {  	s2 =	simm.s32 $0x104;
	s3 =	simm.s32 $0x3090;
	v5 =	vshrl.u32 v10, $0x18;
	[tilespmem:v62+s18+$0x0] =	vst.idx.add.s32.msk $0xffff, v2;
	v6 =	vshrl.u32 v11, $0x18;
	v10 =	vxor.u32 v14, v63  }
.LBB2_6:
0x8e: {  	v11 =	vld [tilespmem:s3+$0xFFFFE020];
	s2 =	sadd.s32 $0x4, s2;
	v10 =	vshrl.u32 v10, $0x18  }
0x8f: {  	v12 =	vld [tilespmem:s3+$0xFFFFE000];
	p0 =	slt.u32 s2, $0x1FC  }
0x90: {  	v13 =	vld [tilespmem:s3+$0xFFFFE010]  }
0x91: {  	v14 =	vld [tilespmem:s3+$0xFFFFDFF0];
	v15 =	vshra.s32 v9, $0x1F  }
0x92: {  	s1 =	sadd.s32 $0x40, s1;
	[tilespmem:v8+s18+$0x0] =	vst.idx.add.s32.msk $0xffff, v2;
	v8 =	vor.u32 $0x80000000, v15  }
0x93: {  	s14 =	sand.u32 $0x1FC0, s1;
	v15 =	vshra.s32 v11, $0x1F;
	[tilespmem:v7+s18+$0x0] =	vst.idx.add.s32.msk $0xffff, v2;
	v7 =	vxor.u32 v9, v8  }
0x94: {  	v8 =	vshra.s32 v12, $0x1F;
	v9 =	vor.u32 $0x80000000, v15;
	v15 =	vld [tilespmem:s14+$0x2000];
	v16 =	vshrl.u32 v7, $0x18  }
0x95: {  	v7 =	vor.u32 $0x80000000, v8;
	v8 =	vshra.s32 v13, $0x1F;
	v9 =	vxor.u32 v11, v9;
	v11 =	vld [tilespmem:s0+$0x0]  }
0x96: {  	v17 =	vshra.s32 v14, $0x1F;
	v8 =	vor.u32 $0x80000000, v8;
	v9 =	vshrl.u32 v9, $0x18;
	v18 =	vld [tilespmem:s0+$0x10];
	s0 =	smov.u32 s3  }
0x97: {  	v7 =	vxor.u32 v12, v7;
	v17 =	vor.u32 $0x80000000, v17;
	v8 =	vxor.u32 v13, v8;
	[tilespmem:v5+s19+$0x0] =	vst.idx.add.s32.msk $0xffff, v2  }
0x98: {  	v12 =	vshrl.u32 v7, $0x18;
	v5 =	vxor.u32 v14, v17;
	v7 =	vshrl.u32 v8, $0x18;
	[tilespmem:v6+s19+$0x0] =	vst.idx.add.s32.msk $0xffff, v2  }
.Ltmp2:
0x99: {  	v8 =	vshrl.u32 v5, $0x18;
	v5 =	vshra.s32 v15, $0x1F;
	[tilespmem:v16+s19+$0x0] =	vst.idx.add.s32.msk $0xffff, v2;
	(pc) =	sbr.rel @p0 .LBB2_6-.Ltmp2, $4  }
0x9a: {  	v5 =	vor.u32 $0x80000000, v5;
	v6 =	vshra.s32 v11, $0x1F;
	[tilespmem:v10+s19+$0x0] =	vst.idx.add.s32.msk $0xffff, v2  }
0x9b: {  	[tilespmem:v9+s18+$0x0] =	vst.idx.add.s32.msk $0xffff, v2;
	v5 =	vxor.u32 v15, v5;
	v6 =	vor.u32 $0x80000000, v6;
	v10 =	vshra.s32 v18, $0x1F  }
0x9c: {  	v9 =	vld [tilespmem:s3+$0x20];
	v5 =	vshrl.u32 v5, $0x18;
	v6 =	vxor.u32 v11, v6;
	v10 =	vor.u32 $0x80000000, v10  }
0x9d: {  	s3 =	sadd.s32 $0x40, s3;
	[tilespmem:v12+s18+$0x0] =	vst.idx.add.s32.msk $0xffff, v2;
	v6 =	vshrl.u32 v6, $0x18;
	v10 =	vxor.u32 v18, v10  }
0x9e: {  	_ =	sdelay $0x3  }
0x9f: {  	[tilespmem:v8+s18+$0x0] =	vst.idx.add.s32.msk $0xffff, v2  }
0xa0: {  	[tilespmem:v7+s18+$0x0] =	vst.idx.add.s32.msk $0xffff, v2  }
0xa1: {  	s1 =	sadd.s32 $0x40, s1;
	v8 =	vld [tilespmem:s0+$0x0]  }
0xa2: {  	s1 =	sand.u32 $0x1FC0, s1;
	v11 =	vld [tilespmem:s0+$0x10]  }
0xa3: {  	v7 =	vld [tilespmem:s1+$0x2000]  }
0xa4: {  	v12 =	vshra.s32 v9, $0x1F  }
0xa5: {  	v12 =	vor.u32 $0x80000000, v12  }
0xa6: {  	v10 =	vshrl.u32 v10, $0x18;
	v9 =	vxor.u32 v9, v12;
	v13 =	vshra.s32 v8, $0x1F  }
0xa7: {  	v9 =	vshrl.u32 v9, $0x18;
	v61 =	vor.u32 $0x80000000, v13;
	v62 =	vshra.s32 v11, $0x1F  }
0xa8: {  	v60 =	vshra.s32 v7, $0x1F;
	v8 =	vxor.u32 v8, v61;
	v63 =	vor.u32 $0x80000000, v62  }
0xa9: {  	[tilespmem:v5+s19+$0x0] =	vst.idx.add.s32.msk $0xffff, v2;
	v12 =	vor.u32 $0x80000000, v60;
	v5 =	vshrl.u32 v8, $0x18;
	v8 =	vxor.u32 v11, v63  }
0xaa: {  	[tilespmem:v6+s19+$0x0] =	vst.idx.add.s32.msk $0xffff, v2;
	v7 =	vxor.u32 v7, v12;
	v6 =	vshrl.u32 v8, $0x18  }
0xab: {  	v7 =	vshrl.u32 v7, $0x18  }
0xac: {  	[tilespmem:v10+s19+$0x0] =	vst.idx.add.s32.msk $0xffff, v2  }
0xad: {  	p2 =	por $0x1, $0x1;
	[tilespmem:v9+s19+$0x0] =	vst.idx.add.s32.msk $0xffff, v2  }
.Ltmp3:
0xae: {  	[tilespmem:v5+s19+$0x0] =	vst.idx.add.s32.msk $0xffff, v2;
	(pc) =	sbr.rel @!p2 .LBB2_8-.Ltmp3, $4  }
0xaf: {  	[tilespmem:v6+s19+$0x0] =	vst.idx.add.s32.msk $0xffff, v2  }
0xb0: {  	s0 =	simm.s32 $0xF0;
	[tilespmem:v7+s19+$0x0] =	vst.idx.add.s32.msk $0xffff, v2  }
0xb1: {  	v5 =	vld [tilespmem:s0+$0x8100]  }
0xb2: {  	p0 =	por $0x0, $0x0;
	p1 =	por $0x0, $0x0;
	v6 =	vimm.s32 $0x0;
	v9 =	vld [tilespmem:s0+$0x8000]  }
0xb3: {  	_ =	sdelay $0x1  }
0xb4: {  	p2 =	por $0x1, $0x1  }
.Ltmp4:
0xb5: {  	v7 =	vperm.xlane v5, v3;
	(pc) =	sbr.rel @!p2 .LBB2_10-.Ltmp4, $4  }
0xb6: {  	v8 =	vperm.xlane v9, v3;
	(xrf0) =	vadd.scan.msk.s32 $0xffff, v9  }
0xb7: {  	s1 =	simm.s32 $0xE0;
	(xrf0) =	vadd.scan.msk.s32 $0xffff, v7  }
0xb8: {  	v12 =	vld [tilespmem:s1+$0x8100];
	(xrf0) =	vadd.scan.msk.s32 $0xffff, v8  }
0xb9: {  	p0 =	por $0x1, $0x1;
	v9 =	vld [tilespmem:s1+$0x8000];
	(xrf0) =	vadd.scan.msk.s32 $0xffff, v5  }
0xba: {  	_ =	sdelay $0x1  }
0xbb: {  	v5, _, _ =	vpop (xrf0)  }
0xbc: {  	v7 =	vperm.xlane v12, v3;
	v8, _, _ =	vpop (xrf0)  }
0xbd: {  	s3 =	simm.s32 $0xD0;
	p2 =	por $0x1, $0x1;
	v10 =	vperm.xlane v9, v3;
	(xrf0) =	vadd.scan.msk.s32 $0xffff, v9;
	v9 =	vbroadcast v5, $0xF;
	v5, _, _ =	vpop (xrf0)  }
.Ltmp5:
0xbe: {  	(xrf0) =	vadd.scan.msk.s32 $0xffff, v7;
	v11 =	vadd.s32 v6, v5;
	v5 =	vld [tilespmem:s3+$0x8100];
	(pc) =	sbr.rel @!p2 .LBB2_12-.Ltmp5, $4  }
0xbf: {  	(xrf0) =	vadd.scan.msk.s32 $0xffff, v10;
	v10 =	vadd.s32 v6, v9;
	v9 =	vld [tilespmem:s3+$0x8000]  }
0xc0: {  	v7 =	vadd.s32 v6, v8  }
0xc1: {  	v13 =	vimm.s32 $0x0;
	v8 =	vperm.xlane v7, v3  }
0xc2: {  	s2 =	simm.s32 $0x300;
	p1 =	por $0x1, $0x1;
	v14, _, _ =	vpop (xrf0);
	v7 =	vperm.xlane v11, v3;
	v11 =	vimm.s32 $0x0;
	(xrf0) =	vadd.scan.msk.s32 $0xffff, v12;
	v12 =	vimm.s32 $0x0  }
.LBB2_13:
0xc3: {  	s14 =	sshra.s32 s2, $0x2;
	p2 =	sne.s32 s2, $0x0;
	s2 =	sadd.s32 $0xFFFFFFC0, s2;
	v15 =	vperm.xlane v5, v3;
	[tilespmem:s0+$0x8300] =	vst v8;
	vm0 =	vgt.s32 v8, $0xFF;
	v8 =	vbroadcast v14, $0xF;
	v14 =	vmovc v5  }
.Ltmp6:
0xc4: {  	v5 =	vld [tilespmem:s14+$0x8100];
	v20 =	vperm.xlane v9, v3;
	(xrf0) =	vadd.scan.msk.s32 $0xffff, v9;
	v17, _, _ =	vpop (xrf0);
	vm1 =	vgt.s32 v7, $0xFF;
	v18 =	vmpcnt.ones.xlane vm0;
	(pc) =	sbr.rel @p2 .LBB2_13-.Ltmp6, $4  }
0xc5: {  	v9 =	vld [tilespmem:s14+$0x8000];
	(xrf0) =	vadd.scan.msk.s32 $0xffff, v15;
	v15 =	vbroadcast v17, $0xF;
	v17, _, _ =	vpop (xrf0);
	v19 =	vmpcnt.ones.xlane vm1;
	v11 =	vadd.s32 v11, v8  }
0xc6: {  	(xrf0) =	vadd.scan.msk.s32 $0xffff, v20;
	v8 =	vadd.s32 v11, v17;
	v16, _, _ =	vpop (xrf0);
	[tilespmem:s0+$0x8200] =	vst v7;
	v12 =	vadd.s32 v12, v18;
	s0 =	smov.u32 s1;
	s1 =	smov.u32 s3;
	s3 =	smov.u32 s14  }
0xc7: {  	v7 =	vadd.s32 v10, v16;
	v10 =	vadd.s32 v10, v15;
	v8 =	vperm.xlane v8, v3  }
0xc8: {  	v13 =	vadd.s32 v13, v19;
	(xrf0) =	vadd.scan.msk.s32 $0xffff, v14;
	v7 =	vperm.xlane v7, v3;
	v14, _, _ =	vpop (xrf0)  }
0xc9: {  	s2 =	smov.u32 s0;
	s0 =	smov.u32 s3  }
.LBB2_15:
0xca: {  	v15 =	vperm.xlane v5, v3  }
0xcb: {  	v16 =	vperm.xlane v9, v3;
	(xrf0) =	vadd.scan.msk.s32 $0xffff, v9  }
0xcc: {  	vm0 =	vgt.s32 @p1 v8, $0xFF;
	(xrf0) =	vadd.scan.msk.s32 $0xffff, v15  }
0xcd: {  	v9 =	vbroadcast @p1 v14, $0xF;
	v14, _, _ =	vpop @p0 (xrf0);
	(xrf0) =	vadd.scan.msk.s32 $0xffff, v16;
	v16 =	vmpcnt.ones.xlane @p1 vm0;
	_ =	sdelay $0x1  }
0xce: {  	v9 =	vadd.s32 @p1 v11, v9;
	v15, _, _ =	vpop @p0 (xrf0)  }
0xcf: {  	v11 =	vbroadcast @p0 v14, $0xF;
	vm0 =	vgt.s32 @p1 v7, $0xFF;
	v9 =	vpsel p1, v9, v6;
	v14, _, _ =	vpop @p0 (xrf0)  }
0xd0: {  	v17 =	vmpcnt.ones.xlane @p1 vm0;
	v15 =	vadd.s32 @p0 v9, v15;
	v12 =	vadd.s32 @p1 v12, v16;
	v16, _, _ =	vpop @p0 (xrf0)  }
0xd1: {  	v14 =	vadd.s32 @p0 v10, v14;
	v10 =	vadd.s32 @p0 v10, v11;
	v16 =	vpsel p0, v16, v0;
	v18, _, _ =	vpop (xrf0)  }
0xd2: {  	v13 =	vadd.s32 @p1 v13, v17;
	v11 =	vperm.xlane @p0 v14, v3;
	v14 =	vbroadcast @p0 v16, $0xF;
	v62, _, _ =	vpop (xrf0)  }
0xd3: {  	v15 =	vperm.xlane @p0 v15, v3;
	v10 =	vpsel p0, v10, v6;
	v13 =	vpsel p1, v13, v6;
	v63, _, _ =	vpop (xrf0)  }
0xd4: {  	v11 =	vpsel p0, v11, v0;
	v9 =	vadd.s32 @p0 v9, v14;
	v10 =	vadd.s32 v10, v63  }
0xd5: {  	vm0 =	vgt.s32 @p0 v11, $0xFF;
	v9 =	vpsel p0, v9, v6;
	v10 =	vperm.xlane v10, v3  }
0xd6: {  	v15 =	vpsel p0, v15, v0;
	v14 =	vmpcnt.ones.xlane @p0 vm0;
	v9 =	vadd.s32 v9, v62  }
0xd7: {  	vm0 =	vgt.s32 @p0 v15, $0xFF;
	v9 =	vperm.xlane v9, v3;
	vm1 =	vgt.s32 v10, $0xFF  }
0xd8: {  	v16 =	vmpcnt.ones.xlane @p0 vm0;
	v13 =	vadd.s32 @p0 v13, v14;
	v14 =	vmpcnt.ones.xlane vm1  }
0xd9: {  	v12 =	vpsel p1, v12, v6;
	v13 =	vpsel p0, v13, v6;
	vm15 =	vgt.s32 v9, $0xFF  }
0xda: {  	[tilespmem:s2+$0x8300] =	vst @p1 v8;
	v8 =	vadd.s32 @p0 v12, v16;
	v12 =	vmpcnt.ones.xlane vm15;
	v13 =	vadd.s32 v13, v14  }
0xdb: {  	[tilespmem:s2+$0x8200] =	vst @p1 v7;
	s1 =	smov.u32 @p0 s1;
	v8 =	vpsel p0, v8, v6;
	v7 =	vadd.s32 $0xFFFFFFFF, v13  }
0xdc: {  	[tilespmem:s1+$0x8300] =	vst @p0 v15;
	v8 =	vadd.s32 v8, v12  }
0xdd: {  	[tilespmem:s1+$0x8200] =	vst @p0 v11;
	v8 =	vadd.s32 $0xFFFFFFFF, v8  }
0xde: {  	[tilespmem:s0+$0x8200] =	vst v10  }
0xdf: {  	[tilespmem:s0+$0x8300] =	vst v9  }
0xe0: {  	v9 =	vld.idx.msk [tilespmem:v7+s18+$0x0], $0xffff  }
0xe1: {  	v10 =	vld.idx.msk [tilespmem:v7+s21+$0x0], $0xffff  }
0xe2: {  	s0 =	simm.s32 $0x8020;
	v11 =	vld.idx.msk [tilespmem:v8+s19+$0x0], $0xffff  }
0xe3: {  	(xrf0) =	vadd.scan.msk.s32 $0xffff, v5;
	v12 =	vld.idx.msk [tilespmem:v8+s22+$0x0], $0xffff;
	[tilespmem:s0+$0x10] =	vst v6  }
0xe4: {  	[tilespmem:s0+$0xFFFFFFE0] =	vst v6  }
0xe5: {  	[tilespmem:s0+$0xFFFFFFF0] =	vst v6  }
0xe6: {  	s2 =	simm.s32 $0x8120;
	[tilespmem:s0+$0x0] =	vst v6  }
0xe7: {  	[tilespmem:s2+$0x10] =	vst v6  }
0xe8: {  	[tilespmem:s2+$0xFFFFFFE0] =	vst v6  }
0xe9: {  	s3 =	simm.s32 $0x0;
	v5, _, _ =	vpop (xrf0);
	[tilespmem:s2+$0xFFFFFFF0] =	vst v6  }
.LBB2_16:
0xea: {  	[tilespmem:s2+$0x0] =	vst v6;
	v6 =	vimm.s32 $0x0;
	s0 =	sadd.s32 $0x40, s0  }
0xeb: {  	s3 =	sadd.s32 $0x4, s3;
	s2 =	sadd.s32 $0x40, s2;
	[tilespmem:s0+$0x10] =	vst v6  }
0xec: {  	s1 =	simm.s32 $0x0;
	p0 =	slt.u32 s3, $0xC;
	[tilespmem:s2+$0x10] =	vst v6  }
.Ltmp7:
0xed: {  	[tilespmem:s0+$0xFFFFFFE0] =	vst v6;
	(pc) =	sbr.rel @p0 .LBB2_16-.Ltmp7, $4  }
0xee: {  	[tilespmem:s2+$0xFFFFFFE0] =	vst v6  }
0xef: {  	[tilespmem:s0+$0xFFFFFFF0] =	vst v6  }
0xf0: {  	[tilespmem:s2+$0xFFFFFFF0] =	vst v6  }
0xf1: {  	[tilespmem:s0+$0x0] =	vst v6  }
0xf2: {  	[tilespmem:s2+$0x0] =	vst v6  }
0xf3: {  	v5 =	vld [tilespmem:s1+$0x20];
	_ =	sdelay $0x1  }
0xf4: {  	v13 =	vld [tilespmem:s1+$0x10]  }
0xf5: {  	v16 =	vld [tilespmem:s1+$0x0]  }
0xf6: {  	v14 =	vld [tilespmem:s1+$0x30]  }
0xf7: {  	v15 =	vshra.s32 v5, $0x1F  }
0xf8: {  	v15 =	vor.u32 $0x80000000, v15  }
0xf9: {  	v5 =	vxor.u32 v5, v15  }
0xfa: {  	s0 =	simm.s32 $0x40;
	v17 =	vshra.s32 v13, $0x1F;
	v19 =	vshra.s32 v16, $0x1F;
	v15 =	vshrl.u32 v5, $0x18  }
0xfb: {  	v20 =	vld [tilespmem:s0+$0x20];
	vm0 =	veq.s32 v15, v7;
	v15 =	vor.u32 $0x80000000, v17;
	v17 =	vshra.s32 v14, $0x1F  }
0xfc: {  	v19 =	vor.u32 $0x80000000, v19;
	v13 =	vxor.u32 v13, v15;
	v15 =	vor.u32 $0x80000000, v17  }
0xfd: {  	v18 =	vsel vm0, $0x1, v1;
	v17 =	vshrl.u32 v13, $0x18;
	v14 =	vxor.u32 v14, v15  }
0xfe: {  	v15 =	vxor.u32 v16, v19;
	vm1 =	veq.s32 v17, v7;
	v16 =	vshrl.u32 v14, $0x18  }
0xff: {  	(xrf0) =	vadd.scan.msk.s32 $0xffff, v18;
	v18 =	vshrl.u32 v15, $0x18;
	v17 =	vsel vm1, $0x1, v1;
	vm3 =	veq.s32 v16, v7  }
0x100: {  	v30 =	vshra.s32 v20, $0x1F;
	vm2 =	veq.s32 v18, v7;
	(xrf0) =	vadd.scan.msk.s32 $0xffff, v17;
	v16 =	vsel vm3, $0x1, v1  }
0x101: {  	v30 =	vor.u32 $0x80000000, v30;
	(xrf0) =	vadd.scan.msk.s32 $0xffff, v16;
	v16 =	vsel vm2, $0x1, v1  }
0x102: {  	v20 =	vxor.u32 v20, v30;
	(xrf0) =	vadd.scan.msk.s32 $0xffff, v16  }
0x103: {  	v25 =	vshrl.u32 v5, $0x10;
	v32 =	vshrl.u32 v20, $0x10  }
0x104: {  	v30 =	vshrl.u32 v20, $0x18;
	v25 =	vand.u32 $0xFF, v25;
	v32 =	vand.u32 $0xFF, v32  }
0x105: {  	v22 =	vshrl.u32 v15, $0x10;
	v23 =	vshrl.u32 v14, $0x10;
	v17 =	vmpcnt.ones.xlane vm2;
	v21, _, _ =	vpop (xrf0)  }
0x106: {  	v28 =	vld [tilespmem:s0+$0x10];
	v18 =	vmpcnt.ones.xlane vm0;
	v19 =	vmpcnt.ones.xlane vm1;
	v16 =	vshrl.u32 v13, $0x10;
	v26, _, _ =	vpop (xrf0)  }
0x107: {  	v23 =	vand.u32 $0xFF, v23;
	v17 =	vadd.s32 v6, v17;
	v16 =	vand.u32 $0xFF, v16;
	v27, _, _ =	vpop (xrf0)  }
0x108: {  	v22 =	vand.u32 $0xFF, v22;
	v19 =	vadd.s32 v17, v19;
	v17 =	vadd.s32 v26, v17;
	v26, _, _ =	vpop (xrf0)  }
0x109: {  	v29 =	vld [tilespmem:s0+$0x30];
	v24 =	vmpcnt.ones.xlane vm3;
	vm5 =	vmmov vm3;
	v26 =	vadd.s32 v26, v6  }
0x10a: {  	v18 =	vadd.s32 v19, v18;
	v19 =	vadd.s32 v21, v19;
	v21 =	vadd.s32 $0xFFFFFFFF, v26;
	v26 =	vld [tilespmem:s0+$0x0]  }
0x10b: {  	v24 =	vadd.s32 v18, v24;
	v18 =	vadd.s32 v27, v18;
	v27 =	vshra.s32 v28, $0x1F  }
0x10c: {  	vm3 =	veq.s32 v30, v7;
	[tilespmem:v16+s18+$0x0] =	vst.idx.add.s32.msk vm1, v2;
	v16 =	vadd.s32 $0xFFFFFFFF, v18;
	v18 =	vor.u32 $0x80000000, v27  }
0x10d: {  	v30 =	vsel vm3, $0x1, v1;
	v17 =	vadd.s32 $0xFFFFFFFF, v17;
	v28 =	vxor.u32 v28, v18  }
0x10e: {  	v19 =	vadd.s32 $0xFFFFFFFF, v19;
	[tilespmem:v22+s18+$0x0] =	vst.idx.add.s32.msk vm2, v2;
	v22 =	vshra.s32 v29, $0x1F;
	v18 =	vshrl.u32 v28, $0x18  }
0x10f: {  	vm4 =	veq.s32 v18, v7;
	[tilespmem:v21+s23+$0x0] =	vst.idx.msk vm2, v15;
	v15 =	vshra.s32 v26, $0x1F;
	v21 =	vor.u32 $0x80000000, v22  }
0x110: {  	(xrf0) =	vadd.scan.msk.s32 $0xffff, v30;
	v18 =	vsel vm4, $0x1, v1;
	v15 =	vor.u32 $0x80000000, v15;
	v27 =	vxor.u32 v29, v21  }
0x111: {  	[tilespmem:v25+s18+$0x0] =	vst.idx.add.s32.msk vm0, v2;
	(xrf0) =	vadd.scan.msk.s32 $0xffff, v18;
	v21 =	vxor.u32 v26, v15;
	v15 =	vshrl.u32 v27, $0x18  }
0x112: {  	s15 =	sand.u32 $0x1FC0, s1;
	[tilespmem:v17+s23+$0x0] =	vst.idx.msk vm1, v13;
	v13 =	vshrl.u32 v28, $0x10;
	v29 =	vshrl.u32 v21, $0x18;
	vm6 =	veq.s32 v15, v7  }
0x113: {  	v22 =	vld [tilespmem:s15+$0x2000];
	v26 =	vmpcnt.ones.xlane vm3;
	vm2 =	veq.s32 v29, v7;
	v15 =	vsel vm6, $0x1, v1  }
0x114: {  	v17 =	vld [tilespmem:s1+$0x2010];
	v30 =	vshrl.u32 v27, $0x10;
	v25 =	vshrl.u32 v21, $0x10;
	v18 =	vmpcnt.ones.xlane vm2;
	(xrf0) =	vadd.scan.msk.s32 $0xffff, v15  }
0x115: {  	[tilespmem:v19+s23+$0x0] =	vst.idx.msk vm0, v5;
	v30 =	vand.u32 $0xFF, v30;
	v29 =	vand.u32 $0xFF, v13;
	v13 =	vmpcnt.ones.xlane vm4  }
0x116: {  	v33 =	vld [tilespmem:s1+$0x2020];
	v31, _, _ =	vpop (xrf0);
	v5 =	vmpcnt.ones.xlane vm6;
	v19 =	vsel vm2, $0x1, v1;
	v18 =	vadd.s32 v24, v18  }
0x117: {  	vm7 =	vmmov vm6;
	(xrf0) =	vadd.scan.msk.s32 $0xffff, v19;
	v19 =	vand.u32 $0xFF, v25;
	v25, _, _ =	vpop (xrf0);
	v13 =	vadd.s32 v18, v13  }
0x118: {  	[tilespmem:v23+s18+$0x0] =	vst.idx.add.s32.msk vm5, v2;
	v15 =	vshra.s32 v22, $0x1F;
	v25 =	vadd.s32 v25, v18;
	v23 =	vadd.s32 v13, v26  }
0x119: {  	[tilespmem:v16+s23+$0x0] =	vst.idx.msk vm5, v14;
	v26 =	vshra.s32 v17, $0x1F;
	v13 =	vadd.s32 v31, v13;
	v18 =	vadd.s32 v23, v5  }
0x11a: {  	v5 =	vadd.s32 $0xFFFFFFFF, v25;
	v16 =	vor.u32 $0x80000000, v26;
	v25 =	vld [tilespmem:s1+$0x2030];
	v26 =	vadd.s32 $0xFFFFFFFF, v13;
	v14, _, _ =	vpop (xrf0)  }
0x11b: {  	s1 =	simm.s32 $0x80;
	v13 =	vxor.u32 v17, v16;
	v16 =	vshra.s32 v33, $0x1F;
	v14 =	vadd.s32 v14, v23  }
0x11c: {  	v15 =	vor.u32 $0x80000000, v15;
	v17 =	vld [tilespmem:s1+$0x20];
	v23 =	vshrl.u32 v13, $0x10;
	v16 =	vor.u32 $0x80000000, v16  }
0x11d: {  	v31 =	vshrl.u32 v13, $0x18;
	v34 =	vand.u32 $0xFF, v23;
	v23 =	vld [tilespmem:s1+$0x10];
	v16 =	vxor.u32 v33, v16  }
0x11e: {  	v40 =	vadd.s32 $0xFFFFFFFF, v14;
	vm0 =	veq.s32 v31, v8;
	v50 =	vshrl.u32 v16, $0x18;
	v14, _, _ =	vpop (xrf0)  }
0x11f: {  	v38 =	vmpcnt.ones.xlane vm0;
	v31 =	vshra.s32 v25, $0x1F;
	v14 =	vadd.s32 v14, v24  }
0x120: {  	v24 =	vadd.s32 $0xFFFFFFFF, v14;
	v14 =	vxor.u32 v22, v15;
	v15 =	vor.u32 $0x80000000, v31  }
0x121: {  	[tilespmem:v32+s18+$0x0] =	vst.idx.add.s32.msk vm3, v2;
	v22 =	vshra.s32 v17, $0x1F;
	v31 =	vshrl.u32 v16, $0x10;
	v15 =	vxor.u32 v25, v15  }
0x122: {  	[tilespmem:v29+s18+$0x0] =	vst.idx.add.s32.msk vm4, v2;
	v22 =	vor.u32 $0x80000000, v22;
	v31 =	vand.u32 $0xFF, v31;
	v36 =	vshra.s32 v23, $0x1F  }
0x123: {  	v35 =	vld [tilespmem:s1+$0x30];
	v37 =	vshrl.u32 v14, $0x10;
	v53 =	vshrl.u32 v14, $0x18;
	v49 =	vshrl.u32 v15, $0x18  }
0x124: {  	[tilespmem:v5+s23+$0x0] =	vst.idx.msk vm4, v28;
	v17 =	vxor.u32 v17, v22;
	v22 =	vor.u32 $0x80000000, v36;
	vm4 =	veq.s32 v53, v8  }
0x125: {  	v25 =	vld [tilespmem:s1+$0x0];
	v54 =	vand.u32 $0xFF, v37;
	v29 =	vshrl.u32 v17, $0x18;
	v23 =	vxor.u32 v23, v22  }
0x126: {  	[tilespmem:v26+s23+$0x0] =	vst.idx.msk vm3, v20;
	v22 =	vshrl.u32 v15, $0x10;
	vm3 =	veq.s32 v49, v8;
	v56 =	vsel vm4, $0x1, v1  }
0x127: {  	v57 =	vshrl.u32 v17, $0x10;
	v44 =	vmpcnt.ones.xlane vm4;
	vm1 =	veq.s32 v29, v7  }
0x128: {  	[tilespmem:v19+s18+$0x0] =	vst.idx.add.s32.msk vm2, v2;
	v29 =	vshra.s32 v35, $0x1F;
	v28 =	vshrl.u32 v23, $0x10;
	v51 =	vand.u32 $0xFF, v22  }
0x129: {  	v22 =	vsel vm0, $0x1, v1;
	[tilespmem:v24+s23+$0x0] =	vst.idx.msk vm2, v21;
	v21 =	vsel vm1, $0x1, v1;
	v39 =	vmpcnt.ones.xlane vm1  }
0x12a: {  	vm2 =	veq.s32 v50, v8;
	v24 =	vshrl.u32 v23, $0x18;
	v5 =	vshra.s32 v25, $0x1F  }
0x12b: {  	v28 =	vand.u32 $0xFF, v28;
	v20 =	vsel vm2, $0x1, v1;
	(xrf0) =	vadd.scan.msk.s32 $0xffff, v21;
	v5 =	vor.u32 $0x80000000, v5  }
0x12c: {  	s16 =	sand.u32 $0x1FC0, s0;
	v61 =	vadd.s32 v6, v44;
	vm6 =	veq.s32 v24, v7;
	(xrf0) =	vadd.scan.msk.s32 $0xffff, v20;
	v21 =	vxor.u32 v25, v5  }
0x12d: {  	v19 =	vld [tilespmem:s16+$0x2000];
	v52 =	vsel vm6, $0x1, v1;
	v5 =	vor.u32 $0x80000000, v29;
	(xrf0) =	vadd.scan.msk.s32 $0xffff, v22;
	v20 =	vshrl.u32 v21, $0x18  }
0x12e: {  	v26 =	vxor.u32 v35, v5;
	(xrf0) =	vadd.scan.msk.s32 $0xffff, v52;
	vm5 =	veq.s32 v20, v7;
	v20 =	vsel vm3, $0x1, v1  }
0x12f: {  	v62 =	vadd.s32 v61, v38;
	v5 =	vshrl.u32 v26, $0x18;
	v29 =	vmpcnt.ones.xlane vm5;
	(xrf0) =	vadd.scan.msk.s32 $0xffff, v20  }
0x130: {  	[tilespmem:v30+s18+$0x0] =	vst.idx.add.s32.msk vm7, v2;
	v41 =	vmpcnt.ones.xlane vm6;
	v25 =	vmpcnt.ones.xlane vm3;
	vm8 =	veq.s32 v5, v7  }
0x131: {  	v22 =	vld [tilespmem:s0+$0x2010];
	v5 =	vshrl.u32 v21, $0x10;
	v30 =	vsel vm8, $0x1, v1;
	v42, _, _ =	vpop (xrf0);
	v58 =	vadd.s32 v18, v29  }
0x132: {  	v24 =	vshra.s32 v19, $0x1F;
	[tilespmem:v28+s18+$0x0] =	vst.idx.add.s32.msk vm6, v2;
	(xrf0) =	vadd.scan.msk.s32 $0xffff, v30;
	v43, _, _ =	vpop (xrf0);
	v28 =	vadd.s32 v58, v41  }
0x133: {  	[tilespmem:v31+s19+$0x0] =	vst.idx.add.s32.msk vm2, v2;
	v31 =	vshrl.u32 v26, $0x10;
	v30 =	vmpcnt.ones.xlane vm2;
	(xrf0) =	vadd.scan.msk.s32 $0xffff, v56;
	v59, _, _ =	vpop (xrf0)  }
0x134: {  	[tilespmem:v34+s19+$0x0] =	vst.idx.add.s32.msk vm0, v2;
	v60 =	vsel vm5, $0x1, v1;
	v55 =	vmpcnt.ones.xlane vm8;
	v29 =	vand.u32 $0xFF, v5;
	v5, _, _ =	vpop (xrf0)  }
0x135: {  	v41 =	vadd.s32 v28, v39;
	v38 =	vadd.s32 v42, v28;
	v33 =	vadd.s32 v62, v30;
	v28, _, _ =	vpop (xrf0)  }
0x136: {  	[tilespmem:v40+s23+$0x0] =	vst.idx.msk vm7, v27;
	v34 =	vld [tilespmem:s0+$0x2020];
	v20 =	vand.u32 $0xFF, v31;
	v31 =	vand.u32 $0xFF, v57;
	v28 =	vadd.s32 v28, v33  }
0x137: {  	[tilespmem:v54+s19+$0x0] =	vst.idx.add.s32.msk vm4, v2;
	v36 =	vshra.s32 v22, $0x1F;
	v63 =	vadd.s32 v43, v62;
	v37 =	vadd.s32 v5, v58  }
0x138: {  	(xrf0) =	vadd.scan.msk.s32 $0xffff, v60;
	v39 =	vadd.s32 v59, v61;
	v32 =	vadd.s32 $0xFFFFFFFF, v63;
	v37 =	vadd.s32 $0xFFFFFFFF, v37;
	v30, _, _ =	vpop (xrf0)  }
0x139: {  	s30 =	simm.s32 $0x8;
	s31 =	simm.s32 $0xC0;
	s29 =	simm.s32 $0x80;
	[tilespmem:v51+s19+$0x0] =	vst.idx.add.s32.msk vm3, v2;
	v5 =	vadd.s32 v41, v55;
	v35 =	vadd.s32 v30, v41;
	v30 =	vadd.s32 $0xFFFFFFFF, v28;
	v28, _, _ =	vpop (xrf0)  }
.LBB2_18:
0x13a: {  	v38 =	vadd.s32 $0xFFFFFFFF, v38  }
0x13b: {  	s30 =	sadd.s32 $0x4, s30;
	v36 =	vor.u32 $0x80000000, v36;
	v40 =	vld [tilespmem:s0+$0x2030];
	v39 =	vadd.s32 $0xFFFFFFFF, v39;
	v27 =	vmovc v26;
	vm7 =	vmmov vm8;
	s0 =	smov.u32 s1;
	s1 =	smov.u32 s31  }
0x13c: {  	v6 =	vadd.s32 v28, v6;
	v26 =	vld [tilespmem:s31+$0x10];
	p0 =	slt.u32 s30, $0x1FC;
	v36 =	vxor.u32 v22, v36;
	v41 =	vshra.s32 v34, $0x1F  }
0x13d: {  	v42 =	vld [tilespmem:s31+$0x20];
	[tilespmem:v37+s23+$0x0] =	vst.idx.msk vm6, v23;
	v23 =	vshrl.u32 v36, $0x18;
	v22 =	vshrl.u32 v36, $0x10;
	v37 =	vadd.s32 $0xFFFFFFFF, v6  }
0x13e: {  	v28 =	vadd.s32 $0xFFFFFFFF, v35;
	v6 =	vadd.s32 v33, v25;
	[tilespmem:v31+s18+$0x0] =	vst.idx.add.s32.msk vm1, v2;
	v31, _, _ =	vpop (xrf0);
	v35 =	vand.u32 $0xFF, v22  }
0x13f: {  	v24 =	vor.u32 $0x80000000, v24;
	v25 =	vadd.s32 v31, v18;
	v22 =	vld [tilespmem:s0+$0x2010];
	v31 =	vor.u32 $0x80000000, v41;
	[tilespmem:v32+s24+$0x0] =	vst.idx.msk vm2, v16;
	v18 =	vmovc v5  }
0x140: {  	v25 =	vadd.s32 $0xFFFFFFFF, v25;
	v32 =	vshra.s32 v40, $0x1F;
	[tilespmem:v39+s24+$0x0] =	vst.idx.msk vm0, v13;
	vm0 =	veq.s32 v23, v8;
	v13 =	vmovc v36  }
0x141: {  	v19 =	vxor.u32 v19, v24;
	v16 =	vxor.u32 v34, v31;
	v33 =	vld [tilespmem:s31+$0x30];
	v23 =	vor.u32 $0x80000000, v32;
	[tilespmem:v30+s24+$0x0] =	vst.idx.msk vm3, v15  }
0x142: {  	v30 =	vshrl.u32 v16, $0x10;
	v24 =	vshra.s32 v42, $0x1F;
	v15 =	vxor.u32 v40, v23;
	[tilespmem:v37+s24+$0x0] =	vst.idx.msk vm4, v14;
	v14 =	vmovc v19  }
0x143: {  	v30 =	vand.u32 $0xFF, v30;
	v31 =	vld [tilespmem:s31+$0x0];
	v19 =	vor.u32 $0x80000000, v24;
	[tilespmem:v38+s23+$0x0] =	vst.idx.msk vm1, v17;
	v24 =	vshrl.u32 v15, $0x18  }
0x144: {  	v23 =	vshra.s32 v26, $0x1F;
	v17 =	vxor.u32 v42, v19;
	[tilespmem:v29+s18+$0x0] =	vst.idx.add.s32.msk vm5, v2;
	v29 =	vshrl.u32 v14, $0x10  }
0x145: {  	v23 =	vor.u32 $0x80000000, v23;
	v19 =	vshrl.u32 v17, $0x18;
	[tilespmem:v25+s23+$0x0] =	vst.idx.msk vm5, v21;
	v21 =	vshrl.u32 v16, $0x18  }
0x146: {  	s2 =	sand.u32 $0x1FC0, s29;
	v32 =	vmpcnt.ones.xlane vm0;
	vm1 =	veq.s32 v19, v7;
	v25 =	vshra.s32 v33, $0x1F;
	[tilespmem:v35+s19+$0x0] =	vst.idx.add.s32.msk vm0, v2  }
0x147: {  	vm2 =	veq.s32 v21, v8;
	v34 =	vsel vm1, $0x1, v1;
	v35 =	vmpcnt.ones.xlane vm1;
	v19 =	vld [tilespmem:s2+$0x2000]  }
0x148: {  	v23 =	vxor.u32 v26, v23;
	v26 =	vshrl.u32 v15, $0x10;
	v21 =	vshra.s32 v31, $0x1F;
	(xrf0) =	vadd.scan.msk.s32 $0xffff, v34  }
0x149: {  	v36 =	vshrl.u32 v23, $0x10;
	v37 =	vand.u32 $0xFF, v26;
	v34 =	vshrl.u32 v23, $0x18  }
0x14a: {  	v26 =	vsel vm2, $0x1, v1;
	vm6 =	veq.s32 v34, v7;
	v34 =	vand.u32 $0xFF, v36  }
0x14b: {  	v39 =	vsel vm0, $0x1, v1;
	v38 =	vshrl.u32 v14, $0x18;
	v36 =	vsel vm6, $0x1, v1  }
0x14c: {  	vm3 =	veq.s32 v24, v8;
	v21 =	vor.u32 $0x80000000, v21;
	v40 =	vmpcnt.ones.xlane vm6;
	(xrf0) =	vadd.scan.msk.s32 $0xffff, v26  }
0x14d: {  	v25 =	vor.u32 $0x80000000, v25;
	v21 =	vxor.u32 v31, v21;
	v24 =	vshra.s32 v19, $0x1F;
	(xrf0) =	vadd.scan.msk.s32 $0xffff, v39  }
0x14e: {  	v31 =	vshrl.u32 v21, $0x18;
	v26 =	vxor.u32 v33, v25;
	v25 =	vmpcnt.ones.xlane vm3;
	v33, _, _ =	vpop (xrf0);
	[tilespmem:v30+s19+$0x0] =	vst.idx.add.s32.msk vm2, v2  }
0x14f: {  	vm5 =	veq.s32 v31, v7;
	v30 =	vshrl.u32 v26, $0x18;
	[tilespmem:v20+s18+$0x0] =	vst.idx.add.s32.msk vm7, v2;
	v20 =	vsel vm3, $0x1, v1  }
0x150: {  	vm4 =	veq.s32 v38, v8;
	v31 =	vmpcnt.ones.xlane vm5;
	vm8 =	veq.s32 v30, v7;
	(xrf0) =	vadd.scan.msk.s32 $0xffff, v36  }
0x151: {  	v38 =	vand.u32 $0xFF, v29;
	v30 =	vshrl.u32 v21, $0x10;
	[tilespmem:v34+s18+$0x0] =	vst.idx.add.s32.msk vm6, v2;
	v34 =	vsel vm8, $0x1, v1  }
0x152: {  	v29 =	vshrl.u32 v26, $0x10;
	v39 =	vmpcnt.ones.xlane vm8;
	v36 =	vsel vm4, $0x1, v1;
	v41, _, _ =	vpop (xrf0);
	(xrf0) =	vadd.scan.msk.s32 $0xffff, v20  }
0x153: {  	v42 =	vshrl.u32 v17, $0x10;
	v43 =	vmpcnt.ones.xlane vm2;
	v20 =	vand.u32 $0xFF, v29;
	(xrf0) =	vadd.scan.msk.s32 $0xffff, v34;
	v44, _, _ =	vpop (xrf0)  }
0x154: {  	v5 =	vadd.s32 v5, v31;
	v31 =	vand.u32 $0xFF, v42;
	v34 =	vmpcnt.ones.xlane vm4;
	(xrf0) =	vadd.scan.msk.s32 $0xffff, v36  }
0x155: {  	v29 =	vand.u32 $0xFF, v30;
	v30 =	vadd.s32 v5, v40;
	v36 =	vshra.s32 v22, $0x1F;
	[tilespmem:v37+s19+$0x0] =	vst.idx.add.s32.msk vm3, v2  }
.Ltmp8:
0x156: {  	s29 =	sadd.s32 $0x40, s29;
	v40 =	vsel vm5, $0x1, v1;
	v35 =	vadd.s32 v30, v35;
	v42 =	vadd.s32 v6, v34;
	v37, _, _ =	vpop (xrf0);
	[tilespmem:v38+s19+$0x0] =	vst.idx.add.s32.msk vm4, v2;
	(pc) =	sbr.rel @p0 .LBB2_18-.Ltmp8, $4  }
0x157: {  	v32 =	vadd.s32 v42, v32;
	v37 =	vadd.s32 v37, v5;
	v5 =	vadd.s32 v35, v39;
	v34 =	vld [tilespmem:s0+$0x2020]  }
0x158: {  	v38 =	vadd.s32 v33, v30;
	v33 =	vadd.s32 v32, v43;
	v37 =	vadd.s32 $0xFFFFFFFF, v37;
	(xrf0) =	vadd.scan.msk.s32 $0xffff, v40;
	v30, _, _ =	vpop (xrf0)  }
0x159: {  	v39 =	vadd.s32 v44, v42;
	v32 =	vadd.s32 v41, v32;
	v40, _, _ =	vpop (xrf0);
	v30 =	vadd.s32 v30, v33  }
0x15a: {  	s31 =	sadd.s32 $0x40, s31;
	v32 =	vadd.s32 $0xFFFFFFFF, v32;
	v35 =	vadd.s32 v40, v35;
	[tilespmem:v28+s23+$0x0] =	vst.idx.msk vm7, v27;
	v30 =	vadd.s32 $0xFFFFFFFF, v30;
	v28, _, _ =	vpop (xrf0)  }
0x15b: {  	_ =	sdelay $0x1  }
0x15c: {  	v38 =	vadd.s32 $0xFFFFFFFF, v38  }
0x15d: {  	v36 =	vor.u32 $0x80000000, v36;
	v39 =	vadd.s32 $0xFFFFFFFF, v39;
	vm8 =	vmmov vm8;
	v40, _, _ =	vpop (xrf0)  }
0x15e: {  	v6 =	vadd.s32 v28, v6;
	v46 =	vor.u32 $0x80000000, v24;
	v18 =	vadd.s32 v40, v18  }
0x15f: {  	v27 =	vld [tilespmem:s0+$0x2030];
	[tilespmem:v37+s23+$0x0] =	vst.idx.msk vm6, v23;
	v53 =	vadd.s32 v33, v25;
	v62 =	vshra.s32 v34, $0x1F;
	v18 =	vadd.s32 $0xFFFFFFFF, v18  }
0x160: {  	[tilespmem:v31+s18+$0x0] =	vst.idx.add.s32.msk vm1, v2;
	v22 =	vxor.u32 v22, v36;
	v6 =	vadd.s32 $0xFFFFFFFF, v6;
	v63 =	vor.u32 $0x80000000, v62  }
0x161: {  	[tilespmem:v29+s18+$0x0] =	vst.idx.add.s32.msk vm5, v2;
	v19 =	vxor.u32 v19, v46;
	v42 =	vshrl.u32 v22, $0x10;
	v28 =	vxor.u32 v34, v63  }
0x162: {  	[tilespmem:v32+s24+$0x0] =	vst.idx.msk vm2, v16;
	v52 =	vshrl.u32 v19, $0x18;
	v55 =	vshrl.u32 v19, $0x10;
	v44 =	vshrl.u32 v28, $0x18  }
0x163: {  	v54 =	vld [tilespmem:s1+$0x2010];
	v50 =	vand.u32 $0xFF, v42;
	vm11 =	veq.s32 v52, v8;
	vm7 =	veq.s32 v44, v8;
	[tilespmem:v38+s23+$0x0] =	vst.idx.msk vm1, v17  }
0x164: {  	v16 =	vand.u32 $0xFF, v55;
	v40 =	vshrl.u32 v22, $0x18;
	[tilespmem:v18+s23+$0x0] =	vst.idx.msk vm5, v21;
	v18 =	vsel vm7, $0x1, v1  }
0x165: {  	v51 =	vshrl.u32 v28, $0x10;
	v61 =	vsel vm11, $0x1, v1;
	v59 =	vld [tilespmem:s1+$0x2020];
	(xrf0) =	vadd.scan.msk.s32 $0xffff, v18;
	v18 =	vadd.s32 $0xFFFFFFFF, v35  }
0x166: {  	v41 =	vshra.s32 v27, $0x1F;
	vm9 =	veq.s32 v40, v8;
	v17 =	vand.u32 $0xFF, v51  }
0x167: {  	v43 =	vor.u32 $0x80000000, v41;
	v48 =	vsel vm9, $0x1, v1;
	[tilespmem:v20+s18+$0x0] =	vst.idx.add.s32.msk vm8, v2;
	v20 =	vmpcnt.ones.xlane vm11  }
0x168: {  	s31 =	sand.u32 $0x1FC0, s29;
	[tilespmem:v39+s24+$0x0] =	vst.idx.msk vm0, v13;
	v57 =	vmpcnt.ones.xlane vm9;
	v13 =	vshra.s32 v54, $0x1F;
	v27 =	vxor.u32 v27, v43  }
0x169: {  	v36 =	vmpcnt.ones.xlane vm7;
	v13 =	vor.u32 $0x80000000, v13;
	v45 =	vshrl.u32 v27, $0x18;
	v47 =	vld [tilespmem:s31+$0x2000];
	(xrf0) =	vadd.scan.msk.s32 $0xffff, v48  }
0x16a: {  	v56 =	vshrl.u32 v27, $0x10;
	v20 =	vadd.s32 v53, v20;
	v41 =	vshra.s32 v59, $0x1F;
	[tilespmem:v18+s23+$0x0] =	vst.idx.msk vm8, v26  }
0x16b: {  	[tilespmem:v6+s24+$0x0] =	vst.idx.msk vm4, v14;
	v13 =	vxor.u32 v54, v13;
	vm10 =	veq.s32 v45, v8;
	v14 =	vor.u32 $0x80000000, v41;
	v63 =	vld [tilespmem:s1+$0x2030]  }
0x16c: {  	v33 =	vadd.s32 v20, v57;
	v49 =	vsel vm10, $0x1, v1;
	v14 =	vxor.u32 v59, v14  }
0x16d: {  	v31 =	vand.u32 $0xFF, v56;
	v36 =	vadd.s32 v33, v36;
	(xrf0) =	vadd.scan.msk.s32 $0xffff, v49;
	v43 =	vshrl.u32 v14, $0x18  }
0x16e: {  	[tilespmem:v17+s19+$0x0] =	vst.idx.add.s32.msk vm7, v2;
	v51 =	vshrl.u32 v14, $0x10;
	vm13 =	veq.s32 v43, v8;
	v58 =	vshra.s32 v47, $0x1F;
	v60, _, _ =	vpop (xrf0)  }
0x16f: {  	v18 =	vmpcnt.ones.xlane vm10;
	v44 =	vsel vm13, $0x1, v1;
	v17 =	vor.u32 $0x80000000, v58;
	v62, _, _ =	vpop (xrf0);
	(xrf0) =	vadd.scan.msk.s32 $0xffff, v61  }
0x170: {  	[tilespmem:v30+s24+$0x0] =	vst.idx.msk vm3, v15;
	v17 =	vxor.u32 v47, v17;
	v15 =	vadd.s32 v62, v20;
	v42 =	vshra.s32 v63, $0x1F  }
0x171: {  	[tilespmem:v16+s19+$0x0] =	vst.idx.add.s32.msk vm11, v2;
	v6 =	vadd.s32 $0xFFFFFFFF, v15;
	v15 =	vshrl.u32 v13, $0x18;
	v23 =	vor.u32 $0x80000000, v42  }
0x172: {  	v16 =	vadd.s32 v36, v18;
	vm12 =	veq.s32 v15, v8;
	v15 =	vxor.u32 v63, v23  }
0x173: {  	[tilespmem:v50+s19+$0x0] =	vst.idx.add.s32.msk vm9, v2;
	v18 =	vand.u32 $0xFF, v51;
	v40, _, _ =	vpop (xrf0);
	v46 =	vshrl.u32 v17, $0x18;
	v23 =	vshrl.u32 v15, $0x18  }
0x174: {  	(xrf0) =	vadd.scan.msk.s32 $0xffff, v44;
	v20 =	vadd.s32 v40, v36;
	v47 =	vsel vm12, $0x1, v1;
	vm14 =	veq.s32 v23, v8  }
0x175: {  	vm15 =	veq.s32 v46, v8;
	v20 =	vadd.s32 $0xFFFFFFFF, v20;
	(xrf0) =	vadd.scan.msk.s32 $0xffff, v47;
	v45, _, _ =	vpop (xrf0);
	v23 =	vsel vm14, $0x1, v1  }
0x176: {  	v48 =	vshrl.u32 v13, $0x10;
	v49 =	vsel vm15, $0x1, v1;
	v21 =	vadd.s32 v45, v53;
	(xrf0) =	vadd.scan.msk.s32 $0xffff, v23  }
0x177: {  	v26 =	vadd.s32 v60, v33;
	v29 =	vmpcnt.ones.xlane vm15;
	v21 =	vadd.s32 $0xFFFFFFFF, v21;
	(xrf0) =	vadd.scan.msk.s32 $0xffff, v49  }
0x178: {  	v50 =	vand.u32 $0xFF, v48;
	[tilespmem:v31+s19+$0x0] =	vst.idx.add.s32.msk vm10, v2;
	v26 =	vadd.s32 $0xFFFFFFFF, v26;
	v52 =	vmpcnt.ones.xlane vm12  }
0x179: {  	v57 =	vmpcnt.ones.xlane vm13;
	v55 =	vadd.s32 v16, v29;
	[tilespmem:v18+s19+$0x0] =	vst.idx.add.s32.msk vm13, v2;
	v53 =	vshrl.u32 v17, $0x10  }
0x17a: {  	v24 =	vadd.s32 v55, v52;
	v54 =	vshrl.u32 v15, $0x10;
	v56, _, _ =	vpop (xrf0);
	[tilespmem:v20+s24+$0x0] =	vst.idx.msk vm10, v27;
	v20 =	vand.u32 $0xFF, v53  }
0x17b: {  	[tilespmem:v6+s24+$0x0] =	vst.idx.msk vm9, v22;
	v6 =	vand.u32 $0xFF, v54;
	v59 =	vadd.s32 v56, v24;
	v58, _, _ =	vpop (xrf0)  }
0x17c: {  	v62 =	vadd.s32 $0xFFFFFFFF, v59;
	v61 =	vadd.s32 v58, v55;
	[tilespmem:v21+s24+$0x0] =	vst.idx.msk vm11, v19;
	v19 =	vadd.s32 v24, v57;
	v60, _, _ =	vpop (xrf0)  }
0x17d: {  	[tilespmem:v26+s24+$0x0] =	vst.idx.msk vm7, v28;
	v22 =	vadd.s32 $0xFFFFFFFF, v61;
	v21 =	vadd.s32 v60, v19;
	v63, _, _ =	vpop (xrf0)  }
0x17e: {  	[tilespmem:v50+s19+$0x0] =	vst.idx.add.s32.msk vm12, v2;
	v18 =	vadd.s32 $0xFFFFFFFF, v21;
	v16 =	vadd.s32 v63, v16  }
0x17f: {  	[tilespmem:v20+s19+$0x0] =	vst.idx.add.s32.msk vm15, v2;
	v16 =	vadd.s32 $0xFFFFFFFF, v16  }
0x180: {  	[tilespmem:v6+s19+$0x0] =	vst.idx.add.s32.msk vm14, v2  }
0x181: {  	[tilespmem:v62+s24+$0x0] =	vst.idx.msk vm13, v14  }
0x182: {  	[tilespmem:v22+s24+$0x0] =	vst.idx.msk vm12, v13  }
0x183: {  	[tilespmem:v18+s24+$0x0] =	vst.idx.msk vm14, v15  }
0x184: {  	s1 =	simm.s32 $0xF0;
	[tilespmem:v16+s24+$0x0] =	vst.idx.msk vm15, v17  }
0x185: {  	v9 =	vsub.s32 v9, v10;
	v10 =	vsub.s32 v11, v12;
	v12 =	vld [tilespmem:s1+$0x8100]  }
0x186: {  	v13 =	vld [tilespmem:s1+$0x8000];
	_ =	sdelay $0x3  }
0x187: {  	v14 =	vperm.xlane v12, v3  }
0x188: {  	s0 =	simm.s32 $0xE0;
	v15 =	vperm.xlane v13, v3;
	(xrf0) =	vadd.scan.msk.s32 $0xffff, v13  }
0x189: {  	v13 =	vld [tilespmem:s0+$0x8100];
	(xrf0) =	vadd.scan.msk.s32 $0xffff, v14  }
0x18a: {  	v14 =	vld [tilespmem:s0+$0x8000];
	(xrf0) =	vadd.scan.msk.s32 $0xffff, v15;
	_ =	sdelay $0x3  }
0x18b: {  	v6 =	vmpcnt.ones.xlane vm14;
	(xrf0) =	vadd.scan.msk.s32 $0xffff, v12;
	v12 =	vperm.xlane v13, v3;
	v15, _, _ =	vpop (xrf0)  }
0x18c: {  	v11 =	vimm.s32 $0x0;
	s14 =	simm.s32 $0xD0;
	v16 =	vperm.xlane v14, v3;
	(xrf0) =	vadd.scan.msk.s32 $0xffff, v14;
	v14 =	vbroadcast v15, $0xF;
	v15, _, _ =	vpop (xrf0)  }
0x18d: {  	(xrf0) =	vadd.scan.msk.s32 $0xffff, v12;
	v12 =	vadd.s32 v11, v15;
	v17, _, _ =	vpop (xrf0);
	v15 =	vld [tilespmem:s14+$0x8100]  }
0x18e: {  	v6 =	vadd.s32 v19, v6;
	v18 =	vld [tilespmem:s14+$0x8000];
	v19 =	vadd.s32 v11, v17  }
0x18f: {  	v9 =	vadd.s32 $0x100, v9;
	(xrf0) =	vadd.scan.msk.s32 $0xffff, v16  }
0x190: {  	v10 =	vadd.s32 $0x100, v10;
	v16 =	vadd.s32 v11, v14;
	v17 =	vperm.xlane v12, v3  }
0x191: {  	s2 =	simm.s32 $0x300;
	v14 =	vimm.s32 $0x0;
	(xrf0) =	vadd.scan.msk.s32 $0xffff, v13;
	v12 =	vimm.s32 $0x0;
	v13 =	vperm.xlane v19, v3;
	v19, _, _ =	vpop (xrf0)  }
.LBB2_20:
0x192: {  	s3 =	sshra.s32 s2, $0x2;
	p0 =	sne.s32 s2, $0x0;
	s2 =	sadd.s32 $0xFFFFFFC0, s2;
	v20 =	vperm.xlane v15, v3;
	[tilespmem:s1+$0x8300] =	vst v17;
	vm0 =	vge.s32 v17, v10;
	v17 =	vbroadcast v19, $0xF;
	v19 =	vmovc v15  }
.Ltmp9:
0x193: {  	v15 =	vld [tilespmem:s3+$0x8100];
	v25 =	vperm.xlane v18, v3;
	(xrf0) =	vadd.scan.msk.s32 $0xffff, v18;
	v22, _, _ =	vpop (xrf0);
	vm1 =	vge.s32 v13, v9;
	v23 =	vmpcnt.ones.xlane vm0;
	(pc) =	sbr.rel @p0 .LBB2_20-.Ltmp9, $4  }
0x194: {  	v18 =	vld [tilespmem:s3+$0x8000];
	(xrf0) =	vadd.scan.msk.s32 $0xffff, v20;
	v20 =	vbroadcast v22, $0xF;
	v22, _, _ =	vpop (xrf0);
	v24 =	vmpcnt.ones.xlane vm1;
	v11 =	vadd.s32 v11, v17  }
0x195: {  	(xrf0) =	vadd.scan.msk.s32 $0xffff, v25;
	v17 =	vadd.s32 v11, v22;
	v21, _, _ =	vpop (xrf0);
	[tilespmem:s1+$0x8200] =	vst v13;
	v12 =	vadd.s32 v12, v23;
	s1 =	smov.u32 s0;
	s0 =	smov.u32 s14;
	s14 =	smov.u32 s3  }
0x196: {  	v13 =	vadd.s32 v16, v21;
	v16 =	vadd.s32 v16, v20;
	v17 =	vperm.xlane v17, v3  }
0x197: {  	v14 =	vadd.s32 v14, v24;
	(xrf0) =	vadd.scan.msk.s32 $0xffff, v19;
	v13 =	vperm.xlane v13, v3;
	v19, _, _ =	vpop (xrf0)  }
0x198: {  	v20 =	vperm.xlane v15, v3  }
0x199: {  	v21 =	vperm.xlane v18, v3;
	(xrf0) =	vadd.scan.msk.s32 $0xffff, v18  }
0x19a: {  	(xrf0) =	vadd.scan.msk.s32 $0xffff, v20  }
0x19b: {  	v18, _, _ =	vpop (xrf0);
	(xrf0) =	vadd.scan.msk.s32 $0xffff, v21  }
0x19c: {  	v19 =	vbroadcast v19, $0xF;
	v61, _, _ =	vpop (xrf0)  }
0x19d: {  	v18 =	vbroadcast v18, $0xF;
	v62, _, _ =	vpop (xrf0)  }
0x19e: {  	v22, _, _ =	vpop (xrf0)  }
0x19f: {  	v23, _, _ =	vpop (xrf0)  }
0x1a0: {  	v11 =	vadd.s32 v11, v19;
	v19, _, _ =	vpop (xrf0)  }
0x1a1: {  	vm0 =	vge.s32 v17, v10;
	v21 =	vadd.s32 v16, v62;
	v16 =	vadd.s32 v16, v18;
	v18, _, _ =	vpop (xrf0)  }
0x1a2: {  	vm1 =	vge.s32 v13, v9;
	v16 =	vadd.s32 v16, v18;
	v18 =	vbroadcast v22, $0xF  }
0x1a3: {  	v63 =	vmpcnt.ones.xlane vm0;
	v20 =	vadd.s32 v11, v61;
	v21 =	vperm.xlane v21, v3  }
0x1a4: {  	v20 =	vperm.xlane v20, v3;
	v23 =	vperm.xlane v16, v3;
	v11 =	vadd.s32 v11, v18  }
0x1a5: {  	vm12 =	vge.s32 v21, v9;
	v18 =	vmpcnt.ones.xlane vm1;
	v11 =	vadd.s32 v11, v19  }
0x1a6: {  	v16 =	vmpcnt.ones.xlane vm12;
	vm13 =	vge.s32 v23, v9;
	v11 =	vperm.xlane v11, v3  }
0x1a7: {  	vm14 =	vge.s32 v20, v10;
	v14 =	vadd.s32 v14, v18;
	v18 =	vmpcnt.ones.xlane vm13  }
0x1a8: {  	v14 =	vadd.s32 v14, v16;
	v16 =	vmpcnt.ones.xlane vm14;
	vm15 =	vge.s32 v11, v10  }
0x1a9: {  	[tilespmem:s1+$0x8300] =	vst v17;
	v12 =	vadd.s32 v12, v63;
	v14 =	vadd.s32 v14, v18;
	v17 =	vmpcnt.ones.xlane vm15  }
0x1aa: {  	[tilespmem:s1+$0x8200] =	vst v13;
	v12 =	vadd.s32 v12, v16;
	v16 =	vadd.s32 $0xFFFFFFFF, v14  }
0x1ab: {  	[tilespmem:s0+$0x8300] =	vst v20;
	v12 =	vadd.s32 v12, v17  }
0x1ac: {  	[tilespmem:s0+$0x8200] =	vst v21;
	v17 =	vadd.s32 $0xFFFFFFFF, v12  }
0x1ad: {  	[tilespmem:s14+$0x8200] =	vst v23  }
0x1ae: {  	[tilespmem:s14+$0x8300] =	vst v11  }
0x1af: {  	v11 =	vld.idx.msk [tilespmem:v16+s18+$0x0], $0xffff  }
0x1b0: {  	v12 =	vld.idx.msk [tilespmem:v16+s21+$0x0], $0xffff  }
0x1b1: {  	s31 =	simm.s32 $0x8020;
	v13 =	vld.idx.msk [tilespmem:v17+s19+$0x0], $0xffff  }
0x1b2: {  	v14 =	vld.idx.msk [tilespmem:v17+s22+$0x0], $0xffff;
	[tilespmem:s31+$0xFFFFFFF0] =	vst v1  }
0x1b3: {  	(xrf0) =	vadd.scan.msk.s32 $0xffff, v15;
	[tilespmem:s31+$0x0] =	vst v1  }
0x1b4: {  	[tilespmem:s31+$0x10] =	vst v1  }
0x1b5: {  	s0 =	simm.s32 $0x8120;
	[tilespmem:s31+$0xFFFFFFE0] =	vst v1  }
0x1b6: {  	[tilespmem:s0+$0xFFFFFFF0] =	vst v1  }
0x1b7: {  	[tilespmem:s0+$0x0] =	vst v1  }
0x1b8: {  	[tilespmem:s0+$0x10] =	vst v1  }
0x1b9: {  	s2 =	simm.s32 $0x8060;
	s1 =	simm.s32 $0x0;
	v15, _, _ =	vpop (xrf0);
	[tilespmem:s0+$0xFFFFFFE0] =	vst v1  }
.LBB2_22:
0x1ba: {  	[tilespmem:s2+$0xFFFFFFF0] =	vst v1;
	s0 =	sadd.s32 $0x40, s0  }
0x1bb: {  	s1 =	sadd.s32 $0x4, s1;
	[tilespmem:s0+$0xFFFFFFF0] =	vst v1  }
0x1bc: {  	p0 =	slt.u32 s1, $0xC;
	[tilespmem:s2+$0x0] =	vst v1  }
.Ltmp10:
0x1bd: {  	[tilespmem:s0+$0x0] =	vst v1;
	(pc) =	sbr.rel @p0 .LBB2_22-.Ltmp10, $4  }
0x1be: {  	[tilespmem:s2+$0x10] =	vst v1  }
0x1bf: {  	[tilespmem:s0+$0x10] =	vst v1  }
0x1c0: {  	[tilespmem:s2+$0xFFFFFFE0] =	vst v1  }
0x1c1: {  	s2 =	sadd.s32 $0x40, s2;
	[tilespmem:s0+$0xFFFFFFE0] =	vst v1  }
0x1c2: {  	vm0 =	vgt.s32 v5, v6  }
0x1c3: {  	v15 =	vsel vm0, v5, v6  }
0x1c4: {  	v15 =	vxor.u32 $0x80000000, v15  }
0x1c5: {  	(xrf0) =	vmax.scan.msk.u32 $0xffff, v15;
	_ =	sdelay $0x5  }
0x1c6: {  	v15, _, _ =	vpop (xrf0)  }
0x1c7: {  	(v2sf) =	vpush v15, $0xF;
	_ =	sdelay $0xe  }
0x1c8: {  	s0 =	spop (v2sf)  }
0x1c9: {  	s0 =	sadd.s32 $0x8000000F, s0  }
0x1ca: {  	s29 =	sshra.s32 s0, $0x4  }
0x1cb: {  	s0 =	sshrl.u32 s29, $0x1E  }
0x1cc: {  	s0 =	sadd.s32 s0, s29  }
0x1cd: {  	s30 =	sand.u32 $0xFFFFFFFC, s0  }
0x1ce: {  	p0 =	slt.s32 s30, $0x1  }
.Ltmp11:
0x1cf: {  	_ = 	snop;
	(pc) =	sbr.rel @p0 .LBB2_26-.Ltmp11, $3  }
0x1d0: {  	_ =	sdelay $0x1  }
0x1d1: {  	v7 =	vshll.u32 v7, $0x8;
	v8 =	vshll.u32 v8, $0x8  }
0x1d2: {  	v7 =	vor.u32 v7, v16;
	v8 =	vor.u32 v8, v17  }
0x1d3: {  	s14 =	simm.s32 $0x4000  }
0x1d4: {  	v16 =	vld [tilespmem:s14+$0x30];
	_ =	sdelay $0x1  }
0x1d5: {  	v17 =	vld [tilespmem:s14+$0x0]  }
0x1d6: {  	v19 =	vld [tilespmem:s14+$0x10]  }
0x1d7: {  	s0 =	simm.s32 $0x30;
	v20 =	vld [tilespmem:s14+$0x20]  }
0x1d8: {  	s31 =	simm.s32 $0x0;
	v15 =	vor.u32 s0, v0;
	v18 =	vshrl.u32 v16, $0x10  }
0x1d9: {  	v23 =	vor.u32 s31, v0;
	vm0 =	vlt.s32 v15, v5;
	vm1 =	veq.s32 v18, v7  }
0x1da: {  	vm4 =	vlt.s32 v23, v5;
	v16 =	vshrl.u32 v16, $0x8;
	vm0 =	vmand vm0, vm1  }
0x1db: {  	vm8 =	vlt.s32 v23, v6;
	v21 =	vshrl.u32 v17, $0x10;
	v25 =	vand.u32 $0xFF, v16  }
0x1dc: {  	s1 =	simm.s32 $0x10;
	s2 =	simm.s32 $0x20;
	p2 =	sgt.s32 s30, $0x4;
	v22 =	vshrl.u32 v19, $0x10;
	v24 =	vshrl.u32 v20, $0x10;
	v17 =	vshrl.u32 v17, $0x8  }
.Ltmp12:
0x1dd: {  	v19 =	vshrl.u32 v19, $0x8;
	v18 =	vor.u32 s1, v0;
	v16 =	vor.u32 s2, v0;
	(pc) =	sbr.rel @!p2 .LBB2_25-.Ltmp12, $4  }
0x1de: {  	vm2 =	veq.s32 v22, v7;
	vm3 =	veq.s32 v24, v7;
	v19 =	vand.u32 $0xFF, v19  }
0x1df: {  	vm1 =	veq.s32 v21, v7;
	v21 =	vshrl.u32 v20, $0x8;
	vm6 =	vlt.s32 v16, v5  }
0x1e0: {  	v20 =	vand.u32 $0xFF, v17;
	vm5 =	vmand vm4, vm1;
	vm1 =	vlt.s32 v18, v5;
	[tilespmem:v25+s18+$0x0] =	vst.idx.add.s32.msk vm0, v2  }
0x1e1: {  	p1 =	por $0x0, $0x0;
	s15 =	sand.u32 $0xFFFFFFC0, s31;
	s0 =	simm.s32 $0x4040;
	vm3 =	vmand vm6, vm3;
	v17 =	vand.u32 $0xFF, v21;
	vm4 =	vmand vm1, vm2;
	v21 =	vld [tilespmem:s14+$0x2030]  }
0x1e2: {  	v22 =	vld [tilespmem:s0+$0x30]  }
0x1e3: {  	v23 =	vld [tilespmem:s0+$0x0]  }
0x1e4: {  	v24 =	vld [tilespmem:s0+$0x10]  }
0x1e5: {  	vm1 =	vlt.s32 v18, v6;
	v25 =	vld [tilespmem:s0+$0x20]  }
0x1e6: {  	vm2 =	vlt.s32 v16, v6;
	vm0 =	vmmov vm8;
	vm6 =	vlt.s32 v15, v6  }
0x1e7: {  	s2 =	simm.s32 $0x40;
	vm1 =	vmmov vm1;
	vm2 =	vmmov vm2;
	v16 =	vshrl.u32 v21, $0x10  }
0x1e8: {  	s1 =	simm.s32 $0x70;
	v26 =	vor.u32 s2, v0;
	v15 =	vshrl.u32 v21, $0x8;
	vm7 =	veq.s32 v16, v8  }
0x1e9: {  	[tilespmem:v19+s18+$0x0] =	vst.idx.add.s32.msk vm4, v2;
	v21 =	vand.u32 $0xFF, v15;
	v15 =	vor.u32 s1, v0;
	v16 =	vshrl.u32 v22, $0x10  }
0x1ea: {  	[tilespmem:v17+s18+$0x0] =	vst.idx.add.s32.msk vm3, v2;
	v18 =	vshrl.u32 v23, $0x10;
	v17 =	vshrl.u32 v24, $0x10;
	v19 =	vshrl.u32 v25, $0x10  }
0x1eb: {  	[tilespmem:v20+s18+$0x0] =	vst.idx.add.s32.msk vm5, v2;
	vm6 =	vmand vm6, vm7;
	vm4 =	vlt.s32 v15, v5;
	vm5 =	veq.s32 v16, v7  }
0x1ec: {  	s3 =	simm.s32 $0x50;
	v20 =	vshrl.u32 v23, $0x8;
	v16 =	vshrl.u32 v22, $0x8;
	vm8 =	vmand vm4, vm5  }
0x1ed: {  	s16 =	simm.s32 $0x60;
	v28 =	vld [tilespmem:s14+$0x2010];
	vm3 =	veq.s32 v18, v7;
	v18 =	vor.u32 s3, v0;
	v27 =	vand.u32 $0xFF, v16  }
0x1ee: {  	v22 =	vld [tilespmem:s15+$0x6000];
	vm7 =	veq.s32 v19, v7;
	v20 =	vand.u32 $0xFF, v20;
	v16 =	vor.u32 s16, v0  }
0x1ef: {  	v23 =	vld [tilespmem:s14+$0x2020];
	vm4 =	veq.s32 v17, v7;
	vm5 =	vlt.s32 v26, v5;
	v17 =	vshrl.u32 v24, $0x8  }
0x1f0: {  	p2 =	sgt.s32 s30, $0x8;
	v24 =	vshrl.u32 v25, $0x8;
	vm5 =	vmand vm5, vm3;
	vm3 =	vlt.s32 v18, v5  }
.Ltmp13:
0x1f1: {  	v19 =	vand.u32 $0xFF, v17;
	vm4 =	vmand vm3, vm4;
	vm3 =	vlt.s32 v16, v5;
	[tilespmem:v21+s19+$0x0] =	vst.idx.add.s32.msk vm6, v2;
	(pc) =	sbr.rel @!p2 .LBB2_35-.Ltmp13, $4  }
0x1f2: {  	v17 =	vand.u32 $0xFF, v24;
	vm3 =	vmand vm3, vm7;
	v21 =	vshrl.u32 v28, $0x10;
	[tilespmem:v27+s18+$0x0] =	vst.idx.add.s32.msk vm8, v2  }
0x1f3: {  	v24 =	vshrl.u32 v22, $0x10;
	v22 =	vshrl.u32 v22, $0x8;
	vm6 =	veq.s32 v21, v8;
	v21 =	vld [tilespmem:s0+$0x2030]  }
0x1f4: {  	p1 =	por $0x1, $0x1;
	vm7 =	veq.s32 v24, v8;
	v24 =	vshrl.u32 v23, $0x10;
	v23 =	vshrl.u32 v23, $0x8  }
0x1f5: {  	s14 =	simm.s32 $0x8;
	s15 =	sand.u32 $0xFFFFFFC0, s2;
	s16 =	simm.s32 $0x4080;
	vm9 =	veq.s32 v24, v8;
	vm8 =	vlt.s32 v26, v6;
	v24 =	vshrl.u32 v28, $0x8  }
.LBB2_36:
0x1f6: {  	vm10 =	vlt.s32 v18, v6  }
0x1f7: {  	v25 =	vld [tilespmem:s16+$0x30];
	s14 =	sadd.s32 $0x4, s14;
	vm11 =	vlt.s32 v16, v6;
	vm7 =	vmand vm0, vm7;
	vm0 =	vmmov vm8  }
0x1f8: {  	vm8 =	vmand vm1, vm6;
	vm6 =	vmand vm2, vm9;
	v26 =	vld [tilespmem:s16+$0x0];
	p2 =	slt.s32 s14, s30;
	v16 =	vshrl.u32 v21, $0x10  }
0x1f9: {  	vm1 =	vlt.s32 v15, v6;
	v22 =	vand.u32 $0xFF, v22;
	v27 =	vld [tilespmem:s16+$0x10];
	vm2 =	veq.s32 v16, v8  }
0x1fa: {  	v15 =	vshrl.u32 v21, $0x8;
	v21 =	vand.u32 $0xFF, v24;
	v28 =	vld [tilespmem:s16+$0x20];
	vm9 =	vmand vm1, vm2  }
0x1fb: {  	s1 =	sadd.s32 $0x40, s1;
	v23 =	vand.u32 $0xFF, v23;
	vm1 =	vmmov vm10;
	[tilespmem:v20+s18+$0x0] =	vst.idx.add.s32.msk vm5, v2;
	v20 =	vand.u32 $0xFF, v15  }
0x1fc: {  	s2 =	sadd.s32 $0xFFFFFFD0, s1;
	s3 =	sadd.s32 $0xFFFFFFE0, s1;
	s31 =	sadd.s32 $0xFFFFFFF0, s1;
	vm2 =	vmmov vm11;
	v15 =	vor.u32 s1, v0;
	v16 =	vshrl.u32 v25, $0x10;
	[tilespmem:v19+s18+$0x0] =	vst.idx.add.s32.msk vm4, v2  }
0x1fd: {  	s4 =	sand.u32 $0xFFFFFFC0, s2;
	vm4 =	vlt.s32 v15, v5;
	v18 =	vshrl.u32 v26, $0x10;
	vm5 =	veq.s32 v16, v7;
	[tilespmem:v17+s18+$0x0] =	vst.idx.add.s32.msk vm3, v2  }
0x1fe: {  	v16 =	vshrl.u32 v25, $0x8;
	v17 =	vshrl.u32 v27, $0x10;
	vm10 =	vmand vm4, vm5;
	v24 =	vld [tilespmem:s15+$0x6000];
	s15 =	smov.u32 s4  }
0x1ff: {  	v25 =	vor.u32 s2, v0;
	v29 =	vand.u32 $0xFF, v16;
	v19 =	vshrl.u32 v28, $0x10;
	v30 =	vld [tilespmem:s0+$0x2010]  }
0x200: {  	vm3 =	veq.s32 v18, v7;
	v18 =	vor.u32 s3, v0;
	v16 =	vor.u32 s31, v0;
	[tilespmem:v20+s19+$0x0] =	vst.idx.add.s32.msk vm9, v2  }
0x201: {  	vm4 =	veq.s32 v17, v7;
	v20 =	vshrl.u32 v26, $0x8;
	vm9 =	veq.s32 v19, v7;
	v26 =	vld [tilespmem:s0+$0x2020];
	s0 =	smov.u32 s16  }
0x202: {  	vm5 =	vlt.s32 v25, v5;
	v17 =	vshrl.u32 v27, $0x8;
	v27 =	vshrl.u32 v28, $0x8;
	[tilespmem:v22+s19+$0x0] =	vst.idx.add.s32.msk vm7, v2  }
0x203: {  	vm5 =	vmand vm5, vm3;
	vm3 =	vlt.s32 v18, v5;
	vm7 =	vlt.s32 v16, v5;
	[tilespmem:v21+s19+$0x0] =	vst.idx.add.s32.msk vm8, v2  }
.Ltmp14:
0x204: {  	vm4 =	vmand vm3, vm4;
	v20 =	vand.u32 $0xFF, v20;
	vm3 =	vmand vm7, vm9;
	[tilespmem:v29+s18+$0x0] =	vst.idx.add.s32.msk vm10, v2;
	(pc) =	sbr.rel @p2 .LBB2_36-.Ltmp14, $4  }
0x205: {  	v19 =	vand.u32 $0xFF, v17;
	v17 =	vand.u32 $0xFF, v27;
	v22 =	vshrl.u32 v24, $0x10;
	v21 =	vld [tilespmem:s16+$0x2030]  }
0x206: {  	vm7 =	veq.s32 v22, v8;
	v27 =	vshrl.u32 v30, $0x10;
	v28 =	vshrl.u32 v26, $0x10;
	[tilespmem:v23+s19+$0x0] =	vst.idx.add.s32.msk vm6, v2  }
0x207: {  	v22 =	vshrl.u32 v24, $0x8;
	vm6 =	veq.s32 v27, v8;
	vm9 =	veq.s32 v28, v8  }
0x208: {  	vm8 =	vlt.s32 v25, v6;
	v24 =	vshrl.u32 v30, $0x8;
	s16 =	sadd.s32 $0x40, s16;
	v23 =	vshrl.u32 v26, $0x8  }
0x209: {  	s14 =	smov.u32 s0  }
.LBB2_38:
0x20a: {  	_ =	sdelay $0x4  }
0x20b: {  	[tilespmem:v20+s18+$0x0] =	vst.idx.add.s32.msk vm5, v2  }
0x20c: {  	[tilespmem:v19+s18+$0x0] =	vst.idx.add.s32.msk vm4, v2  }
0x20d: {  	[tilespmem:v17+s18+$0x0] =	vst.idx.add.s32.msk vm3, v2  }
0x20e: {  	vm15 =	vlt.s32 v18, v6;
	v55 =	vld [tilespmem:s15+$0x6000]  }
0x20f: {  	vm10 =	vlt.s32 v16, v6;
	vm0 =	vmand @p1 vm0, vm7;
	vm5 =	vmmov vm8;
	v56 =	vld [tilespmem:s14+$0x2010]  }
0x210: {  	v57 =	vshrl.u32 v21, $0x10;
	vm1 =	vmand @p1 vm1, vm6;
	vm2 =	vmand @p1 vm2, vm9;
	v58 =	vld [tilespmem:s14+$0x2020]  }
0x211: {  	vm11 =	vlt.s32 v15, v6;
	v15 =	vand.u32 @p1 $0xFF, v22;
	v59 =	vshrl.u32 v21, $0x8  }
0x212: {  	v20 =	vand.u32 @p1 $0xFF, v24;
	v21 =	vand.u32 @p1 $0xFF, v23;
	vm12 =	veq.s32 v57, v8  }
0x213: {  	v18 =	vand.u32 $0xFF, v59;
	vm3 =	vmmov vm15;
	vm4 =	vmmov vm10  }
0x214: {  	vm6 =	vmand vm11, vm12;
	v60 =	vshrl.u32 v55, $0x10;
	v61 =	vshrl.u32 v56, $0x10  }
0x215: {  	v62 =	vshrl.u32 v58, $0x10;
	v17 =	vshrl.u32 v55, $0x8;
	vm13 =	veq.s32 v60, v8  }
0x216: {  	v16 =	vshrl.u32 v56, $0x8;
	vm14 =	veq.s32 v61, v8;
	vm5 =	vmand vm5, vm13  }
0x217: {  	vm15 =	veq.s32 v62, v8;
	v17 =	vand.u32 $0xFF, v17;
	vm3 =	vmand vm3, vm14  }
0x218: {  	v63 =	vshrl.u32 v58, $0x8;
	[tilespmem:v15+s19+$0x0] =	vst.idx.add.s32.msk @p1 vm0, v2;
	v16 =	vand.u32 $0xFF, v16;
	vm4 =	vmand vm4, vm15  }
0x219: {  	[tilespmem:v20+s19+$0x0] =	vst.idx.add.s32.msk @p1 vm1, v2;
	v15 =	vand.u32 $0xFF, v63  }
0x21a: {  	[tilespmem:v21+s19+$0x0] =	vst.idx.add.s32.msk @p1 vm2, v2  }
0x21b: {  	[tilespmem:v18+s19+$0x0] =	vst.idx.add.s32.msk vm6, v2  }
0x21c: {  	[tilespmem:v17+s19+$0x0] =	vst.idx.add.s32.msk vm5, v2  }
0x21d: {  	[tilespmem:v16+s19+$0x0] =	vst.idx.add.s32.msk vm3, v2  }
0x21e: {  	[tilespmem:v15+s19+$0x0] =	vst.idx.add.s32.msk vm4, v2  }
.LBB2_26:
0x21f: {  	s1 =	ssub.s32 s29, s30  }
0x220: {  	p1 =	sgt.s32 s1, $0x0  }
.Ltmp15:
0x221: {  	_ = 	snop;
	(pc) =	sbr.rel @!p1 .LBB2_27-.Ltmp15, $3  }
0x222: {  	_ =	sdelay $0x1  }
0x223: {  	s2 =	sshll.u32 s29, $0x4;
	s3 =	sshll.u32 s1, $0x4  }
0x224: {  	s0 =	sshll.u32 s29, $0x6;
	s1 =	sshll.u32 s1, $0x6;
	s31 =	ssub.s32 s2, s3  }
0x225: {  	s14 =	ssub.s32 s0, s1  }
0x226: {  	s14 =	sshra.s32 s14, $0x2  }
0x227: {  	s2 =	ssub.s32 s2, s3;
	s3 =	sadd.s32 $0x4000, s14;
	s14 =	smov.u32 s30  }
.LBB2_40:
0x228: {  	v15 =	vld [tilespmem:s3+$0x0];
	_ =	sdelay $0x4  }
0x229: {  	v16 =	vor.u32 s2, v0;
	v17 =	vshrl.u32 v15, $0x10  }
0x22a: {  	vm0 =	vlt.s32 v16, v5;
	vm1 =	veq.s32 v17, v7  }
0x22b: {  	v15 =	vshrl.u32 v15, $0x8;
	vm0 =	vmand vm0, vm1  }
0x22c: {  	v15 =	vand.u32 $0xFF, v15;
	_ =	sdelay $0x4  }
0x22d: {  	s4 =	sand.u32 $0xFFFFFFF0, s2;
	[tilespmem:v15+s18+$0x0] =	vst.idx.add.s32.msk vm0, v2  }
0x22e: {  	v15 =	vld [tilespmem:s4+$0x6000];
	_ =	sdelay $0x4  }
0x22f: {  	v63 =	vshrl.u32 v15, $0x10  }
0x230: {  	vm14 =	vlt.s32 v16, v6;
	vm15 =	veq.s32 v63, v8  }
0x231: {  	s14 =	sadd.s32 $0x1, s14;
	v15 =	vshrl.u32 v15, $0x8;
	vm0 =	vmand vm14, vm15  }
0x232: {  	p2 =	slt.s32 s14, s29;
	v15 =	vand.u32 $0xFF, v15  }
.Ltmp16:
0x233: {  	_ = 	snop;
	(pc) =	sbr.rel @p2 .LBB2_40-.Ltmp16, $2  }
0x234: {  	_ =	sdelay $0x2  }
0x235: {  	s2 =	sadd.s32 $0x10, s2;
	s3 =	sadd.s32 $0x10, s3;
	[tilespmem:v15+s19+$0x0] =	vst.idx.add.s32.msk vm0, v2  }
.LBB2_27:
0x236: {  	v11 =	vsub.s32 v11, v12;
	s15 =	simm.s32 $0xF0  }
0x237: {  	v9 =	vadd.s32 v9, v11;
	v11 =	vld [tilespmem:s15+$0x8100]  }
0x238: {  	v12 =	vsub.s32 v13, v14;
	v13 =	vld [tilespmem:s15+$0x8000];
	_ =	sdelay $0x3  }
0x239: {  	v14 =	vperm.xlane v11, v3  }
0x23a: {  	s14 =	simm.s32 $0xE0;
	v15 =	vperm.xlane v13, v3;
	(xrf0) =	vadd.scan.msk.s32 $0xffff, v13  }
0x23b: {  	v13 =	vld [tilespmem:s14+$0x8100];
	(xrf0) =	vadd.scan.msk.s32 $0xffff, v14  }
0x23c: {  	v14 =	vld [tilespmem:s14+$0x8000];
	(xrf0) =	vadd.scan.msk.s32 $0xffff, v15;
	_ =	sdelay $0x3  }
0x23d: {  	(xrf0) =	vadd.scan.msk.s32 $0xffff, v11;
	v11 =	vperm.xlane v13, v3;
	v15, _, _ =	vpop (xrf0)  }
0x23e: {  	s16 =	simm.s32 $0xD0;
	v16 =	vperm.xlane v14, v3;
	(xrf0) =	vadd.scan.msk.s32 $0xffff, v14;
	v14 =	vbroadcast v15, $0xF;
	v15, _, _ =	vpop (xrf0)  }
0x23f: {  	v10 =	vadd.s32 v10, v12;
	v12 =	vimm.s32 $0x0;
	(xrf0) =	vadd.scan.msk.s32 $0xffff, v11;
	v11 =	vld [tilespmem:s16+$0x8100];
	v17, _, _ =	vpop (xrf0)  }
0x240: {  	v18 =	vld [tilespmem:s16+$0x8000];
	v19 =	vadd.s32 v12, v17  }
0x241: {  	v15 =	vadd.s32 v12, v15;
	(xrf0) =	vadd.scan.msk.s32 $0xffff, v16  }
0x242: {  	v16 =	vadd.s32 v12, v14;
	v17 =	vperm.xlane v15, v3  }
0x243: {  	s2 =	simm.s32 $0x300;
	(xrf0) =	vadd.scan.msk.s32 $0xffff, v13;
	v13 =	vimm.s32 $0x0;
	v15 =	vimm.s32 $0x0;
	v14 =	vperm.xlane v19, v3;
	v19, _, _ =	vpop (xrf0)  }
.LBB2_28:
0x244: {  	s3 =	sshra.s32 s2, $0x2;
	p2 =	sne.s32 s2, $0x0;
	s2 =	sadd.s32 $0xFFFFFFC0, s2;
	v20 =	vperm.xlane v11, v3;
	[tilespmem:s15+$0x8300] =	vst v17;
	vm0 =	vge.s32 v17, v10;
	v17 =	vbroadcast v19, $0xF;
	v19 =	vmovc v11  }
.Ltmp17:
0x245: {  	v11 =	vld [tilespmem:s3+$0x8100];
	v25 =	vperm.xlane v18, v3;
	(xrf0) =	vadd.scan.msk.s32 $0xffff, v18;
	v22, _, _ =	vpop (xrf0);
	vm1 =	vge.s32 v14, v9;
	v23 =	vmpcnt.ones.xlane vm0;
	(pc) =	sbr.rel @p2 .LBB2_28-.Ltmp17, $4  }
0x246: {  	v18 =	vld [tilespmem:s3+$0x8000];
	(xrf0) =	vadd.scan.msk.s32 $0xffff, v20;
	v20 =	vbroadcast v22, $0xF;
	v22, _, _ =	vpop (xrf0);
	v24 =	vmpcnt.ones.xlane vm1;
	v12 =	vadd.s32 v12, v17  }
0x247: {  	(xrf0) =	vadd.scan.msk.s32 $0xffff, v25;
	v17 =	vadd.s32 v12, v22;
	v21, _, _ =	vpop (xrf0);
	[tilespmem:s15+$0x8200] =	vst v14;
	v13 =	vadd.s32 v13, v23;
	s15 =	smov.u32 s14;
	s14 =	smov.u32 s16;
	s16 =	smov.u32 s3  }
0x248: {  	v14 =	vadd.s32 v16, v21;
	v16 =	vadd.s32 v16, v20;
	v17 =	vperm.xlane v17, v3  }
0x249: {  	v15 =	vadd.s32 v15, v24;
	(xrf0) =	vadd.scan.msk.s32 $0xffff, v19;
	v14 =	vperm.xlane v14, v3;
	v19, _, _ =	vpop (xrf0)  }
0x24a: {  	v20 =	vperm.xlane v11, v3  }
0x24b: {  	v21 =	vperm.xlane v18, v3;
	(xrf0) =	vadd.scan.msk.s32 $0xffff, v18  }
0x24c: {  	(xrf0) =	vadd.scan.msk.s32 $0xffff, v20  }
0x24d: {  	v18, _, _ =	vpop (xrf0);
	(xrf0) =	vadd.scan.msk.s32 $0xffff, v21  }
0x24e: {  	v19 =	vbroadcast v19, $0xF;
	v61, _, _ =	vpop (xrf0)  }
0x24f: {  	v18 =	vbroadcast v18, $0xF;
	v62, _, _ =	vpop (xrf0)  }
0x250: {  	v22, _, _ =	vpop (xrf0)  }
0x251: {  	v23, _, _ =	vpop (xrf0)  }
0x252: {  	v12 =	vadd.s32 v12, v19;
	v19, _, _ =	vpop (xrf0)  }
0x253: {  	vm0 =	vge.s32 v17, v10;
	v21 =	vadd.s32 v16, v62;
	v16 =	vadd.s32 v16, v18;
	v18, _, _ =	vpop (xrf0)  }
0x254: {  	v21 =	vperm.xlane v21, v3;
	v16 =	vadd.s32 v16, v18;
	v18 =	vbroadcast v22, $0xF  }
0x255: {  	vm1 =	vge.s32 v14, v9;
	v63 =	vmpcnt.ones.xlane vm0;
	v20 =	vadd.s32 v12, v61  }
0x256: {  	vm12 =	vge.s32 v21, v9;
	v23 =	vperm.xlane v16, v3;
	v12 =	vadd.s32 v12, v18  }
0x257: {  	v16 =	vperm.xlane v20, v3;
	v18 =	vmpcnt.ones.xlane vm1;
	v12 =	vadd.s32 v12, v19  }
0x258: {  	v19 =	vmpcnt.ones.xlane vm12;
	vm13 =	vge.s32 v23, v9;
	v12 =	vperm.xlane v12, v3  }
0x259: {  	vm14 =	vge.s32 v16, v10;
	v15 =	vadd.s32 v15, v18;
	v18 =	vmpcnt.ones.xlane vm13  }
0x25a: {  	v15 =	vadd.s32 v15, v19;
	v19 =	vmpcnt.ones.xlane vm14;
	vm15 =	vge.s32 v12, v10  }
0x25b: {  	[tilespmem:s15+$0x8300] =	vst v17;
	v13 =	vadd.s32 v13, v63;
	v15 =	vadd.s32 v15, v18;
	v17 =	vmpcnt.ones.xlane vm15  }
0x25c: {  	[tilespmem:s15+$0x8200] =	vst v14;
	v13 =	vadd.s32 v13, v19;
	v15 =	vadd.s32 $0xFFFFFFFF, v15  }
0x25d: {  	[tilespmem:s14+$0x8200] =	vst v21;
	(xrf0) =	vadd.scan.msk.s32 $0xffff, v11;
	v13 =	vadd.s32 v13, v17  }
0x25e: {  	[tilespmem:s14+$0x8300] =	vst v16;
	v16 =	vadd.s32 $0xFFFFFFFF, v13  }
0x25f: {  	[tilespmem:s16+$0x8200] =	vst v23  }
0x260: {  	[tilespmem:s16+$0x8300] =	vst v12  }
0x261: {  	v12 =	vld.idx.msk [tilespmem:v15+s18+$0x0], $0xffff  }
0x262: {  	v11 =	vld.idx.msk [tilespmem:v15+s21+$0x0], $0xffff  }
0x263: {  	s3 =	simm.s32 $0x8020;
	v14, _, _ =	vpop (xrf0);
	v13 =	vld.idx.msk [tilespmem:v16+s19+$0x0], $0xffff  }
0x264: {  	v14 =	vld.idx.msk [tilespmem:v16+s22+$0x0], $0xffff;
	[tilespmem:s3+$0xFFFFFFF0] =	vst v1  }
0x265: {  	[tilespmem:s3+$0x0] =	vst v1  }
0x266: {  	[tilespmem:s3+$0x10] =	vst v1  }
0x267: {  	s2 =	simm.s32 $0x8120;
	[tilespmem:s3+$0xFFFFFFE0] =	vst v1  }
0x268: {  	[tilespmem:s2+$0xFFFFFFF0] =	vst v1  }
0x269: {  	[tilespmem:s2+$0x0] =	vst v1  }
0x26a: {  	[tilespmem:s2+$0x10] =	vst v1  }
0x26b: {  	s14 =	simm.s32 $0x8060;
	s3 =	simm.s32 $0x0;
	[tilespmem:s2+$0xFFFFFFE0] =	vst v1  }
.LBB2_30:
0x26c: {  	[tilespmem:s14+$0xFFFFFFF0] =	vst v1;
	s2 =	sadd.s32 $0x40, s2  }
0x26d: {  	s3 =	sadd.s32 $0x4, s3;
	[tilespmem:s2+$0xFFFFFFF0] =	vst v1  }
0x26e: {  	p2 =	slt.u32 s3, $0xC;
	[tilespmem:s14+$0x0] =	vst v1  }
.Ltmp18:
0x26f: {  	[tilespmem:s2+$0x0] =	vst v1;
	(pc) =	sbr.rel @p2 .LBB2_30-.Ltmp18, $4  }
0x270: {  	[tilespmem:s14+$0x10] =	vst v1  }
0x271: {  	[tilespmem:s2+$0x10] =	vst v1  }
0x272: {  	[tilespmem:s14+$0xFFFFFFE0] =	vst v1  }
0x273: {  	s14 =	sadd.s32 $0x40, s14;
	[tilespmem:s2+$0xFFFFFFE0] =	vst v1  }
.Ltmp19:
0x274: {  	(pc) =	sbr.rel @p0 .LBB2_41-.Ltmp19, $3  }
0x275: {  	_ =	sdelay $0x1  }
0x276: {  	v7 =	vshll.u32 v7, $0x8;
	v17 =	vshll.u32 v8, $0x8  }
0x277: {  	v8 =	vor.u32 v7, v15;
	v7 =	vor.u32 v17, v16  }
0x278: {  	s16 =	simm.s32 $0x4000  }
0x279: {  	v15 =	vld [tilespmem:s16+$0x30];
	_ =	sdelay $0x3  }
0x27a: {  	s2 =	simm.s32 $0x30;
	v19 =	vld [tilespmem:s16+$0x10]  }
0x27b: {  	v20 =	vld [tilespmem:s16+$0x20];
	v16 =	vor.u32 s2, v0;
	v17 =	vshrl.u32 v15, $0x8  }
0x27c: {  	vm0 =	vlt.s32 v16, v5;
	vm1 =	veq.s32 v17, v8  }
0x27d: {  	v17 =	vld [tilespmem:s16+$0x0];
	vm0 =	vmand vm0, vm1  }
0x27e: {  	s15 =	simm.s32 $0x10;
	s3 =	simm.s32 $0x20;
	p2 =	sgt.s32 s30, $0x4;
	v21 =	vand.u32 $0xFF, v15  }
.Ltmp20:
0x27f: {  	v27 =	vor.u32 s15, v0;
	v15 =	vor.u32 s3, v0;
	v18 =	vshrl.u32 v19, $0x8;
	(pc) =	sbr.rel @!p2 .LBB2_33-.Ltmp20, $4  }
0x280: {  	v25 =	vand.u32 $0xFF, v20;
	vm2 =	veq.s32 v18, v8;
	v18 =	vshrl.u32 v20, $0x8  }
0x281: {  	v28 =	vand.u32 $0xFF, v19;
	vm1 =	vlt.s32 v27, v5;
	vm3 =	veq.s32 v18, v8  }
0x282: {  	s2 =	simm.s32 $0x0;
	vm1 =	vmand vm1, vm2;
	vm2 =	vlt.s32 v15, v5;
	v22 =	vshrl.u32 v17, $0x8  }
0x283: {  	s14 =	simm.s32 $0x4040;
	p0 =	por $0x0, $0x0;
	s3 =	simm.s32 $0x70;
	v18 =	vor.u32 s2, v0;
	vm2 =	vmand vm2, vm3;
	vm5 =	veq.s32 v22, v8;
	[tilespmem:v21+s18+$0x0] =	vst.idx.add.s32.msk vm0, v2  }
0x284: {  	_ = 	snop  }
0x285: {  	v23 =	vld [tilespmem:s14+$0x30]  }
0x286: {  	v20 =	vld [tilespmem:s16+$0x2030]  }
0x287: {  	vm0 =	vlt.s32 v18, v5;
	v29 =	vld [tilespmem:s14+$0x10]  }
0x288: {  	s4 =	simm.s32 $0x50;
	v26 =	vld [tilespmem:s14+$0x20];
	v30 =	vand.u32 $0xFF, v17;
	vm3 =	vmand vm0, vm5  }
0x289: {  	s15 =	simm.s32 $0x60;
	[tilespmem:v28+s18+$0x0] =	vst.idx.add.s32.msk vm1, v2;
	v21 =	vor.u32 s4, v0;
	vm0 =	vlt.s32 v16, v6;
	v16 =	vor.u32 s3, v0  }
0x28a: {  	v17 =	vld [tilespmem:s14+$0x0];
	v24 =	vor.u32 s15, v0;
	vm4 =	vlt.s32 v16, v5;
	v22 =	vshrl.u32 v23, $0x8  }
0x28b: {  	[tilespmem:v25+s18+$0x0] =	vst.idx.add.s32.msk vm2, v2;
	v19 =	vshrl.u32 v20, $0x8;
	v20 =	vand.u32 $0xFF, v20;
	vm5 =	veq.s32 v22, v8  }
0x28c: {  	v28 =	vshrl.u32 v29, $0x8;
	v31 =	vand.u32 $0xFF, v23;
	v22 =	vld [tilespmem:s16+$0x2010];
	vm4 =	vmand vm4, vm5  }
0x28d: {  	p2 =	sgt.s32 s30, $0x8;
	v25 =	vshrl.u32 v26, $0x8;
	v23 =	vld [tilespmem:s16+$0x2020];
	vm1 =	veq.s32 v19, v7;
	vm2 =	veq.s32 v28, v8  }
.Ltmp21:
0x28e: {  	s2 =	sand.u32 $0xFFFFFFC0, s2;
	vm0 =	vmand vm0, vm1;
	vm1 =	vlt.s32 v21, v5;
	vm5 =	veq.s32 v25, v8;
	[tilespmem:v30+s18+$0x0] =	vst.idx.add.s32.msk vm3, v2;
	(pc) =	sbr.rel @!p2 .LBB2_51-.Ltmp21, $4  }
0x28f: {  	s15 =	simm.s32 $0x40;
	v25 =	vand.u32 $0xFF, v26;
	vm1 =	vmand vm1, vm2;
	vm2 =	vlt.s32 v24, v5;
	v26 =	vld [tilespmem:s2+$0x6000]  }
0x290: {  	v19 =	vor.u32 s15, v0;
	v28 =	vand.u32 $0xFF, v29;
	vm2 =	vmand vm2, vm5  }
0x291: {  	p0 =	por $0x1, $0x1;
	vm3 =	vlt.s32 v27, v6;
	v27 =	vshrl.u32 v17, $0x8;
	v30 =	vshrl.u32 v22, $0x8  }
0x292: {  	s3 =	simm.s32 $0xB0;
	s16 =	simm.s32 $0x8;
	vm0 =	vmmov vm0;
	s2 =	simm.s32 $0x4080;
	vm5 =	veq.s32 v27, v8;
	[tilespmem:v31+s18+$0x0] =	vst.idx.add.s32.msk vm4, v2;
	vm4 =	veq.s32 v30, v7  }
.LBB2_52:
0x293: {  	s4 =	sadd.s32 $0xFFFFFFE0, s3;
	s16 =	sadd.s32 $0x4, s16;
	vm8 =	vlt.s32 v19, v5;
	v27 =	vld [tilespmem:s14+$0x2030];
	vm6 =	vlt.s32 v18, v6;
	vm7 =	vlt.s32 v15, v6;
	v15 =	vmovc v24  }
0x294: {  	v32 =	vshrl.u32 v23, $0x8;
	v18 =	vmovc v19;
	v29 =	vld [tilespmem:s2+$0x10];
	v30 =	vor.u32 s4, v0;
	s4 =	sadd.s32 $0xFFFFFFF0, s3;
	p2 =	slt.s32 s16, s30;
	v31 =	vshrl.u32 v26, $0x8  }
0x295: {  	s5 =	sadd.s32 $0xFFFFFFD0, s3;
	vm10 =	veq.s32 v32, v7;
	v24 =	vor.u32 s4, v0;
	v33 =	vld [tilespmem:s2+$0x30];
	vm9 =	veq.s32 v31, v7  }
0x296: {  	v19 =	vor.u32 s5, v0;
	vm7 =	vmand vm7, vm10;
	[tilespmem:v25+s18+$0x0] =	vst.idx.add.s32.msk vm2, v2;
	vm6 =	vmand vm6, vm9  }
0x297: {  	vm2 =	vmand vm8, vm5;
	v25 =	vand.u32 $0xFF, v23;
	[tilespmem:v28+s18+$0x0] =	vst.idx.add.s32.msk vm1, v2;
	vm1 =	vlt.s32 v16, v6  }
0x298: {  	v32 =	vand.u32 $0xFF, v22;
	v31 =	vand.u32 $0xFF, v17;
	v28 =	vld [tilespmem:s2+$0x20];
	v16 =	vshrl.u32 v27, $0x8  }
0x299: {  	vm4 =	vmand vm3, vm4;
	v34 =	vand.u32 $0xFF, v26;
	v17 =	vld [tilespmem:s2+$0x0];
	vm5 =	veq.s32 v16, v7  }
0x29a: {  	v16 =	vor.u32 s3, v0;
	v22 =	vshrl.u32 v33, $0x8;
	v23 =	vld [tilespmem:s14+$0x2020];
	vm1 =	vmand vm1, vm5  }
0x29b: {  	vm3 =	vlt.s32 v16, v5;
	vm5 =	veq.s32 v22, v8;
	[tilespmem:v20+s19+$0x0] =	vst.idx.add.s32.msk vm0, v2;
	v20 =	vand.u32 $0xFF, v27  }
0x29c: {  	v26 =	vshrl.u32 v29, $0x8;
	vm0 =	vmmov vm1;
	vm8 =	vmand vm3, vm5;
	v22 =	vld [tilespmem:s14+$0x2010];
	s14 =	smov.u32 s2  }
0x29d: {  	vm1 =	vlt.s32 v30, v5;
	v27 =	vand.u32 $0xFF, v33;
	vm3 =	veq.s32 v26, v8;
	[tilespmem:v25+s19+$0x0] =	vst.idx.add.s32.msk vm7, v2  }
.Ltmp22:
0x29e: {  	s4 =	sand.u32 $0xFFFFFFC0, s15;
	s15 =	smov.u32 s5;
	vm1 =	vmand vm1, vm3;
	v25 =	vshrl.u32 v28, $0x8;
	[tilespmem:v31+s18+$0x0] =	vst.idx.add.s32.msk vm2, v2;
	(pc) =	sbr.rel @p2 .LBB2_52-.Ltmp22, $4  }
0x29f: {  	vm2 =	vlt.s32 v24, v5;
	vm3 =	veq.s32 v25, v8;
	v26 =	vld [tilespmem:s4+$0x6000]  }
0x2a0: {  	v25 =	vand.u32 $0xFF, v28;
	vm2 =	vmand vm2, vm3;
	vm3 =	vlt.s32 v21, v6;
	v21 =	vmovc v30;
	[tilespmem:v32+s19+$0x0] =	vst.idx.add.s32.msk vm4, v2  }
0x2a1: {  	v28 =	vand.u32 $0xFF, v29;
	v30 =	vshrl.u32 v17, $0x8;
	v29 =	vshrl.u32 v22, $0x8;
	[tilespmem:v34+s19+$0x0] =	vst.idx.add.s32.msk vm6, v2  }
0x2a2: {  	s3 =	sadd.s32 $0x40, s3;
	s2 =	sadd.s32 $0x40, s2;
	vm5 =	veq.s32 v30, v8;
	[tilespmem:v27+s18+$0x0] =	vst.idx.add.s32.msk vm8, v2;
	vm4 =	veq.s32 v29, v7  }
0x2a3: {  	v29 =	vmov v15;
	s16 =	smov.u32 s14;
	v15 =	vmov v24;
	s2 =	smov.u32 s15;
	v27 =	vmov v21;
	s5 =	simm.s32 $0x0  }
.LBB2_54:
0x2a4: {  	_ =	sdelay $0x1  }
0x2a5: {  	vm6 =	vlt.s32 v19, v5  }
0x2a6: {  	vm5 =	vmand vm6, vm5  }
0x2a7: {  	v21 =	vld [tilespmem:s16+$0x2030];
	v17 =	vand.u32 $0xFF, v17  }
0x2a8: {  	[tilespmem:v25+s18+$0x0] =	vst.idx.add.s32.msk vm2, v2  }
0x2a9: {  	[tilespmem:v28+s18+$0x0] =	vst.idx.add.s32.msk vm1, v2  }
0x2aa: {  	vm1 =	vlt.s32 @p0 v18, v6;
	v18 =	vshrl.u32 @p0 v26, $0x8;
	v24 =	vshrl.u32 @p0 v23, $0x8;
	v25 =	vld [tilespmem:s16+$0x2020]  }
0x2ab: {  	vm2 =	vlt.s32 @p0 v29, v6;
	vm10 =	vlt.s32 v16, v6;
	v16 =	vand.u32 @p0 $0xFF, v23;
	v59 =	vld [tilespmem:s16+$0x2010]  }
0x2ac: {  	s2 =	sand.u32 $0xFFFFFFC0, s2;
	v22 =	vand.u32 @p0 $0xFF, v22;
	v23 =	vand.u32 @p0 $0xFF, v26;
	vm3 =	vmand @p0 vm3, vm4;
	[tilespmem:v17+s18+$0x0] =	vst.idx.add.s32.msk vm5, v2  }
0x2ad: {  	vm12 =	vlt.s32 v27, v6;
	vm14 =	vlt.s32 v15, v6;
	vm9 =	vlt.s32 v19, v6;
	v17 =	vld [tilespmem:s2+$0x6000]  }
0x2ae: {  	vm6 =	veq.s32 @p0 v18, v7;
	vm7 =	veq.s32 @p0 v24, v7;
	v60 =	vshrl.u32 v21, $0x8  }
0x2af: {  	vm1 =	vmand @p0 vm1, vm6;
	vm2 =	vmand @p0 vm2, vm7;
	vm11 =	veq.s32 v60, v7  }
0x2b0: {  	v21 =	vand.u32 $0xFF, v21;
	v61 =	vshrl.u32 v59, $0x8;
	vm5 =	vmand vm10, vm11  }
0x2b1: {  	v62 =	vshrl.u32 v25, $0x8;
	vm13 =	veq.s32 v61, v7;
	vm4 =	vmmov vm5  }
0x2b2: {  	vm8 =	veq.s32 v62, v7;
	vm5 =	vmand vm12, vm13;
	v15 =	vshrl.u32 v17, $0x8  }
0x2b3: {  	[tilespmem:v20+s19+$0x0] =	vst.idx.add.s32.msk @p0 vm0, v2;
	v63 =	vand.u32 $0xFF, v59;
	vm7 =	vmand vm14, vm8;
	vm15 =	veq.s32 v15, v7  }
0x2b4: {  	[tilespmem:v22+s19+$0x0] =	vst.idx.add.s32.msk @p0 vm3, v2;
	v15 =	vand.u32 $0xFF, v25;
	vm0 =	vmand vm9, vm15  }
0x2b5: {  	[tilespmem:v16+s19+$0x0] =	vst.idx.add.s32.msk @p0 vm2, v2;
	v17 =	vand.u32 $0xFF, v17  }
0x2b6: {  	[tilespmem:v23+s19+$0x0] =	vst.idx.add.s32.msk @p0 vm1, v2  }
0x2b7: {  	[tilespmem:v21+s19+$0x0] =	vst.idx.add.s32.msk vm4, v2  }
0x2b8: {  	[tilespmem:v63+s19+$0x0] =	vst.idx.add.s32.msk vm5, v2  }
0x2b9: {  	[tilespmem:v15+s19+$0x0] =	vst.idx.add.s32.msk vm7, v2  }
0x2ba: {  	[tilespmem:v17+s19+$0x0] =	vst.idx.add.s32.msk vm0, v2  }
.LBB2_41:
.Ltmp23:
0x2bb: {  	(pc) =	sbr.rel @!p1 .LBB2_42-.Ltmp23, $1  }
0x2bc: {  	_ =	sdelay $0x3  }
0x2bd: {  	s0 =	ssub.s32 s0, s1  }
0x2be: {  	s0 =	sshra.s32 s0, $0x2  }
0x2bf: {  	s0 =	sadd.s32 $0x4000, s0  }
.LBB2_56:
0x2c0: {  	v15 =	vld [tilespmem:s0+$0x0];
	_ =	sdelay $0x4  }
0x2c1: {  	v16 =	vor.u32 s31, v0;
	v17 =	vshrl.u32 v15, $0x8  }
0x2c2: {  	vm0 =	vlt.s32 v16, v5;
	vm1 =	veq.s32 v17, v8  }
0x2c3: {  	vm0 =	vmand vm0, vm1  }
0x2c4: {  	v15 =	vand.u32 $0xFF, v15;
	_ =	sdelay $0x4  }
0x2c5: {  	s1 =	sand.u32 $0xFFFFFFF0, s31;
	[tilespmem:v15+s18+$0x0] =	vst.idx.add.s32.msk vm0, v2  }
0x2c6: {  	v15 =	vld [tilespmem:s1+$0x6000];
	_ =	sdelay $0x4  }
0x2c7: {  	v63 =	vshrl.u32 v15, $0x8  }
0x2c8: {  	vm14 =	vlt.s32 v16, v6;
	vm15 =	veq.s32 v63, v7  }
0x2c9: {  	s30 =	sadd.s32 $0x1, s30;
	vm0 =	vmand vm14, vm15  }
0x2ca: {  	p0 =	slt.s32 s30, s29;
	v15 =	vand.u32 $0xFF, v15  }
.Ltmp24:
0x2cb: {  	_ = 	snop;
	(pc) =	sbr.rel @p0 .LBB2_56-.Ltmp24, $2  }
0x2cc: {  	_ =	sdelay $0x2  }
0x2cd: {  	s31 =	sadd.s32 $0x10, s31;
	s0 =	sadd.s32 $0x10, s0;
	[tilespmem:v15+s19+$0x0] =	vst.idx.add.s32.msk vm0, v2  }
.LBB2_42:
0x2ce: {  	v5 =	vadd.s32 v9, v12;
	v9 =	vadd.s32 v10, v13;
	s1 =	simm.s32 $0xF0  }
0x2cf: {  	v6 =	vsub.s32 v5, v11;
	v5 =	vsub.s32 v9, v14;
	v9 =	vld [tilespmem:s1+$0x8100]  }
0x2d0: {  	v11 =	vld [tilespmem:s1+$0x8000];
	_ =	sdelay $0x3  }
0x2d1: {  	s0 =	simm.s32 $0xE0;
	v12 =	vperm.xlane v9, v3  }
0x2d2: {  	v13 =	vperm.xlane v11, v3;
	(xrf0) =	vadd.scan.msk.s32 $0xffff, v11;
	v11 =	vld [tilespmem:s0+$0x8100]  }
0x2d3: {  	(xrf0) =	vadd.scan.msk.s32 $0xffff, v12;
	v12 =	vld [tilespmem:s0+$0x8000];
	_ =	sdelay $0x1  }
0x2d4: {  	(xrf0) =	vadd.scan.msk.s32 $0xffff, v13;
	_ =	sdelay $0x1  }
0x2d5: {  	(xrf0) =	vadd.scan.msk.s32 $0xffff, v9;
	v9 =	vperm.xlane v11, v3  }
0x2d6: {  	s14 =	simm.s32 $0xD0;
	v13, _, _ =	vpop (xrf0);
	(xrf0) =	vadd.scan.msk.s32 $0xffff, v12  }
0x2d7: {  	v14 =	vperm.xlane v12, v3;
	v12 =	vbroadcast v13, $0xF;
	v13, _, _ =	vpop (xrf0);
	(xrf0) =	vadd.scan.msk.s32 $0xffff, v9;
	v9 =	vld [tilespmem:s14+$0x8100]  }
0x2d8: {  	v10 =	vimm.s32 $0x0;
	v16 =	vld [tilespmem:s14+$0x8000]  }
0x2d9: {  	v15 =	vadd.s32 v10, v13;
	v13, _, _ =	vpop (xrf0);
	(xrf0) =	vadd.scan.msk.s32 $0xffff, v14  }
0x2da: {  	v14 =	vadd.s32 v10, v13;
	v13 =	vadd.s32 v10, v12;
	v15 =	vperm.xlane v15, v3  }
0x2db: {  	s2 =	simm.s32 $0x300;
	s4 =	simm.s32 $0x2000;
	(xrf0) =	vadd.scan.msk.s32 $0xffff, v11;
	v17, _, _ =	vpop (xrf0);
	v11 =	vimm.s32 $0x0;
	v12 =	vimm.s32 $0x0;
	v14 =	vperm.xlane v14, v3  }
.LBB2_43:
0x2dc: {  	s3 =	sshra.s32 s2, $0x2;
	p0 =	sne.s32 s2, $0x0;
	s2 =	sadd.s32 $0xFFFFFFC0, s2;
	v18 =	vperm.xlane v9, v3;
	[tilespmem:s1+$0x8300] =	vst v15;
	vm0 =	vge.s32 v15, v5;
	v15 =	vbroadcast v17, $0xF;
	v17 =	vmovc v9  }
.Ltmp25:
0x2dd: {  	v9 =	vld [tilespmem:s3+$0x8100];
	v23 =	vperm.xlane v16, v3;
	(xrf0) =	vadd.scan.msk.s32 $0xffff, v16;
	v20, _, _ =	vpop (xrf0);
	vm1 =	vge.s32 v14, v6;
	v21 =	vmpcnt.ones.xlane vm0;
	(pc) =	sbr.rel @p0 .LBB2_43-.Ltmp25, $4  }
0x2de: {  	v16 =	vld [tilespmem:s3+$0x8000];
	(xrf0) =	vadd.scan.msk.s32 $0xffff, v18;
	v18 =	vbroadcast v20, $0xF;
	v20, _, _ =	vpop (xrf0);
	v22 =	vmpcnt.ones.xlane vm1;
	v10 =	vadd.s32 v10, v15  }
0x2df: {  	(xrf0) =	vadd.scan.msk.s32 $0xffff, v23;
	v15 =	vadd.s32 v10, v20;
	v19, _, _ =	vpop (xrf0);
	[tilespmem:s1+$0x8200] =	vst v14;
	v11 =	vadd.s32 v11, v21;
	s1 =	smov.u32 s0;
	s0 =	smov.u32 s14;
	s14 =	smov.u32 s3  }
0x2e0: {  	v14 =	vadd.s32 v13, v19;
	v13 =	vadd.s32 v13, v18;
	v15 =	vperm.xlane v15, v3  }
0x2e1: {  	v12 =	vadd.s32 v12, v22;
	(xrf0) =	vadd.scan.msk.s32 $0xffff, v17;
	v14 =	vperm.xlane v14, v3;
	v17, _, _ =	vpop (xrf0)  }
0x2e2: {  	v18 =	vperm.xlane v9, v3  }
0x2e3: {  	v19 =	vperm.xlane v16, v3;
	(xrf0) =	vadd.scan.msk.s32 $0xffff, v16  }
0x2e4: {  	(xrf0) =	vadd.scan.msk.s32 $0xffff, v18  }
0x2e5: {  	v55, _, _ =	vpop (xrf0);
	(xrf0) =	vadd.scan.msk.s32 $0xffff, v19  }
0x2e6: {  	v56, _, _ =	vpop (xrf0)  }
0x2e7: {  	v57, _, _ =	vpop (xrf0)  }
0x2e8: {  	v17 =	vbroadcast v17, $0xF;
	v20, _, _ =	vpop (xrf0)  }
0x2e9: {  	vm0 =	vge.s32 v15, v5;
	v16 =	vbroadcast v55, $0xF;
	v21, _, _ =	vpop (xrf0)  }
0x2ea: {  	vm1 =	vge.s32 v14, v6;
	v61 =	vmpcnt.ones.xlane vm0;
	v10 =	vadd.s32 v10, v17;
	v58, _, _ =	vpop (xrf0)  }
0x2eb: {  	v19 =	vadd.s32 v13, v57;
	v13 =	vadd.s32 v13, v16;
	v60 =	vbroadcast v20, $0xF;
	v59, _, _ =	vpop (xrf0)  }
0x2ec: {  	v18 =	vadd.s32 v10, v56;
	v19 =	vperm.xlane v19, v3;
	v13 =	vadd.s32 v13, v59  }
0x2ed: {  	[tilespmem:s1+$0x8300] =	vst v15;
	v15 =	vperm.xlane v18, v3;
	v10 =	vadd.s32 v10, v60;
	v13 =	vperm.xlane v13, v3  }
0x2ee: {  	[tilespmem:s1+$0x8200] =	vst v14;
	v62 =	vmpcnt.ones.xlane vm1;
	vm0 =	vge.s32 v19, v6;
	v10 =	vadd.s32 v10, v58  }
0x2ef: {  	[tilespmem:s0+$0x8300] =	vst v15;
	v14 =	vmpcnt.ones.xlane vm0;
	v10 =	vperm.xlane v10, v3;
	vm0 =	vge.s32 v13, v6  }
0x2f0: {  	vm1 =	vge.s32 v15, v5;
	[tilespmem:s0+$0x8200] =	vst v19;
	v6 =	vadd.s32 v12, v62;
	v12 =	vmpcnt.ones.xlane vm0  }
0x2f1: {  	v15 =	vmpcnt.ones.xlane vm1;
	[tilespmem:s14+$0x8300] =	vst v10;
	v6 =	vadd.s32 v6, v14;
	vm0 =	vge.s32 v10, v5  }
0x2f2: {  	s2 =	simm.s32 $0x0;
	[tilespmem:s14+$0x8200] =	vst v13;
	v5 =	vadd.s32 v11, v61;
	v10 =	vmpcnt.ones.xlane vm0;
	v6 =	vadd.s32 v6, v12  }
0x2f3: {  	v8 =	vshll.u32 v8, $0x8;
	v11 =	vld [tilespmem:s2+$0x0];
	v5 =	vadd.s32 v5, v15;
	v6 =	vadd.s32 $0xFFFFFFFF, v6  }
0x2f4: {  	v5 =	vadd.s32 v5, v10;
	v6 =	vor.u32 v8, v6;
	v8 =	vld [tilespmem:s2+$0x10]  }
0x2f5: {  	v7 =	vshll.u32 v7, $0x8;
	v10 =	vld [tilespmem:s2+$0x2010];
	v5 =	vadd.s32 $0xFFFFFFFF, v5;
	vm0 =	vgt.s32 v6, $0xFFFFFFFF  }
0x2f6: {  	v12 =	vld [tilespmem:s2+$0x20];
	v7 =	vor.u32 v7, v5;
	v5 =	vsel vm0, $0xFFFFFFFF, v4  }
0x2f7: {  	v13 =	vld [tilespmem:s2+$0x2020];
	vm0 =	vgt.s32 v7, $0xFFFFFFFF;
	v5 =	vxor.u32 v6, v5  }
0x2f8: {  	v14 =	vld [tilespmem:s2+$0x30];
	v6 =	vsel vm0, $0xFFFFFFFF, v4;
	vm0 =	vge.f32 v11, v5  }
0x2f9: {  	v6 =	vxor.u32 v7, v6;
	v7 =	vnsel vm0, $0x0, v11;
	vm0 =	vge.f32 v8, v5;
	v11 =	vld [tilespmem:s2+$0x2030]  }
0x2fa: {  	[tilespmem:s2+$0x0] =	vst v7;
	v7 =	vnsel vm0, $0x0, v8;
	vm0 =	vge.f32 v10, v6  }
0x2fb: {  	s0 =	simm.s32 $0x40;
	[tilespmem:s2+$0x10] =	vst v7;
	v7 =	vnsel vm0, $0x0, v10;
	vm0 =	vge.f32 v12, v5  }
0x2fc: {  	s1 =	sand.u32 $0xFC0, s2;
	(xrf0) =	vadd.scan.msk.s32 $0xffff, v9;
	v15 =	vld [tilespmem:s0+$0x0];
	v8 =	vnsel vm0, $0x0, v12;
	vm0 =	vge.f32 v13, v6  }
0x2fd: {  	v63 =	vld [tilespmem:s1+$0x2000];
	v10 =	vnsel vm0, $0x0, v13;
	vm0 =	vge.f32 v14, v5  }
0x2fe: {  	v9 =	vld [tilespmem:s0+$0x10];
	[tilespmem:s2+$0x2010] =	vst v7;
	v12 =	vnsel vm0, $0x0, v14;
	vm0 =	vge.f32 v11, v6  }
0x2ff: {  	v7 =	vld [tilespmem:s0+$0x2010];
	[tilespmem:s2+$0x30] =	vst v12;
	v12 =	vnsel vm0, $0x0, v11  }
0x300: {  	[tilespmem:s2+$0x20] =	vst v8;
	v8 =	vld [tilespmem:s0+$0x20]  }
0x301: {  	vm1 =	vge.f32 v15, v5;
	[tilespmem:s2+$0x2020] =	vst v10;
	v10 =	vld [tilespmem:s0+$0x2020]  }
0x302: {  	v13 =	vnsel vm1, $0x0, v15;
	v11 =	vld [tilespmem:s0+$0x30];
	vm1 =	vge.f32 v63, v6;
	[tilespmem:s2+$0x2030] =	vst v12;
	v12, _, _ =	vpop (xrf0)  }
0x303: {  	s3 =	simm.s32 $0x4;
	s14 =	simm.s32 $0x80;
	[tilespmem:s0+$0x0] =	vst v13;
	vm0 =	vge.f32 v9, v5;
	s2 =	simm.s32 $0x40;
	v13 =	vnsel vm1, $0x0, v63;
	v12 =	vld [tilespmem:s0+$0x2030]  }
.LBB2_45:
0x304: {  	v14 =	vld [tilespmem:s14+$0x0];
	v9 =	vnsel vm0, $0x0, v9;
	vm0 =	vge.f32 v7, v6;
	[tilespmem:s1+$0x2000] =	vst v13;
	s1 =	sand.u32 $0xFC0, s0  }
0x305: {  	s3 =	sadd.s32 $0x4, s3;
	v13 =	vld [tilespmem:s1+$0x2000];
	[tilespmem:s2+$0x10] =	vst v9;
	v7 =	vnsel vm0, $0x0, v7;
	vm0 =	vge.f32 v8, v5  }
0x306: {  	p0 =	slt.u32 s3, $0xFC;
	v9 =	vld [tilespmem:s14+$0x10];
	[tilespmem:s2+$0x2010] =	vst v7;
	v8 =	vnsel vm0, $0x0, v8;
	vm0 =	vge.f32 v10, v6  }
.Ltmp26:
0x307: {  	v7 =	vld [tilespmem:s14+$0x2010];
	[tilespmem:s2+$0x20] =	vst v8;
	v10 =	vnsel vm0, $0x0, v10;
	vm0 =	vge.f32 v11, v5;
	(pc) =	sbr.rel @p0 .LBB2_45-.Ltmp26, $4  }
0x308: {  	v8 =	vld [tilespmem:s14+$0x20];
	[tilespmem:s2+$0x2020] =	vst v10;
	v11 =	vnsel vm0, $0x0, v11;
	vm0 =	vge.f32 v12, v6  }
0x309: {  	vm1 =	vge.f32 v14, v5;
	v10 =	vld [tilespmem:s14+$0x2020];
	[tilespmem:s2+$0x30] =	vst v11;
	v12 =	vnsel vm0, $0x0, v12  }
0x30a: {  	v14 =	vnsel vm1, $0x0, v14;
	v11 =	vld [tilespmem:s14+$0x30];
	vm1 =	vge.f32 v13, v6;
	[tilespmem:s2+$0x2030] =	vst v12;
	s2 =	smov.u32 s14  }
0x30b: {  	s0 =	sadd.s32 $0x40, s0;
	s14 =	sadd.s32 $0x40, s14;
	[tilespmem:s2+$0x0] =	vst v14;
	vm0 =	vge.f32 v9, v5;
	v12 =	vld [tilespmem:s2+$0x2030];
	v13 =	vnsel vm1, $0x0, v13  }
0x30c: {  	s0 =	sand.u32 $0xFC0, s0  }
0x30d: {  	v9 =	vnsel vm0, $0x0, v9;
	vm0 =	vge.f32 v7, v6;
	[tilespmem:s1+$0x2000] =	vst v13;
	v13 =	vld [tilespmem:s0+$0x2000]  }
0x30e: {  	[tilespmem:s2+$0x10] =	vst v9;
	v7 =	vnsel vm0, $0x0, v7;
	vm0 =	vge.f32 v8, v5  }
0x30f: {  	[tilespmem:s2+$0x2010] =	vst v7;
	v7 =	vnsel vm0, $0x0, v8;
	vm0 =	vge.f32 v10, v6  }
0x310: {  	[tilespmem:s2+$0x20] =	vst v7;
	v7 =	vnsel vm0, $0x0, v10;
	vm0 =	vge.f32 v11, v5  }
0x311: {  	[tilespmem:s2+$0x2020] =	vst v7;
	v7 =	vnsel vm0, $0x0, v11;
	vm0 =	vge.f32 v12, v6  }
0x312: {  	[tilespmem:s2+$0x30] =	vst v7;
	v7 =	vnsel vm0, $0x0, v12;
	vm0 =	vge.f32 v13, v6  }
0x313: {  	[tilespmem:s2+$0x2030] =	vst v7;
	v7 =	vnsel vm0, $0x0, v13  }
0x314: {  	[tilespmem:s0+$0x2000] =	vst v7  }
0x315: {  	[hbm4b:s7+s12] =	stream.strided.scatter [tilespmem:s5], [sflag:$0x3], $0x1000, s13, s12, $0x38;
	[tilespmem:$0x8400] =	vst v63  }
0x316: {  	s30 =	simm.s32 $0x3010  }
0x317: {  	[hbm4b:s8+s12] =	stream.strided.scatter [tilespmem:s4], [sflag:$0x3], $0x1000, s13, s12, $0x38;
	[tilespmem:$0x8400] =	vst v63  }
0x318: {  	v7 =	vld [tilespmem:s30+$0xFFFFDFF0]  }
0x319: {  	v8 =	vld [tilespmem:s30+$0xFFFFE000]  }
0x31a: {  	v9 =	vld [tilespmem:s30+$0x0]  }
0x31b: {  	v10 =	vld [tilespmem:s30+$0xFFFFE010]  }
0x31c: {  	v11 =	vld [tilespmem:s30+$0x10]  }
0x31d: {  	v12 =	vld [tilespmem:s30+$0xFFFFE020];
	vm0 =	vge.f32 v7, v5  }
0x31e: {  	s31 =	simm.s32 $0x1000;
	s0 =	simm.s32 $0x3050;
	v13 =	vld [tilespmem:s30+$0x20];
	v7 =	vnsel vm0, $0x0, v7;
	vm0 =	vge.f32 v8, v5  }
0x31f: {  	s1 =	sand.u32 $0x1FC0, s31;
	v14 =	vld [tilespmem:s0+$0xFFFFDFF0];
	[tilespmem:s30+$0xFFFFDFF0] =	vst v7;
	v7 =	vnsel vm0, $0x0, v8;
	vm0 =	vge.f32 v9, v6  }
0x320: {  	v15 =	vld [tilespmem:s1+$0x2000];
	[tilespmem:s30+$0xFFFFE000] =	vst v7;
	v7 =	vnsel vm0, $0x0, v9;
	vm0 =	vge.f32 v10, v5  }
0x321: {  	v9 =	vld [tilespmem:s0+$0xFFFFE000];
	[tilespmem:s30+$0x0] =	vst v7;
	v8 =	vnsel vm0, $0x0, v10;
	vm0 =	vge.f32 v11, v6  }
0x322: {  	v7 =	vld [tilespmem:s0+$0x0];
	[tilespmem:s30+$0xFFFFE010] =	vst v8;
	v10 =	vnsel vm0, $0x0, v11;
	vm0 =	vge.f32 v12, v5  }
0x323: {  	v8 =	vld [tilespmem:s0+$0xFFFFE010];
	[tilespmem:s30+$0x10] =	vst v10;
	v11 =	vnsel vm0, $0x0, v12;
	vm0 =	vge.f32 v13, v6  }
0x324: {  	vm1 =	vge.f32 v14, v5;
	v10 =	vld [tilespmem:s0+$0x10];
	[tilespmem:s30+$0xFFFFE020] =	vst v11;
	v12 =	vnsel vm0, $0x0, v13  }
0x325: {  	v13 =	vnsel vm1, $0x0, v14;
	v11 =	vld [tilespmem:s0+$0xFFFFE020];
	vm1 =	vge.f32 v15, v6;
	[tilespmem:s30+$0x20] =	vst v12  }
0x326: {  	s3 =	simm.s32 $0x3090;
	s14 =	simm.s32 $0x1040;
	s2 =	simm.s32 $0x104;
	[tilespmem:s0+$0xFFFFDFF0] =	vst v13;
	vm0 =	vge.f32 v9, v5;
	v12 =	vld [tilespmem:s0+$0x20];
	v13 =	vnsel vm1, $0x0, v15  }
.LBB2_47:
0x327: {  	v14 =	vld [tilespmem:s3+$0xFFFFDFF0];
	v9 =	vnsel vm0, $0x0, v9;
	vm0 =	vge.f32 v7, v6;
	[tilespmem:s1+$0x2000] =	vst v13;
	s1 =	sand.u32 $0x1FC0, s14  }
0x328: {  	s2 =	sadd.s32 $0x4, s2;
	v13 =	vld [tilespmem:s1+$0x2000];
	[tilespmem:s0+$0xFFFFE000] =	vst v9;
	v7 =	vnsel vm0, $0x0, v7;
	vm0 =	vge.f32 v8, v5  }
0x329: {  	p0 =	slt.u32 s2, $0x1FC;
	v9 =	vld [tilespmem:s3+$0xFFFFE000];
	[tilespmem:s0+$0x0] =	vst v7;
	v8 =	vnsel vm0, $0x0, v8;
	vm0 =	vge.f32 v10, v6  }
.Ltmp27:
0x32a: {  	v7 =	vld [tilespmem:s3+$0x0];
	[tilespmem:s0+$0xFFFFE010] =	vst v8;
	v10 =	vnsel vm0, $0x0, v10;
	vm0 =	vge.f32 v11, v5;
	(pc) =	sbr.rel @p0 .LBB2_47-.Ltmp27, $4  }
0x32b: {  	v8 =	vld [tilespmem:s3+$0xFFFFE010];
	[tilespmem:s0+$0x10] =	vst v10;
	v11 =	vnsel vm0, $0x0, v11;
	vm0 =	vge.f32 v12, v6  }
0x32c: {  	vm1 =	vge.f32 v14, v5;
	v10 =	vld [tilespmem:s3+$0x10];
	[tilespmem:s0+$0xFFFFE020] =	vst v11;
	v12 =	vnsel vm0, $0x0, v12  }
0x32d: {  	v14 =	vnsel vm1, $0x0, v14;
	v11 =	vld [tilespmem:s3+$0xFFFFE020];
	vm1 =	vge.f32 v13, v6;
	[tilespmem:s0+$0x20] =	vst v12;
	s0 =	smov.u32 s3  }
0x32e: {  	s14 =	sadd.s32 $0x40, s14;
	s3 =	sadd.s32 $0x40, s3;
	[tilespmem:s0+$0xFFFFDFF0] =	vst v14;
	vm0 =	vge.f32 v9, v5;
	v12 =	vld [tilespmem:s0+$0x20];
	v13 =	vnsel vm1, $0x0, v13  }
0x32f: {  	s2 =	sand.u32 $0x1FC0, s14  }
0x330: {  	v9 =	vnsel vm0, $0x0, v9;
	vm10 =	vge.f32 v7, v6;
	[tilespmem:s1+$0x2000] =	vst v13;
	v63 =	vld [tilespmem:s2+$0x2000]  }
0x331: {  	[tilespmem:s0+$0xFFFFE000] =	vst v9;
	v7 =	vnsel vm10, $0x0, v7;
	vm11 =	vge.f32 v8, v5  }
0x332: {  	[tilespmem:s0+$0x0] =	vst v7;
	v7 =	vnsel vm11, $0x0, v8;
	vm12 =	vge.f32 v10, v6  }
0x333: {  	[tilespmem:s0+$0xFFFFE010] =	vst v7;
	v7 =	vnsel vm12, $0x0, v10;
	vm13 =	vge.f32 v11, v5  }
0x334: {  	[tilespmem:s0+$0x10] =	vst v7;
	v5 =	vnsel vm13, $0x0, v11;
	vm14 =	vge.f32 v12, v6  }
0x335: {  	[tilespmem:s0+$0xFFFFE020] =	vst v5;
	v5 =	vnsel vm14, $0x0, v12;
	vm15 =	vge.f32 v63, v6  }
0x336: {  	[tilespmem:s0+$0x20] =	vst v5;
	v5 =	vnsel vm15, $0x0, v63  }
0x337: {  	s1 =	simm.s32 $0x1000;
	[tilespmem:s2+$0x2000] =	vst v5  }
0x338: {  	[hbm4b:s9+s12] =	stream.strided.scatter [tilespmem:s1], [sflag:$0x4], $0x1000, s13, s12, $0x38;
	[tilespmem:$0x8400] =	vst v63  }
0x339: {  	s2 =	simm.s32 $0x3000  }
0x33a: {  	[hbm4b:s10+s12] =	stream.strided.scatter [tilespmem:s2], [sflag:$0x4], $0x1000, s13, s12, $0x38;
	[tilespmem:$0x8400] =	vst v63  }
0x33b: {  	_ =	swait.ge [sflag:s25], $0x1000  }
0x33c: {  	[sflag:s25] =	ssyncset.done $0x0  }
0x33d: {  	[sflag:s25] =	ssyncadd.s32 $0xFFFFF000  }
0x33e: {  	_ =	swait.ge [sflag:s25], $0x1000  }
0x33f: {  	[sflag:s25] =	ssyncset.done $0x0  }
0x340: {  	s28 =	sadd.s32 $0x1, s28;
	[sflag:s25] =	ssyncadd.s32 $0xFFFFF000  }
0x341: {  	p0 =	sne.s32 s28, s11;
	_ =	swait.ge [sflag:s26], $0x1000  }
.Ltmp28:
0x342: {  	[sflag:s26] =	ssyncset.done $0x0;
	(pc) =	sbr.rel @p0 .LBB2_1-.Ltmp28, $4  }
.Ltmp29:
0x343: {  	[sflag:s26] =	ssyncadd.s32 $0xFFFFF000;
	(pc) =	sbr.rel @!p0 .LBB2_49-.Ltmp29, $4  }
0x344: {  	_ =	swait.ge [sflag:s26], $0x1000  }
0x345: {  	[sflag:s26] =	ssyncset.done $0x0  }
0x346: {  	[sflag:s26] =	ssyncadd.s32 $0xFFFFF000  }
0x347: {  	_ = 	snop  }
.LBB2_8:
.Ltmp30:
0x348: {  	(pc) =	sbr.rel .LBB2_15-.Ltmp30, $3  }
0x349: {  	_ =	sdelay $0x1  }
0x34a: {  	v11 =	vimm.s32 $0x0  }
0x34b: {  	v12 =	vimm.s32 $0x0;
	v10 =	vimm.s32 $0x0;
	v13 =	vimm.s32 $0x0  }
.LBB2_10:
.Ltmp31:
0x34c: {  	(pc) =	sbr.rel .LBB2_15-.Ltmp31, $3  }
0x34d: {  	_ =	sdelay $0x1  }
0x34e: {  	v11 =	vimm.s32 $0x0  }
0x34f: {  	s1 =	simm.s32 $0xF0;
	s0 =	simm.s32 $0xE0;
	v10 =	vimm.s32 $0x0;
	v13 =	vimm.s32 $0x0;
	v5 =	vmovc v12;
	v12 =	vimm.s32 $0x0  }
.LBB2_12:
.Ltmp32:
0x350: {  	(pc) =	sbr.rel .LBB2_15-.Ltmp32, $2  }
0x351: {  	_ =	sdelay $0x2  }
0x352: {  	s2 =	simm.s32 $0xF0;
	v11 =	vimm.s32 $0x0;
	v12 =	vimm.s32 $0x0;
	s0 =	simm.s32 $0xD0;
	v13 =	vimm.s32 $0x0  }
.LBB2_25:
.Ltmp33:
0x353: {  	(pc) =	sbr.rel .LBB2_38-.Ltmp33, $2  }
0x354: {  	_ =	sdelay $0x2  }
0x355: {  	_ = 	snop  }
.LBB2_33:
.Ltmp34:
0x356: {  	(pc) =	sbr.rel .LBB2_54-.Ltmp34, $2  }
0x357: {  	_ =	sdelay $0x2  }
0x358: {  	v19 =	vmov v18  }
.LBB2_35:
.Ltmp35:
0x359: {  	(pc) =	sbr.rel .LBB2_38-.Ltmp35, $2  }
0x35a: {  	_ =	sdelay $0x2  }
0x35b: {  	s14 =	simm.s32 $0x4040  }
.LBB2_51:
.Ltmp36:
0x35c: {  	(pc) =	sbr.rel .LBB2_54-.Ltmp36, $2  }
0x35d: {  	_ =	sdelay $0x2  }
0x35e: {  	v29 =	vmov v15;
	s16 =	simm.s32 $0x4040;
	v15 =	vmov v24;
	s2 =	simm.s32 $0x40;
	v27 =	vmov v21;
	s5 =	simm.s32 $0x0  }
.LBB2_49:
0x35f: {  	_ =	sfence.sel $0x180000  }
0x360: {  	[bflag:$0x0] =	sbarrier.arrive $0xFFFF  }
0x361: {  	_ =	strace $0x90000047  }
0x362: {  	s0 =	stileid.u32;
	[bflag:$0x2] =	sbarrier.arrive $0xFFFF  }
0x363: {  	p0 =	sne.s32 s0, $0x0;
	s0 =	rddreg [dreg:$0x2]  }
0x364: {  	s0 =	sadd.s32 @!p0 $0x100000, s0  }
0x365: {  	[sflag:s0] =	ssyncadd.tile.s32 @!p0 $0x1;
	_ =	shalt  }
.Lfunc_end2:
_tile_overlayer_lowered:
.L_overlay_start_2:
0x366: {  	(tag) =	ssettag $0x2  }
0x367: {  	s0 =	rddreg [dreg:$0x0];
	s2 =	stileid.u32  }
0x368: {  	s1 =	rddreg [dreg:$0x1];
	p0 =	sne.s32 s2, $0x0  }
0x369: {  	s3 =	rddreg [dreg:$0x2];
	[bflag:$0x3] =	sbarrier.arrive $0xFFFF;
	s2 =	simm.s32 @!p0 $0x1C05  }
0x36a: {  	[timem:s3], [sflag:s2] =	dma.local @!p0 [hbm:s0], s1  }
0x36b: {  	s0 =	simm.s32 @!p0 $0x5  }
0x36c: {  	_ =	swait.ge @!p0 [sflag:s0], s1  }
0x36d: {  	s1 =	ssub.s32 @!p0 $0x0, s1;
	[sflag:s0] =	ssyncset.done @!p0 $0x0  }
0x36e: {  	[sflag:s0] =	ssyncadd.s32 @!p0 s1  }
0x36f: {  	[bflag:$0x3] =	sbarrier.arrive $0xFFFF  }
0x370: {  	_ =	shalt  }

</sc_bundles>
